<compile_context>
chip_gen: v7x
topology: tpu7x:2x2x1
jax: 0.10.2.dev20260603
libtpu: 0.0.44.dev20260713+nightly
codegen_flags: <defaults>
</compile_context>

<pallas_src>
import jax
import jax.numpy as jnp
from jax import lax
from jax.experimental import pallas as pl
from jax.experimental.pallas import tpu as pltpu
from jax.experimental.pallas import tpu_sc as plsc

N = 10000
D = 128
H = 128
G = 64
E = 320000

NC = 2
NS = 16
NW = NC * NS
K = 128
CPW = 80
CPW0 = 120
CPW1 = 40
E_PAD = NW * K * CPW
NBUF = 2
N_ACC = 10240
RPT = N_ACC // NS
WD = 16

RB = 2000
NBLK = N // RB



def _copy_idx(flat_ref, off, dst_ref):
    for m in range(K // 16):
        dst_ref[pl.ds(m * 16, 16)] = flat_ref[pl.ds(off + m * 16, 16)]


def _sc_deg_body(dst_hbm, out_hbm, idx_f, d0, d1, ones_v, zb, acc, s0, s1):
    c = lax.axis_index("c")
    s = lax.axis_index("s")
    wid = c * NS + s
    idx_d = (d0, d1)
    ssem = (s0, s1)

    @pl.loop(0, K)
    def _fill(i):
        zb[i, :] = jnp.zeros((WD,), jnp.float32)
        ones_v[i, :] = jnp.ones((WD,), jnp.float32)

    pltpu.sync_copy(dst_hbm.at[pl.ds(wid * (CPW * K), CPW * K)], idx_f)

    @pl.loop(0, RPT // K)
    def _zero(j):
        pltpu.sync_copy(zb, acc.at[pl.ds(s * RPT + j * K, K)])

    plsc.subcore_barrier()

    @pl.loop(0, CPW, step=2)
    def _edges(q):
        for b in range(2):
            j = q + b

            @pl.when(j >= 2)
            def _prev():
                pltpu.make_async_copy(ones_v, acc.at[idx_d[b]],
                                      ssem[b]).wait()

            _copy_idx(idx_f, j * K, idx_d[b])
            pltpu.async_copy(ones_v, acc.at[idx_d[b]], ssem[b], add=True)

    for b in range(2):
        pltpu.make_async_copy(ones_v, acc.at[idx_d[b]], ssem[b]).wait()

    plsc.subcore_barrier()
    pltpu.sync_copy(acc.at[pl.ds(s * RPT, RPT)],
                    out_hbm.at[c, pl.ds(s * RPT, RPT)])


_sc_deg = pl.kernel(
    _sc_deg_body,
    out_type=jax.ShapeDtypeStruct((NC, N_ACC, WD), jnp.float32),
    mesh=plsc.VectorSubcoreMesh(core_axis_name="c", subcore_axis_name="s"),
    scratch_types=[
        pltpu.VMEM((CPW * K,), jnp.int32),
        pltpu.VMEM((K,), jnp.int32),
        pltpu.VMEM((K,), jnp.int32),
        pltpu.VMEM((K, WD), jnp.float32),
        pltpu.VMEM((K, WD), jnp.float32),
        pltpu.VMEM_SHARED((N_ACC, WD), jnp.float32),
        pltpu.SemaphoreType.DMA,
        pltpu.SemaphoreType.DMA,
    ],
)


def _sc_agg_body(g_hbm, src_hbm, dst_hbm, out_hbm, idx_sb, idx_db,
                 d0, d1, rows0, rows1, acc, gs0, gs1, ss0, ss1):
    c = lax.axis_index("c")
    s = lax.axis_index("s")
    idx_d = (d0, d1)
    rows = (rows0, rows1)
    gsem = (gs0, gs1)
    ssem = (ss0, ss1)
    cpw = jnp.where(c == 0, CPW0, CPW1)
    base = jnp.where(c == 0, s * CPW0, NS * CPW0 + s * CPW1) * K

    @pl.loop(0, K)
    def _fill(i):
        for j in range(H // 16):
            rows0[i, pl.ds(j * 16, 16)] = jnp.zeros((16,), jnp.float32)

    @pl.loop(0, RPT // K)
    def _zero(j):
        pltpu.sync_copy(rows0, acc.at[pl.ds(s * RPT + j * K, K)])

    pltpu.sync_copy(src_hbm.at[pl.ds(base, NBUF * K)], idx_sb)
    pltpu.sync_copy(dst_hbm.at[pl.ds(base, NBUF * K)], idx_db)
    for b in range(NBUF):
        pltpu.async_copy(g_hbm.at[idx_sb.at[pl.ds(b * K, K)]], rows[b],
                         gsem[b])

    plsc.subcore_barrier()

    @pl.loop(0, cpw, step=NBUF)
    def _edges(q):
        for b in range(NBUF):
            pltpu.make_async_copy(g_hbm.at[idx_sb.at[pl.ds(b * K, K)]],
                                  rows[b], gsem[b]).wait()
            _copy_idx(idx_db, b * K, idx_d[b])
            pltpu.async_copy(rows[b], acc.at[idx_d[b]], ssem[b], add=True)
        nbase = base + lax.rem(q + NBUF, cpw) * K
        pltpu.sync_copy(src_hbm.at[pl.ds(nbase, NBUF * K)], idx_sb)
        pltpu.sync_copy(dst_hbm.at[pl.ds(nbase, NBUF * K)], idx_db)
        for b in range(NBUF):
            pltpu.make_async_copy(rows[b], acc.at[idx_d[b]],
                                  ssem[b]).wait()
            pltpu.async_copy(g_hbm.at[idx_sb.at[pl.ds(b * K, K)]],
                             rows[b], gsem[b])

    for b in range(NBUF):
        pltpu.make_async_copy(g_hbm.at[idx_sb.at[pl.ds(b * K, K)]],
                              rows[b], gsem[b]).wait()

    plsc.subcore_barrier()
    pltpu.sync_copy(acc.at[pl.ds(s * RPT, RPT)],
                    out_hbm.at[c, pl.ds(s * RPT, RPT)])


_sc_agg = pl.kernel(
    _sc_agg_body,
    out_type=jax.ShapeDtypeStruct((NC, N_ACC, H), jnp.float32),
    mesh=plsc.VectorSubcoreMesh(core_axis_name="c", subcore_axis_name="s"),
    scratch_types=(
        [pltpu.VMEM((NBUF * K,), jnp.int32)] * 2
        + [pltpu.VMEM((K,), jnp.int32)] * NBUF
        + [pltpu.VMEM((K, H), jnp.float32)] * NBUF
        + [pltpu.VMEM_SHARED((N_ACC, H), jnp.float32)]
        + [pltpu.SemaphoreType.DMA] * (2 * NBUF)
    ),
)



def _tc_scale_body(x_ref, w1_ref, degp_ref, g1_ref, dinv_ref):
    deg = degp_ref[0, :, 0:1] + degp_ref[1, :, 0:1] + 1.0
    dinv = lax.rsqrt(deg)
    h1 = jnp.dot(x_ref[...], w1_ref[...], preferred_element_type=jnp.float32)
    g1_ref[...] = h1 * dinv
    dinv_ref[...] = dinv


_tc_scale = pl.pallas_call(
    _tc_scale_body,
    grid=(NBLK,),
    in_specs=[
        pl.BlockSpec((RB, D), lambda i: (i, 0)),
        pl.BlockSpec((D, H), lambda i: (0, 0)),
        pl.BlockSpec((NC, RB, WD), lambda i: (0, i, 0)),
    ],
    out_specs=[
        pl.BlockSpec((RB, H), lambda i: (i, 0)),
        pl.BlockSpec((RB, 1), lambda i: (i, 0)),
    ],
    out_shape=[
        jax.ShapeDtypeStruct((N, H), jnp.float32),
        jax.ShapeDtypeStruct((N, 1), jnp.float32),
    ],
)


def _tc_mid_body(aggp_ref, g_ref, dinv_ref, b_ref, w2_ref, gn_ref, out_ref):
    agg = aggp_ref[0] + aggp_ref[1] + g_ref[...]
    dinv = dinv_ref[...]
    outl = jnp.maximum(agg * dinv + b_ref[...], 0.0)
    out_ref[...] = outl
    h2 = jnp.dot(outl, w2_ref[...], preferred_element_type=jnp.float32)
    gn_ref[...] = h2 * dinv


_tc_mid = pl.pallas_call(
    _tc_mid_body,
    grid=(NBLK,),
    in_specs=[
        pl.BlockSpec((NC, RB, H), lambda i: (0, i, 0)),
        pl.BlockSpec((RB, H), lambda i: (i, 0)),
        pl.BlockSpec((RB, 1), lambda i: (i, 0)),
        pl.BlockSpec((1, H), lambda i: (0, 0)),
        pl.BlockSpec((H, H), lambda i: (0, 0)),
    ],
    out_specs=[
        pl.BlockSpec((RB, H), lambda i: (i, 0)),
        pl.BlockSpec((RB, H), lambda i: (i, 0)),
    ],
    out_shape=[
        jax.ShapeDtypeStruct((N, H), jnp.float32),
        jax.ShapeDtypeStruct((N, H), jnp.float32),
    ],
    input_output_aliases={1: 0},
)


def _tc_pool_body(out2_ref, batch_ref, wfc_ref, bfc_ref, out_ref,
                  s_acc, c_acc):
    i = pl.program_id(0)
    out2 = out2_ref[...]
    seg = (batch_ref[...] == lax.broadcasted_iota(jnp.int32, (RB, G), 1))
    seg = seg.astype(jnp.float32)
    part_s = lax.dot_general(seg, out2, (((0,), (0,)), ((), ())),
                             preferred_element_type=jnp.float32)
    ones = jnp.ones((RB, 1), jnp.float32)
    part_c = lax.dot_general(seg, ones, (((0,), (0,)), ((), ())),
                             preferred_element_type=jnp.float32)

    @pl.when(i == 0)
    def _():
        s_acc[...] = part_s
        c_acc[...] = part_c

    @pl.when(i > 0)
    def _():
        s_acc[...] += part_s
        c_acc[...] += part_c

    @pl.when(i == NBLK - 1)
    def _():
        pooled = s_acc[...] / jnp.maximum(c_acc[...], 1.0)
        out_ref[...] = (jnp.dot(pooled, wfc_ref[...],
                                preferred_element_type=jnp.float32)
                        + bfc_ref[...])


_tc_pool = pl.pallas_call(
    _tc_pool_body,
    grid=(NBLK,),
    in_specs=[
        pl.BlockSpec((RB, H), lambda i: (i, 0)),
        pl.BlockSpec((RB, 1), lambda i: (i, 0)),
        pl.BlockSpec((H, 1), lambda i: (0, 0)),
        pl.BlockSpec((1, 1), lambda i: (0, 0)),
    ],
    out_specs=pl.BlockSpec((G, 1), lambda i: (0, 0)),
    out_shape=jax.ShapeDtypeStruct((G, 1), jnp.float32),
    scratch_shapes=[
        pltpu.VMEM((G, H), jnp.float32),
        pltpu.VMEM((G, 1), jnp.float32),
    ],
)


def kernel(x, edge_index, batch, W1, b1, W2, b2, Wfc, bfc):
    pad = E_PAD - E
    srcp = jnp.concatenate([edge_index[0], jnp.zeros((pad,), jnp.int32)])
    dstp = jnp.concatenate([edge_index[1], jnp.full((pad,), N, jnp.int32)])

    degp = _sc_deg(dstp)
    g1, dinv = _tc_scale(x, W1, degp)

    agg1 = _sc_agg(g1, srcp, dstp)
    g2, _ = _tc_mid(agg1, g1, dinv, b1.reshape(1, H), W2)
    agg2 = _sc_agg(g2, srcp, dstp)
    _, out2 = _tc_mid(agg2, g2, dinv, b2.reshape(1, H), W2)

    out = _tc_pool(out2, batch.reshape(N, 1), Wfc, bfc.reshape(1, 1))
    return out.reshape(G)

# --- scband reference (transcript-rebuilt; emitter-appended) ---
"""Pipeline reference for scband-gcnpredictor-10488310137589 (READ-ONLY COPY).

The authoritative reference and input builder live on the scoring server;
editing this copy changes nothing except your own understanding.
"""

import jax, jax.numpy as jnp
import numpy as np

N = 10000
E = 320000
D = 128
H = 128
G = 64


def setup_inputs(seed: int = 0) -> dict:
    key = jax.random.key(seed)
    ks = jax.random.split(key, 10)
    x = jax.random.normal(ks[0], (N, D), dtype=jnp.float32)
    edge_index = jax.random.randint(ks[1], (2, E), 0, N, dtype=jnp.int32)
    batch = jnp.sort(jax.random.randint(ks[2], (N,), 0, G, dtype=jnp.int32))
    W1 = jax.random.normal(ks[3], (D, H), dtype=jnp.float32) * (1.0 / np.sqrt(D))
    b1 = jnp.zeros((H,), dtype=jnp.float32)
    W2 = jax.random.normal(ks[4], (H, H), dtype=jnp.float32) * (1.0 / np.sqrt(H))
    b2 = jnp.zeros((H,), dtype=jnp.float32)
    Wfc = jax.random.normal(ks[5], (H, 1), dtype=jnp.float32) * (1.0 / np.sqrt(H))
    bfc = jnp.zeros((1,), dtype=jnp.float32)
    return {"x": x, "edge_index": edge_index, "batch": batch, "W1": W1, "b1": b1, "W2": W2, "b2": b2, "Wfc": Wfc, "bfc": bfc}


def gcn_conv(x, edge_index, W, b):
    # torch_geometric GCNConv: add self-loops, symmetric normalization D^-1/2 (A+I) D^-1/2 (X W) + b
    n = x.shape[0]
    loop = jnp.arange(n, dtype=edge_index.dtype)
    src = jnp.concatenate([edge_index[0], loop])
    dst = jnp.concatenate([edge_index[1], loop])
    deg = jnp.zeros((n,), x.dtype).at[dst].add(1.0)
    dinv = jnp.where(deg > 0, jax.lax.rsqrt(jnp.maximum(deg, 1e-12)), 0.0)
    h = x @ W
    norm = (dinv[src] * dinv[dst])[:, None]
    msg = h[src] * norm
    out = jnp.zeros((n, h.shape[1]), h.dtype).at[dst].add(msg)
    return out + b


def reference(x, edge_index, batch, W1, b1, W2, b2, Wfc, bfc):
    h = jax.nn.relu(gcn_conv(x, edge_index, W1, b1))
    h = jax.nn.relu(gcn_conv(h, edge_index, W2, b2))
    s = jax.ops.segment_sum(h, batch, num_segments=G)
    cnt = jax.ops.segment_sum(jnp.ones((h.shape[0], 1), h.dtype), batch, num_segments=G)
    pooled = s / jnp.maximum(cnt, 1.0)
    out = pooled @ Wfc + bfc
    return out.squeeze()

if __name__ == "__main__":
    import jax
    _d = setup_inputs()
    print(jax.jit(kernel)(*tuple(_d.values())))

</pallas_src>

<mosaic_0001>
#map = affine_map<(d0, d1) -> (0, 0)>
#map1 = affine_map<(d0, d1) -> (0)>
#map2 = affine_map<(d0, d1) -> (0, 0, 0)>
module attributes {stable_mosaic.version = 14 : i64} {
  func.func @_sc_agg_body(%arg0: i32, %arg1: i32, %arg2: memref<10000x128xf32, #tpu.memory_space<hbm>>, %arg3: memref<327680xi32, #tpu.memory_space<hbm>>, %arg4: memref<327680xi32, #tpu.memory_space<hbm>>, %arg5: memref<2x10240x128xf32, #tpu.memory_space<hbm>>, %arg6: memref<256xi32, #tpu.memory_space<vmem>>, %arg7: memref<256xi32, #tpu.memory_space<vmem>>, %arg8: memref<128xi32, #tpu.memory_space<vmem>>, %arg9: memref<128xi32, #tpu.memory_space<vmem>>, %arg10: memref<128x128xf32, #tpu.memory_space<vmem>>, %arg11: memref<128x128xf32, #tpu.memory_space<vmem>>, %arg12: memref<10240x128xf32, #tpu.memory_space<vmem_shared>>, %arg13: memref<!tpu.dma_semaphore, #tpu.memory_space<semaphore_mem>>, %arg14: memref<!tpu.dma_semaphore, #tpu.memory_space<semaphore_mem>>, %arg15: memref<!tpu.dma_semaphore, #tpu.memory_space<semaphore_mem>>, %arg16: memref<!tpu.dma_semaphore, #tpu.memory_space<semaphore_mem>>) attributes {dimension_semantics = [#tpu.dimension_semantics<core_parallel>, #tpu.dimension_semantics<subcore_parallel>], iteration_bounds = array<i64: 2, 16>, scalar_prefetch = 0 : i64, scratch_operands = 11 : i64, tpu.core_type = #tpu.core_type<sc_vector_subcore>, window_params = [{transform_indices = #map}, {transform_indices = #map1}, {transform_indices = #map1}, {transform_indices = #map2}]} {
    %eq3A = arith.constant 0 : i32
    %eq3A_0 = arith.cmpi eq, %arg0, %eq3A : i32
    %jit3A = arith.constant 120 : i32
    %jit3A_1 = arith.constant 40 : i32
    %select_n3A = arith.select %eq3A_0, %jit3A, %jit3A_1 : i32
    %eq3A_2 = arith.constant 0 : i32
    %eq3A_3 = arith.cmpi eq, %arg0, %eq3A_2 : i32
    %mul3A = arith.constant 120 : i32
    %mul3A_4 = arith.muli %arg1, %mul3A : i32
    %mul3A_5 = arith.constant 40 : i32
    %mul3A_6 = arith.muli %arg1, %mul3A_5 : i32
    %add3A = arith.constant 1920 : i32
    %add3A_7 = arith.addi %add3A, %mul3A_6 : i32
    %select_n3A_8 = arith.select %eq3A_3, %mul3A_4, %add3A_7 : i32
    %mul3A_9 = arith.constant 128 : i32
    %mul3A_10 = arith.muli %select_n3A_8, %mul3A_9 : i32
    %scan3A = arith.constant 0 : i32
    %scan3A_11 = arith.constant 128 : i32
    %scan3A_12 = arith.addi %scan3A, %scan3A_11 : i32
    %scan3A_13 = arith.constant 1 : i32
    scf.for %scan3A_59 = %scan3A to %scan3A_12 step %scan3A_13  : i32 {
      %mul3A_60 = arith.constant 1 : i32
      %mul3A_61 = arith.muli %scan3A_59, %mul3A_60 : i32
      %add3A_62 = arith.constant 0 : i32
      %add3A_63 = arith.addi %add3A_62, %mul3A_61 : i32
      %broadcast_in_dim3A = arith.constant 0.000000e+00 : f32
      %broadcast_in_dim3A_64 = vector.broadcast %broadcast_in_dim3A : f32 to vector<16xf32>
      %swap3A = arith.index_cast %add3A_63 : i32 to index
      %swap3A_65 = arith.constant 0 : index
      %swap3A_66 = tpu.vector_load %arg10[%swap3A, %swap3A_65] {strides = array<i32>} : memref<128x128xf32, #tpu.memory_space<vmem>>, vector<1x16xf32>,
      %swap3A_67 = vector.shape_cast %swap3A_66 : vector<1x16xf32> to vector<16xf32>
      %swap3A_68 = vector.shape_cast %broadcast_in_dim3A_64 : vector<16xf32> to vector<1x16xf32>
      tpu.vector_store %arg10[%swap3A, %swap3A_65], %swap3A_68 {strides = array<i32>} : memref<128x128xf32, #tpu.memory_space<vmem>>, vector<1x16xf32>,
      %broadcast_in_dim3A_69 = arith.constant 0.000000e+00 : f32
      %broadcast_in_dim3A_70 = vector.broadcast %broadcast_in_dim3A_69 : f32 to vector<16xf32>
      %swap3A_71 = arith.index_cast %add3A_63 : i32 to index
      %swap3A_72 = arith.constant 16 : index
      %swap3A_73 = tpu.vector_load %arg10[%swap3A_71, %swap3A_72] {strides = array<i32>} : memref<128x128xf32, #tpu.memory_space<vmem>>, vector<1x16xf32>,
      %swap3A_74 = vector.shape_cast %swap3A_73 : vector<1x16xf32> to vector<16xf32>
      %swap3A_75 = vector.shape_cast %broadcast_in_dim3A_70 : vector<16xf32> to vector<1x16xf32>
      tpu.vector_store %arg10[%swap3A_71, %swap3A_72], %swap3A_75 {strides = array<i32>} : memref<128x128xf32, #tpu.memory_space<vmem>>, vector<1x16xf32>,
      %broadcast_in_dim3A_76 = arith.constant 0.000000e+00 : f32
      %broadcast_in_dim3A_77 = vector.broadcast %broadcast_in_dim3A_76 : f32 to vector<16xf32>
      %swap3A_78 = arith.index_cast %add3A_63 : i32 to index
      %swap3A_79 = arith.constant 32 : index
      %swap3A_80 = tpu.vector_load %arg10[%swap3A_78, %swap3A_79] {strides = array<i32>} : memref<128x128xf32, #tpu.memory_space<vmem>>, vector<1x16xf32>,
      %swap3A_81 = vector.shape_cast %swap3A_80 : vector<1x16xf32> to vector<16xf32>
      %swap3A_82 = vector.shape_cast %broadcast_in_dim3A_77 : vector<16xf32> to vector<1x16xf32>
      tpu.vector_store %arg10[%swap3A_78, %swap3A_79], %swap3A_82 {strides = array<i32>} : memref<128x128xf32, #tpu.memory_space<vmem>>, vector<1x16xf32>,
      %broadcast_in_dim3A_83 = arith.constant 0.000000e+00 : f32
      %broadcast_in_dim3A_84 = vector.broadcast %broadcast_in_dim3A_83 : f32 to vector<16xf32>
      %swap3A_85 = arith.index_cast %add3A_63 : i32 to index
      %swap3A_86 = arith.constant 48 : index
      %swap3A_87 = tpu.vector_load %arg10[%swap3A_85, %swap3A_86] {strides = array<i32>} : memref<128x128xf32, #tpu.memory_space<vmem>>, vector<1x16xf32>,
      %swap3A_88 = vector.shape_cast %swap3A_87 : vector<1x16xf32> to vector<16xf32>
      %swap3A_89 = vector.shape_cast %broadcast_in_dim3A_84 : vector<16xf32> to vector<1x16xf32>
      tpu.vector_store %arg10[%swap3A_85, %swap3A_86], %swap3A_89 {strides = array<i32>} : memref<128x128xf32, #tpu.memory_space<vmem>>, vector<1x16xf32>,
      %broadcast_in_dim3A_90 = arith.constant 0.000000e+00 : f32
      %broadcast_in_dim3A_91 = vector.broadcast %broadcast_in_dim3A_90 : f32 to vector<16xf32>
      %swap3A_92 = arith.index_cast %add3A_63 : i32 to index
      %swap3A_93 = arith.constant 64 : index
      %swap3A_94 = tpu.vector_load %arg10[%swap3A_92, %swap3A_93] {strides = array<i32>} : memref<128x128xf32, #tpu.memory_space<vmem>>, vector<1x16xf32>,
      %swap3A_95 = vector.shape_cast %swap3A_94 : vector<1x16xf32> to vector<16xf32>
      %swap3A_96 = vector.shape_cast %broadcast_in_dim3A_91 : vector<16xf32> to vector<1x16xf32>
      tpu.vector_store %arg10[%swap3A_92, %swap3A_93], %swap3A_96 {strides = array<i32>} : memref<128x128xf32, #tpu.memory_space<vmem>>, vector<1x16xf32>,
      %broadcast_in_dim3A_97 = arith.constant 0.000000e+00 : f32
      %broadcast_in_dim3A_98 = vector.broadcast %broadcast_in_dim3A_97 : f32 to vector<16xf32>
      %swap3A_99 = arith.index_cast %add3A_63 : i32 to index
      %swap3A_100 = arith.constant 80 : index
      %swap3A_101 = tpu.vector_load %arg10[%swap3A_99, %swap3A_100] {strides = array<i32>} : memref<128x128xf32, #tpu.memory_space<vmem>>, vector<1x16xf32>,
      %swap3A_102 = vector.shape_cast %swap3A_101 : vector<1x16xf32> to vector<16xf32>
      %swap3A_103 = vector.shape_cast %broadcast_in_dim3A_98 : vector<16xf32> to vector<1x16xf32>
      tpu.vector_store %arg10[%swap3A_99, %swap3A_100], %swap3A_103 {strides = array<i32>} : memref<128x128xf32, #tpu.memory_space<vmem>>, vector<1x16xf32>,
      %broadcast_in_dim3A_104 = arith.constant 0.000000e+00 : f32
      %broadcast_in_dim3A_105 = vector.broadcast %broadcast_in_dim3A_104 : f32 to vector<16xf32>
      %swap3A_106 = arith.index_cast %add3A_63 : i32 to index
      %swap3A_107 = arith.constant 96 : index
      %swap3A_108 = tpu.vector_load %arg10[%swap3A_106, %swap3A_107] {strides = array<i32>} : memref<128x128xf32, #tpu.memory_space<vmem>>, vector<1x16xf32>,
      %swap3A_109 = vector.shape_cast %swap3A_108 : vector<1x16xf32> to vector<16xf32>
      %swap3A_110 = vector.shape_cast %broadcast_in_dim3A_105 : vector<16xf32> to vector<1x16xf32>
      tpu.vector_store %arg10[%swap3A_106, %swap3A_107], %swap3A_110 {strides = array<i32>} : memref<128x128xf32, #tpu.memory_space<vmem>>, vector<1x16xf32>,
      %broadcast_in_dim3A_111 = arith.constant 0.000000e+00 : f32
      %broadcast_in_dim3A_112 = vector.broadcast %broadcast_in_dim3A_111 : f32 to vector<16xf32>
      %swap3A_113 = arith.index_cast %add3A_63 : i32 to index
      %swap3A_114 = arith.constant 112 : index
      %swap3A_115 = tpu.vector_load %arg10[%swap3A_113, %swap3A_114] {strides = array<i32>} : memref<128x128xf32, #tpu.memory_space<vmem>>, vector<1x16xf32>,
      %swap3A_116 = vector.shape_cast %swap3A_115 : vector<1x16xf32> to vector<16xf32>
      %swap3A_117 = vector.shape_cast %broadcast_in_dim3A_112 : vector<16xf32> to vector<1x16xf32>
      tpu.vector_store %arg10[%swap3A_113, %swap3A_114], %swap3A_117 {strides = array<i32>} : memref<128x128xf32, #tpu.memory_space<vmem>>, vector<1x16xf32>,
    }
    %scan3A_14 = arith.constant 128 : i32
    %scan3A_15 = arith.constant 0 : i32
    %scan3A_16 = arith.constant 5 : i32
    %scan3A_17 = arith.addi %scan3A_15, %scan3A_16 : i32
    %scan3A_18 = arith.constant 1 : i32
    scf.for %scan3A_59 = %scan3A_15 to %scan3A_17 step %scan3A_18  : i32 {
      %mul3A_60 = arith.constant 1 : i32
      %mul3A_61 = arith.muli %scan3A_59, %mul3A_60 : i32
      %add3A_62 = arith.constant 0 : i32
      %add3A_63 = arith.addi %add3A_62, %mul3A_61 : i32
      %mul3A_64 = arith.constant 640 : i32
      %mul3A_65 = arith.muli %arg1, %mul3A_64 : i32
      %mul3A_66 = arith.constant 128 : i32
      %mul3A_67 = arith.muli %add3A_63, %mul3A_66 : i32
      %add3A_68 = arith.addi %mul3A_65, %mul3A_67 : i32
      "tpu.region"() ({
        %run_scoped3A = tpu.sem_alloc : memref<!tpu.dma_semaphore, #tpu.memory_space<semaphore_mem>>
        %dma_start3A_69 = arith.constant 0 : i32
        %dma_start3A_70 = tpu.memref_slice %arg12[%add3A_68, %dma_start3A_69] : memref<10240x128xf32, #tpu.memory_space<vmem_shared>> -> memref<128x128xf32, #tpu.memory_space<vmem_shared>>
        %dma_start3A_71 = arith.constant 0 : i32
        %dma_start3A_72 = tpu.memref_slice %arg12[%add3A_68, %dma_start3A_71] : memref<10240x128xf32, #tpu.memory_space<vmem_shared>> -> memref<128x128xf32, #tpu.memory_space<vmem_shared>>
        tpu.enqueue_dma source(%arg10 : memref<128x128xf32, #tpu.memory_space<vmem>>) target(%dma_start3A_72 : memref<128x128xf32, #tpu.memory_space<vmem_shared>>) target_semaphore(%run_scoped3A : memref<!tpu.dma_semaphore, #tpu.memory_space<semaphore_mem>>)
        %dma_wait3A_73 = arith.constant 0 : i32
        %dma_wait3A_74 = tpu.memref_slice %arg12[%add3A_68, %dma_wait3A_73] : memref<10240x128xf32, #tpu.memory_space<vmem_shared>> -> memref<128x128xf32, #tpu.memory_space<vmem_shared>>
        %dma_wait3A_75 = arith.constant 0 : i32
        %dma_wait3A_76 = tpu.memref_slice %arg12[%add3A_68, %dma_wait3A_75] : memref<10240x128xf32, #tpu.memory_space<vmem_shared>> -> memref<128x128xf32, #tpu.memory_space<vmem_shared>>
        tpu.wait_dma2 semaphore(%run_scoped3A : memref<!tpu.dma_semaphore, #tpu.memory_space<semaphore_mem>>) src(%arg10 : memref<128x128xf32, #tpu.memory_space<vmem>>) dst(%dma_wait3A_76 : memref<128x128xf32, #tpu.memory_space<vmem_shared>>)
        tpu.yield
      }) : () -> ()
    }
    %scan3A_19 = arith.constant 5 : i32
    "tpu.region"() ({
      %run_scoped3A = tpu.sem_alloc : memref<!tpu.dma_semaphore, #tpu.memory_space<semaphore_mem>>
      %dma_start3A_59 = tpu.memref_slice %arg3[%mul3A_10] : memref<327680xi32, #tpu.memory_space<hbm>> -> memref<256xi32, #tpu.memory_space<hbm>>
      %dma_start3A_60 = tpu.memref_slice %arg3[%mul3A_10] : memref<327680xi32, #tpu.memory_space<hbm>> -> memref<256xi32, #tpu.memory_space<hbm>>
      tpu.enqueue_dma source(%dma_start3A_60 : memref<256xi32, #tpu.memory_space<hbm>>) target(%arg6 : memref<256xi32, #tpu.memory_space<vmem>>) target_semaphore(%run_scoped3A : memref<!tpu.dma_semaphore, #tpu.memory_space<semaphore_mem>>)
      %dma_wait3A_61 = tpu.memref_slice %arg3[%mul3A_10] : memref<327680xi32, #tpu.memory_space<hbm>> -> memref<256xi32, #tpu.memory_space<hbm>>
      %dma_wait3A_62 = tpu.memref_slice %arg3[%mul3A_10] : memref<327680xi32, #tpu.memory_space<hbm>> -> memref<256xi32, #tpu.memory_space<hbm>>
      tpu.wait_dma2 semaphore(%run_scoped3A : memref<!tpu.dma_semaphore, #tpu.memory_space<semaphore_mem>>) src(%dma_wait3A_62 : memref<256xi32, #tpu.memory_space<hbm>>) dst(%arg6 : memref<256xi32, #tpu.memory_space<vmem>>)
      tpu.yield
    }) : () -> ()
    "tpu.region"() ({
      %run_scoped3A = tpu.sem_alloc : memref<!tpu.dma_semaphore, #tpu.memory_space<semaphore_mem>>
      %dma_start3A_59 = tpu.memref_slice %arg4[%mul3A_10] : memref<327680xi32, #tpu.memory_space<hbm>> -> memref<256xi32, #tpu.memory_space<hbm>>
      %dma_start3A_60 = tpu.memref_slice %arg4[%mul3A_10] : memref<327680xi32, #tpu.memory_space<hbm>> -> memref<256xi32, #tpu.memory_space<hbm>>
      tpu.enqueue_dma source(%dma_start3A_60 : memref<256xi32, #tpu.memory_space<hbm>>) target(%arg7 : memref<256xi32, #tpu.memory_space<vmem>>) target_semaphore(%run_scoped3A : memref<!tpu.dma_semaphore, #tpu.memory_space<semaphore_mem>>)
      %dma_wait3A_61 = tpu.memref_slice %arg4[%mul3A_10] : memref<327680xi32, #tpu.memory_space<hbm>> -> memref<256xi32, #tpu.memory_space<hbm>>
      %dma_wait3A_62 = tpu.memref_slice %arg4[%mul3A_10] : memref<327680xi32, #tpu.memory_space<hbm>> -> memref<256xi32, #tpu.memory_space<hbm>>
      tpu.wait_dma2 semaphore(%run_scoped3A : memref<!tpu.dma_semaphore, #tpu.memory_space<semaphore_mem>>) src(%dma_wait3A_62 : memref<256xi32, #tpu.memory_space<hbm>>) dst(%arg7 : memref<256xi32, #tpu.memory_space<vmem>>)
      tpu.yield
    }) : () -> ()
    %dma_start3A = arith.constant 0 : i32
    %dma_start3A_20 = tpu.memref_slice %arg6[%dma_start3A] : memref<256xi32, #tpu.memory_space<vmem>> -> memref<128xi32, #tpu.memory_space<vmem>>
    %dma_start3A_21 = arith.constant 0 : i32
    %dma_start3A_22 = arith.constant 0 : i32
    %dma_start3A_23 = tpu.memref_slice %arg2[%dma_start3A_21, %dma_start3A_22] : memref<10000x128xf32, #tpu.memory_space<hbm>> -> memref<10000x128xf32, #tpu.memory_space<hbm>>
    tpu.enqueue_indirect_dma source(%dma_start3A_23 : memref<10000x128xf32, #tpu.memory_space<hbm>>) target(%arg10 : memref<128x128xf32, #tpu.memory_space<vmem>>) offsets(%dma_start3A_20 : memref<128xi32, #tpu.memory_space<vmem>>) semaphore(%arg13 : memref<!tpu.dma_semaphore, #tpu.memory_space<semaphore_mem>>)
    %dma_start3A_24 = arith.constant 128 : i32
    %dma_start3A_25 = tpu.memref_slice %arg6[%dma_start3A_24] : memref<256xi32, #tpu.memory_space<vmem>> -> memref<128xi32, #tpu.memory_space<vmem>>
    %dma_start3A_26 = arith.constant 0 : i32
    %dma_start3A_27 = arith.constant 0 : i32
    %dma_start3A_28 = tpu.memref_slice %arg2[%dma_start3A_26, %dma_start3A_27] : memref<10000x128xf32, #tpu.memory_space<hbm>> -> memref<10000x128xf32, #tpu.memory_space<hbm>>
    tpu.enqueue_indirect_dma source(%dma_start3A_28 : memref<10000x128xf32, #tpu.memory_space<hbm>>) target(%arg11 : memref<128x128xf32, #tpu.memory_space<vmem>>) offsets(%dma_start3A_25 : memref<128xi32, #tpu.memory_space<vmem>>) semaphore(%arg14 : memref<!tpu.dma_semaphore, #tpu.memory_space<semaphore_mem>>)
    %barrier3A = arith.constant 0 : index
    tpu.barrier barrier_id(%barrier3A)
    %sub3A = arith.constant 0 : i32
    %sub3A_29 = arith.subi %select_n3A, %sub3A : i32
    %sub3A_30 = arith.constant 2 : i32
    %sub3A_31 = arith.constant 1 : i32
    %sub3A_32 = arith.subi %sub3A_30, %sub3A_31 : i32
    %add3A_33 = arith.addi %sub3A_29, %sub3A_32 : i32
    %div3A = arith.constant 2 : i32
    %div3A_34 = arith.divsi %add3A_33, %div3A : i32
    %while3A = arith.constant 2 : i32
    %while3A_35 = arith.constant 0 : i32
    %while3A_36 = arith.constant 0 : i32
    %while3A_37 = arith.subi %div3A_34, %while3A_36 : i32
    %while3A_38 = arith.addi %while3A_36, %while3A_37 : i32
    %while3A_39 = arith.constant 1 : i32
    %while3A_40 = arith.divsi %while3A_37, %while3A_39 : i32
    %while3A_41 = arith.muli %while3A_40, %while3A_39 : i32
    %while3A_42 = arith.addi %while3A_36, %while3A_41 : i32
    %while3A_43 = arith.constant 1 : i32
    scf.for %while3A_59 = %while3A_36 to %while3A_42 step %while3A_43  : i32 {
      %mul3A_60 = arith.muli %while3A_59, %while3A : i32
      %add3A_61 = arith.addi %while3A_35, %mul3A_60 : i32
      %dma_wait3A_62 = arith.constant 0 : i32
      %dma_wait3A_63 = tpu.memref_slice %arg6[%dma_wait3A_62] : memref<256xi32, #tpu.memory_space<vmem>> -> memref<128xi32, #tpu.memory_space<vmem>>
      %dma_wait3A_64 = arith.constant 0 : i32
      %dma_wait3A_65 = arith.constant 0 : i32
      %dma_wait3A_66 = tpu.memref_slice %arg2[%dma_wait3A_64, %dma_wait3A_65] : memref<10000x128xf32, #tpu.memory_space<hbm>> -> memref<10000x128xf32, #tpu.memory_space<hbm>>
      tpu.wait_indirect_dma semaphore(%arg13 : memref<!tpu.dma_semaphore, #tpu.memory_space<semaphore_mem>>) src(%dma_wait3A_66 : memref<10000x128xf32, #tpu.memory_space<hbm>>) dst(%arg10 : memref<128x128xf32, #tpu.memory_space<vmem>>)
      %get3A = arith.constant 0 : index
      %get3A_67 = tpu.vector_load %arg7[%get3A] {strides = array<i32>} : memref<256xi32, #tpu.memory_space<vmem>>, vector<16xi32>,
      %get3A_68 = vector.shape_cast %get3A_67 : vector<16xi32> to vector<16xi32>
      %swap3A = arith.constant 0 : index
      %swap3A_69 = tpu.vector_load %arg8[%swap3A] {strides = array<i32>} : memref<128xi32, #tpu.memory_space<vmem>>, vector<16xi32>,
      %swap3A_70 = vector.shape_cast %swap3A_69 : vector<16xi32> to vector<16xi32>
      %swap3A_71 = vector.shape_cast %get3A_68 : vector<16xi32> to vector<16xi32>
      tpu.vector_store %arg8[%swap3A], %swap3A_71 {strides = array<i32>} : memref<128xi32, #tpu.memory_space<vmem>>, vector<16xi32>,
      %get3A_72 = arith.constant 16 : index
      %get3A_73 = tpu.vector_load %arg7[%get3A_72] {strides = array<i32>} : memref<256xi32, #tpu.memory_space<vmem>>, vector<16xi32>,
      %get3A_74 = vector.shape_cast %get3A_73 : vector<16xi32> to vector<16xi32>
      %swap3A_75 = arith.constant 16 : index
      %swap3A_76 = tpu.vector_load %arg8[%swap3A_75] {strides = array<i32>} : memref<128xi32, #tpu.memory_space<vmem>>, vector<16xi32>,
      %swap3A_77 = vector.shape_cast %swap3A_76 : vector<16xi32> to vector<16xi32>
      %swap3A_78 = vector.shape_cast %get3A_74 : vector<16xi32> to vector<16xi32>
      tpu.vector_store %arg8[%swap3A_75], %swap3A_78 {strides = array<i32>} : memref<128xi32, #tpu.memory_space<vmem>>, vector<16xi32>,
      %get3A_79 = arith.constant 32 : index
      %get3A_80 = tpu.vector_load %arg7[%get3A_79] {strides = array<i32>} : memref<256xi32, #tpu.memory_space<vmem>>, vector<16xi32>,
      %get3A_81 = vector.shape_cast %get3A_80 : vector<16xi32> to vector<16xi32>
      %swap3A_82 = arith.constant 32 : index
      %swap3A_83 = tpu.vector_load %arg8[%swap3A_82] {strides = array<i32>} : memref<128xi32, #tpu.memory_space<vmem>>, vector<16xi32>,
      %swap3A_84 = vector.shape_cast %swap3A_83 : vector<16xi32> to vector<16xi32>
      %swap3A_85 = vector.shape_cast %get3A_81 : vector<16xi32> to vector<16xi32>
      tpu.vector_store %arg8[%swap3A_82], %swap3A_85 {strides = array<i32>} : memref<128xi32, #tpu.memory_space<vmem>>, vector<16xi32>,
      %get3A_86 = arith.constant 48 : index
      %get3A_87 = tpu.vector_load %arg7[%get3A_86] {strides = array<i32>} : memref<256xi32, #tpu.memory_space<vmem>>, vector<16xi32>,
      %get3A_88 = vector.shape_cast %get3A_87 : vector<16xi32> to vector<16xi32>
      %swap3A_89 = arith.constant 48 : index
      %swap3A_90 = tpu.vector_load %arg8[%swap3A_89] {strides = array<i32>} : memref<128xi32, #tpu.memory_space<vmem>>, vector<16xi32>,
      %swap3A_91 = vector.shape_cast %swap3A_90 : vector<16xi32> to vector<16xi32>
      %swap3A_92 = vector.shape_cast %get3A_88 : vector<16xi32> to vector<16xi32>
      tpu.vector_store %arg8[%swap3A_89], %swap3A_92 {strides = array<i32>} : memref<128xi32, #tpu.memory_space<vmem>>, vector<16xi32>,
      %get3A_93 = arith.constant 64 : index
      %get3A_94 = tpu.vector_load %arg7[%get3A_93] {strides = array<i32>} : memref<256xi32, #tpu.memory_space<vmem>>, vector<16xi32>,
      %get3A_95 = vector.shape_cast %get3A_94 : vector<16xi32> to vector<16xi32>
      %swap3A_96 = arith.constant 64 : index
      %swap3A_97 = tpu.vector_load %arg8[%swap3A_96] {strides = array<i32>} : memref<128xi32, #tpu.memory_space<vmem>>, vector<16xi32>,
      %swap3A_98 = vector.shape_cast %swap3A_97 : vector<16xi32> to vector<16xi32>
      %swap3A_99 = vector.shape_cast %get3A_95 : vector<16xi32> to vector<16xi32>
      tpu.vector_store %arg8[%swap3A_96], %swap3A_99 {strides = array<i32>} : memref<128xi32, #tpu.memory_space<vmem>>, vector<16xi32>,
      %get3A_100 = arith.constant 80 : index
      %get3A_101 = tpu.vector_load %arg7[%get3A_100] {strides = array<i32>} : memref<256xi32, #tpu.memory_space<vmem>>, vector<16xi32>,
      %get3A_102 = vector.shape_cast %get3A_101 : vector<16xi32> to vector<16xi32>
      %swap3A_103 = arith.constant 80 : index
      %swap3A_104 = tpu.vector_load %arg8[%swap3A_103] {strides = array<i32>} : memref<128xi32, #tpu.memory_space<vmem>>, vector<16xi32>,
      %swap3A_105 = vector.shape_cast %swap3A_104 : vector<16xi32> to vector<16xi32>
      %swap3A_106 = vector.shape_cast %get3A_102 : vector<16xi32> to vector<16xi32>
      tpu.vector_store %arg8[%swap3A_103], %swap3A_106 {strides = array<i32>} : memref<128xi32, #tpu.memory_space<vmem>>, vector<16xi32>,
      %get3A_107 = arith.constant 96 : index
      %get3A_108 = tpu.vector_load %arg7[%get3A_107] {strides = array<i32>} : memref<256xi32, #tpu.memory_space<vmem>>, vector<16xi32>,
      %get3A_109 = vector.shape_cast %get3A_108 : vector<16xi32> to vector<16xi32>
      %swap3A_110 = arith.constant 96 : index
      %swap3A_111 = tpu.vector_load %arg8[%swap3A_110] {strides = array<i32>} : memref<128xi32, #tpu.memory_space<vmem>>, vector<16xi32>,
      %swap3A_112 = vector.shape_cast %swap3A_111 : vector<16xi32> to vector<16xi32>
      %swap3A_113 = vector.shape_cast %get3A_109 : vector<16xi32> to vector<16xi32>
      tpu.vector_store %arg8[%swap3A_110], %swap3A_113 {strides = array<i32>} : memref<128xi32, #tpu.memory_space<vmem>>, vector<16xi32>,
      %get3A_114 = arith.constant 112 : index
      %get3A_115 = tpu.vector_load %arg7[%get3A_114] {strides = array<i32>} : memref<256xi32, #tpu.memory_space<vmem>>, vector<16xi32>,
      %get3A_116 = vector.shape_cast %get3A_115 : vector<16xi32> to vector<16xi32>
      %swap3A_117 = arith.constant 112 : index
      %swap3A_118 = tpu.vector_load %arg8[%swap3A_117] {strides = array<i32>} : memref<128xi32, #tpu.memory_space<vmem>>, vector<16xi32>,
      %swap3A_119 = vector.shape_cast %swap3A_118 : vector<16xi32> to vector<16xi32>
      %swap3A_120 = vector.shape_cast %get3A_116 : vector<16xi32> to vector<16xi32>
      tpu.vector_store %arg8[%swap3A_117], %swap3A_120 {strides = array<i32>} : memref<128xi32, #tpu.memory_space<vmem>>, vector<16xi32>,
      %dma_start3A_121 = arith.constant 0 : i32
      %dma_start3A_122 = arith.constant 0 : i32
      %dma_start3A_123 = tpu.memref_slice %arg12[%dma_start3A_121, %dma_start3A_122] : memref<10240x128xf32, #tpu.memory_space<vmem_shared>> -> memref<10240x128xf32, #tpu.memory_space<vmem_shared>>
      tpu.enqueue_indirect_dma source(%arg10 : memref<128x128xf32, #tpu.memory_space<vmem>>) target(%dma_start3A_123 : memref<10240x128xf32, #tpu.memory_space<vmem_shared>>) offsets(%arg8 : memref<128xi32, #tpu.memory_space<vmem>>) semaphore(%arg15 : memref<!tpu.dma_semaphore, #tpu.memory_space<semaphore_mem>>) {add = true}
      %dma_wait3A_124 = arith.constant 128 : i32
      %dma_wait3A_125 = tpu.memref_slice %arg6[%dma_wait3A_124] : memref<256xi32, #tpu.memory_space<vmem>> -> memref<128xi32, #tpu.memory_space<vmem>>
      %dma_wait3A_126 = arith.constant 0 : i32
      %dma_wait3A_127 = arith.constant 0 : i32
      %dma_wait3A_128 = tpu.memref_slice %arg2[%dma_wait3A_126, %dma_wait3A_127] : memref<10000x128xf32, #tpu.memory_space<hbm>> -> memref<10000x128xf32, #tpu.memory_space<hbm>>
      tpu.wait_indirect_dma semaphore(%arg14 : memref<!tpu.dma_semaphore, #tpu.memory_space<semaphore_mem>>) src(%dma_wait3A_128 : memref<10000x128xf32, #tpu.memory_space<hbm>>) dst(%arg11 : memref<128x128xf32, #tpu.memory_space<vmem>>)
      %get3A_129 = arith.constant 128 : index
      %get3A_130 = tpu.vector_load %arg7[%get3A_129] {strides = array<i32>} : memref<256xi32, #tpu.memory_space<vmem>>, vector<16xi32>,
      %get3A_131 = vector.shape_cast %get3A_130 : vector<16xi32> to vector<16xi32>
      %swap3A_132 = arith.constant 0 : index
      %swap3A_133 = tpu.vector_load %arg9[%swap3A_132] {strides = array<i32>} : memref<128xi32, #tpu.memory_space<vmem>>, vector<16xi32>,
      %swap3A_134 = vector.shape_cast %swap3A_133 : vector<16xi32> to vector<16xi32>
      %swap3A_135 = vector.shape_cast %get3A_131 : vector<16xi32> to vector<16xi32>
      tpu.vector_store %arg9[%swap3A_132], %swap3A_135 {strides = array<i32>} : memref<128xi32, #tpu.memory_space<vmem>>, vector<16xi32>,
      %get3A_136 = arith.constant 144 : index
      %get3A_137 = tpu.vector_load %arg7[%get3A_136] {strides = array<i32>} : memref<256xi32, #tpu.memory_space<vmem>>, vector<16xi32>,
      %get3A_138 = vector.shape_cast %get3A_137 : vector<16xi32> to vector<16xi32>
      %swap3A_139 = arith.constant 16 : index
      %swap3A_140 = tpu.vector_load %arg9[%swap3A_139] {strides = array<i32>} : memref<128xi32, #tpu.memory_space<vmem>>, vector<16xi32>,
      %swap3A_141 = vector.shape_cast %swap3A_140 : vector<16xi32> to vector<16xi32>
      %swap3A_142 = vector.shape_cast %get3A_138 : vector<16xi32> to vector<16xi32>
      tpu.vector_store %arg9[%swap3A_139], %swap3A_142 {strides = array<i32>} : memref<128xi32, #tpu.memory_space<vmem>>, vector<16xi32>,
      %get3A_143 = arith.constant 160 : index
      %get3A_144 = tpu.vector_load %arg7[%get3A_143] {strides = array<i32>} : memref<256xi32, #tpu.memory_space<vmem>>, vector<16xi32>,
      %get3A_145 = vector.shape_cast %get3A_144 : vector<16xi32> to vector<16xi32>
      %swap3A_146 = arith.constant 32 : index
      %swap3A_147 = tpu.vector_load %arg9[%swap3A_146] {strides = array<i32>} : memref<128xi32, #tpu.memory_space<vmem>>, vector<16xi32>,
      %swap3A_148 = vector.shape_cast %swap3A_147 : vector<16xi32> to vector<16xi32>
      %swap3A_149 = vector.shape_cast %get3A_145 : vector<16xi32> to vector<16xi32>
      tpu.vector_store %arg9[%swap3A_146], %swap3A_149 {strides = array<i32>} : memref<128xi32, #tpu.memory_space<vmem>>, vector<16xi32>,
      %get3A_150 = arith.constant 176 : index
      %get3A_151 = tpu.vector_load %arg7[%get3A_150] {strides = array<i32>} : memref<256xi32, #tpu.memory_space<vmem>>, vector<16xi32>,
      %get3A_152 = vector.shape_cast %get3A_151 : vector<16xi32> to vector<16xi32>
      %swap3A_153 = arith.constant 48 : index
      %swap3A_154 = tpu.vector_load %arg9[%swap3A_153] {strides = array<i32>} : memref<128xi32, #tpu.memory_space<vmem>>, vector<16xi32>,
      %swap3A_155 = vector.shape_cast %swap3A_154 : vector<16xi32> to vector<16xi32>
      %swap3A_156 = vector.shape_cast %get3A_152 : vector<16xi32> to vector<16xi32>
      tpu.vector_store %arg9[%swap3A_153], %swap3A_156 {strides = array<i32>} : memref<128xi32, #tpu.memory_space<vmem>>, vector<16xi32>,
      %get3A_157 = arith.constant 192 : index
      %get3A_158 = tpu.vector_load %arg7[%get3A_157] {strides = array<i32>} : memref<256xi32, #tpu.memory_space<vmem>>, vector<16xi32>,
      %get3A_159 = vector.shape_cast %get3A_158 : vector<16xi32> to vector<16xi32>
      %swap3A_160 = arith.constant 64 : index
      %swap3A_161 = tpu.vector_load %arg9[%swap3A_160] {strides = array<i32>} : memref<128xi32, #tpu.memory_space<vmem>>, vector<16xi32>,
      %swap3A_162 = vector.shape_cast %swap3A_161 : vector<16xi32> to vector<16xi32>
      %swap3A_163 = vector.shape_cast %get3A_159 : vector<16xi32> to vector<16xi32>
      tpu.vector_store %arg9[%swap3A_160], %swap3A_163 {strides = array<i32>} : memref<128xi32, #tpu.memory_space<vmem>>, vector<16xi32>,
      %get3A_164 = arith.constant 208 : index
      %get3A_165 = tpu.vector_load %arg7[%get3A_164] {strides = array<i32>} : memref<256xi32, #tpu.memory_space<vmem>>, vector<16xi32>,
      %get3A_166 = vector.shape_cast %get3A_165 : vector<16xi32> to vector<16xi32>
      %swap3A_167 = arith.constant 80 : index
      %swap3A_168 = tpu.vector_load %arg9[%swap3A_167] {strides = array<i32>} : memref<128xi32, #tpu.memory_space<vmem>>, vector<16xi32>,
      %swap3A_169 = vector.shape_cast %swap3A_168 : vector<16xi32> to vector<16xi32>
      %swap3A_170 = vector.shape_cast %get3A_166 : vector<16xi32> to vector<16xi32>
      tpu.vector_store %arg9[%swap3A_167], %swap3A_170 {strides = array<i32>} : memref<128xi32, #tpu.memory_space<vmem>>, vector<16xi32>,
      %get3A_171 = arith.constant 224 : index
      %get3A_172 = tpu.vector_load %arg7[%get3A_171] {strides = array<i32>} : memref<256xi32, #tpu.memory_space<vmem>>, vector<16xi32>,
      %get3A_173 = vector.shape_cast %get3A_172 : vector<16xi32> to vector<16xi32>
      %swap3A_174 = arith.constant 96 : index
      %swap3A_175 = tpu.vector_load %arg9[%swap3A_174] {strides = array<i32>} : memref<128xi32, #tpu.memory_space<vmem>>, vector<16xi32>,
      %swap3A_176 = vector.shape_cast %swap3A_175 : vector<16xi32> to vector<16xi32>
      %swap3A_177 = vector.shape_cast %get3A_173 : vector<16xi32> to vector<16xi32>
      tpu.vector_store %arg9[%swap3A_174], %swap3A_177 {strides = array<i32>} : memref<128xi32, #tpu.memory_space<vmem>>, vector<16xi32>,
      %get3A_178 = arith.constant 240 : index
      %get3A_179 = tpu.vector_load %arg7[%get3A_178] {strides = array<i32>} : memref<256xi32, #tpu.memory_space<vmem>>, vector<16xi32>,
      %get3A_180 = vector.shape_cast %get3A_179 : vector<16xi32> to vector<16xi32>
      %swap3A_181 = arith.constant 112 : index
      %swap3A_182 = tpu.vector_load %arg9[%swap3A_181] {strides = array<i32>} : memref<128xi32, #tpu.memory_space<vmem>>, vector<16xi32>,
      %swap3A_183 = vector.shape_cast %swap3A_182 : vector<16xi32> to vector<16xi32>
      %swap3A_184 = vector.shape_cast %get3A_180 : vector<16xi32> to vector<16xi32>
      tpu.vector_store %arg9[%swap3A_181], %swap3A_184 {strides = array<i32>} : memref<128xi32, #tpu.memory_space<vmem>>, vector<16xi32>,
      %dma_start3A_185 = arith.constant 0 : i32
      %dma_start3A_186 = arith.constant 0 : i32
      %dma_start3A_187 = tpu.memref_slice %arg12[%dma_start3A_185, %dma_start3A_186] : memref<10240x128xf32, #tpu.memory_space<vmem_shared>> -> memref<10240x128xf32, #tpu.memory_space<vmem_shared>>
      tpu.enqueue_indirect_dma source(%arg11 : memref<128x128xf32, #tpu.memory_space<vmem>>) target(%dma_start3A_187 : memref<10240x128xf32, #tpu.memory_space<vmem_shared>>) offsets(%arg9 : memref<128xi32, #tpu.memory_space<vmem>>) semaphore(%arg16 : memref<!tpu.dma_semaphore, #tpu.memory_space<semaphore_mem>>) {add = true}
      %add3A_188 = arith.constant 2 : i32
      %add3A_189 = arith.addi %add3A_61, %add3A_188 : i32
      %rem3A = arith.remsi %add3A_189, %select_n3A : i32
      %mul3A_190 = arith.constant 128 : i32
      %mul3A_191 = arith.muli %rem3A, %mul3A_190 : i32
      %add3A_192 = arith.addi %mul3A_10, %mul3A_191 : i32
      "tpu.region"() ({
        %run_scoped3A = tpu.sem_alloc : memref<!tpu.dma_semaphore, #tpu.memory_space<semaphore_mem>>
        %dma_start3A_209 = tpu.memref_slice %arg3[%add3A_192] : memref<327680xi32, #tpu.memory_space<hbm>> -> memref<256xi32, #tpu.memory_space<hbm>>
        %dma_start3A_210 = tpu.memref_slice %arg3[%add3A_192] : memref<327680xi32, #tpu.memory_space<hbm>> -> memref<256xi32, #tpu.memory_space<hbm>>
        tpu.enqueue_dma source(%dma_start3A_210 : memref<256xi32, #tpu.memory_space<hbm>>) target(%arg6 : memref<256xi32, #tpu.memory_space<vmem>>) target_semaphore(%run_scoped3A : memref<!tpu.dma_semaphore, #tpu.memory_space<semaphore_mem>>)
        %dma_wait3A_211 = tpu.memref_slice %arg3[%add3A_192] : memref<327680xi32, #tpu.memory_space<hbm>> -> memref<256xi32, #tpu.memory_space<hbm>>
        %dma_wait3A_212 = tpu.memref_slice %arg3[%add3A_192] : memref<327680xi32, #tpu.memory_space<hbm>> -> memref<256xi32, #tpu.memory_space<hbm>>
        tpu.wait_dma2 semaphore(%run_scoped3A : memref<!tpu.dma_semaphore, #tpu.memory_space<semaphore_mem>>) src(%dma_wait3A_212 : memref<256xi32, #tpu.memory_space<hbm>>) dst(%arg6 : memref<256xi32, #tpu.memory_space<vmem>>)
        tpu.yield
      }) : () -> ()
      "tpu.region"() ({
        %run_scoped3A = tpu.sem_alloc : memref<!tpu.dma_semaphore, #tpu.memory_space<semaphore_mem>>
        %dma_start3A_209 = tpu.memref_slice %arg4[%add3A_192] : memref<327680xi32, #tpu.memory_space<hbm>> -> memref<256xi32, #tpu.memory_space<hbm>>
        %dma_start3A_210 = tpu.memref_slice %arg4[%add3A_192] : memref<327680xi32, #tpu.memory_space<hbm>> -> memref<256xi32, #tpu.memory_space<hbm>>
        tpu.enqueue_dma source(%dma_start3A_210 : memref<256xi32, #tpu.memory_space<hbm>>) target(%arg7 : memref<256xi32, #tpu.memory_space<vmem>>) target_semaphore(%run_scoped3A : memref<!tpu.dma_semaphore, #tpu.memory_space<semaphore_mem>>)
        %dma_wait3A_211 = tpu.memref_slice %arg4[%add3A_192] : memref<327680xi32, #tpu.memory_space<hbm>> -> memref<256xi32, #tpu.memory_space<hbm>>
        %dma_wait3A_212 = tpu.memref_slice %arg4[%add3A_192] : memref<327680xi32, #tpu.memory_space<hbm>> -> memref<256xi32, #tpu.memory_space<hbm>>
        tpu.wait_dma2 semaphore(%run_scoped3A : memref<!tpu.dma_semaphore, #tpu.memory_space<semaphore_mem>>) src(%dma_wait3A_212 : memref<256xi32, #tpu.memory_space<hbm>>) dst(%arg7 : memref<256xi32, #tpu.memory_space<vmem>>)
        tpu.yield
      }) : () -> ()
      %dma_wait3A_193 = arith.constant 0 : i32
      %dma_wait3A_194 = arith.constant 0 : i32
      %dma_wait3A_195 = tpu.memref_slice %arg12[%dma_wait3A_193, %dma_wait3A_194] : memref<10240x128xf32, #tpu.memory_space<vmem_shared>> -> memref<10240x128xf32, #tpu.memory_space<vmem_shared>>
      tpu.wait_indirect_dma semaphore(%arg15 : memref<!tpu.dma_semaphore, #tpu.memory_space<semaphore_mem>>) src(%arg10 : memref<128x128xf32, #tpu.memory_space<vmem>>) dst(%dma_wait3A_195 : memref<10240x128xf32, #tpu.memory_space<vmem_shared>>)
      %dma_start3A_196 = arith.constant 0 : i32
      %dma_start3A_197 = tpu.memref_slice %arg6[%dma_start3A_196] : memref<256xi32, #tpu.memory_space<vmem>> -> memref<128xi32, #tpu.memory_space<vmem>>
      %dma_start3A_198 = arith.constant 0 : i32
      %dma_start3A_199 = arith.constant 0 : i32
      %dma_start3A_200 = tpu.memref_slice %arg2[%dma_start3A_198, %dma_start3A_199] : memref<10000x128xf32, #tpu.memory_space<hbm>> -> memref<10000x128xf32, #tpu.memory_space<hbm>>
      tpu.enqueue_indirect_dma source(%dma_start3A_200 : memref<10000x128xf32, #tpu.memory_space<hbm>>) target(%arg10 : memref<128x128xf32, #tpu.memory_space<vmem>>) offsets(%dma_start3A_197 : memref<128xi32, #tpu.memory_space<vmem>>) semaphore(%arg13 : memref<!tpu.dma_semaphore, #tpu.memory_space<semaphore_mem>>)
      %dma_wait3A_201 = arith.constant 0 : i32
      %dma_wait3A_202 = arith.constant 0 : i32
      %dma_wait3A_203 = tpu.memref_slice %arg12[%dma_wait3A_201, %dma_wait3A_202] : memref<10240x128xf32, #tpu.memory_space<vmem_shared>> -> memref<10240x128xf32, #tpu.memory_space<vmem_shared>>
      tpu.wait_indirect_dma semaphore(%arg16 : memref<!tpu.dma_semaphore, #tpu.memory_space<semaphore_mem>>) src(%arg11 : memref<128x128xf32, #tpu.memory_space<vmem>>) dst(%dma_wait3A_203 : memref<10240x128xf32, #tpu.memory_space<vmem_shared>>)
      %dma_start3A_204 = arith.constant 128 : i32
      %dma_start3A_205 = tpu.memref_slice %arg6[%dma_start3A_204] : memref<256xi32, #tpu.memory_space<vmem>> -> memref<128xi32, #tpu.memory_space<vmem>>
      %dma_start3A_206 = arith.constant 0 : i32
      %dma_start3A_207 = arith.constant 0 : i32
      %dma_start3A_208 = tpu.memref_slice %arg2[%dma_start3A_206, %dma_start3A_207] : memref<10000x128xf32, #tpu.memory_space<hbm>> -> memref<10000x128xf32, #tpu.memory_space<hbm>>
      tpu.enqueue_indirect_dma source(%dma_start3A_208 : memref<10000x128xf32, #tpu.memory_space<hbm>>) target(%arg11 : memref<128x128xf32, #tpu.memory_space<vmem>>) offsets(%dma_start3A_205 : memref<128xi32, #tpu.memory_space<vmem>>) semaphore(%arg14 : memref<!tpu.dma_semaphore, #tpu.memory_space<semaphore_mem>>)
    }
    %while3A_44 = arith.constant 1 : i32
    scf.for %while3A_59 = %while3A_42 to %while3A_38 step %while3A_44  : i32 {
      %mul3A_60 = arith.muli %while3A_59, %while3A : i32
      %add3A_61 = arith.addi %while3A_35, %mul3A_60 : i32
      %dma_wait3A_62 = arith.constant 0 : i32
      %dma_wait3A_63 = tpu.memref_slice %arg6[%dma_wait3A_62] : memref<256xi32, #tpu.memory_space<vmem>> -> memref<128xi32, #tpu.memory_space<vmem>>
      %dma_wait3A_64 = arith.constant 0 : i32
      %dma_wait3A_65 = arith.constant 0 : i32
      %dma_wait3A_66 = tpu.memref_slice %arg2[%dma_wait3A_64, %dma_wait3A_65] : memref<10000x128xf32, #tpu.memory_space<hbm>> -> memref<10000x128xf32, #tpu.memory_space<hbm>>
      tpu.wait_indirect_dma semaphore(%arg13 : memref<!tpu.dma_semaphore, #tpu.memory_space<semaphore_mem>>) src(%dma_wait3A_66 : memref<10000x128xf32, #tpu.memory_space<hbm>>) dst(%arg10 : memref<128x128xf32, #tpu.memory_space<vmem>>)
      %get3A = arith.constant 0 : index
      %get3A_67 = tpu.vector_load %arg7[%get3A] {strides = array<i32>} : memref<256xi32, #tpu.memory_space<vmem>>, vector<16xi32>,
      %get3A_68 = vector.shape_cast %get3A_67 : vector<16xi32> to vector<16xi32>
      %swap3A = arith.constant 0 : index
      %swap3A_69 = tpu.vector_load %arg8[%swap3A] {strides = array<i32>} : memref<128xi32, #tpu.memory_space<vmem>>, vector<16xi32>,
      %swap3A_70 = vector.shape_cast %swap3A_69 : vector<16xi32> to vector<16xi32>
      %swap3A_71 = vector.shape_cast %get3A_68 : vector<16xi32> to vector<16xi32>
      tpu.vector_store %arg8[%swap3A], %swap3A_71 {strides = array<i32>} : memref<128xi32, #tpu.memory_space<vmem>>, vector<16xi32>,
      %get3A_72 = arith.constant 16 : index
      %get3A_73 = tpu.vector_load %arg7[%get3A_72] {strides = array<i32>} : memref<256xi32, #tpu.memory_space<vmem>>, vector<16xi32>,
      %get3A_74 = vector.shape_cast %get3A_73 : vector<16xi32> to vector<16xi32>
      %swap3A_75 = arith.constant 16 : index
      %swap3A_76 = tpu.vector_load %arg8[%swap3A_75] {strides = array<i32>} : memref<128xi32, #tpu.memory_space<vmem>>, vector<16xi32>,
      %swap3A_77 = vector.shape_cast %swap3A_76 : vector<16xi32> to vector<16xi32>
      %swap3A_78 = vector.shape_cast %get3A_74 : vector<16xi32> to vector<16xi32>
      tpu.vector_store %arg8[%swap3A_75], %swap3A_78 {strides = array<i32>} : memref<128xi32, #tpu.memory_space<vmem>>, vector<16xi32>,
      %get3A_79 = arith.constant 32 : index
      %get3A_80 = tpu.vector_load %arg7[%get3A_79] {strides = array<i32>} : memref<256xi32, #tpu.memory_space<vmem>>, vector<16xi32>,
      %get3A_81 = vector.shape_cast %get3A_80 : vector<16xi32> to vector<16xi32>
      %swap3A_82 = arith.constant 32 : index
      %swap3A_83 = tpu.vector_load %arg8[%swap3A_82] {strides = array<i32>} : memref<128xi32, #tpu.memory_space<vmem>>, vector<16xi32>,
      %swap3A_84 = vector.shape_cast %swap3A_83 : vector<16xi32> to vector<16xi32>
      %swap3A_85 = vector.shape_cast %get3A_81 : vector<16xi32> to vector<16xi32>
      tpu.vector_store %arg8[%swap3A_82], %swap3A_85 {strides = array<i32>} : memref<128xi32, #tpu.memory_space<vmem>>, vector<16xi32>,
      %get3A_86 = arith.constant 48 : index
      %get3A_87 = tpu.vector_load %arg7[%get3A_86] {strides = array<i32>} : memref<256xi32, #tpu.memory_space<vmem>>, vector<16xi32>,
      %get3A_88 = vector.shape_cast %get3A_87 : vector<16xi32> to vector<16xi32>
      %swap3A_89 = arith.constant 48 : index
      %swap3A_90 = tpu.vector_load %arg8[%swap3A_89] {strides = array<i32>} : memref<128xi32, #tpu.memory_space<vmem>>, vector<16xi32>,
      %swap3A_91 = vector.shape_cast %swap3A_90 : vector<16xi32> to vector<16xi32>
      %swap3A_92 = vector.shape_cast %get3A_88 : vector<16xi32> to vector<16xi32>
      tpu.vector_store %arg8[%swap3A_89], %swap3A_92 {strides = array<i32>} : memref<128xi32, #tpu.memory_space<vmem>>, vector<16xi32>,
      %get3A_93 = arith.constant 64 : index
      %get3A_94 = tpu.vector_load %arg7[%get3A_93] {strides = array<i32>} : memref<256xi32, #tpu.memory_space<vmem>>, vector<16xi32>,
      %get3A_95 = vector.shape_cast %get3A_94 : vector<16xi32> to vector<16xi32>
      %swap3A_96 = arith.constant 64 : index
      %swap3A_97 = tpu.vector_load %arg8[%swap3A_96] {strides = array<i32>} : memref<128xi32, #tpu.memory_space<vmem>>, vector<16xi32>,
      %swap3A_98 = vector.shape_cast %swap3A_97 : vector<16xi32> to vector<16xi32>
      %swap3A_99 = vector.shape_cast %get3A_95 : vector<16xi32> to vector<16xi32>
      tpu.vector_store %arg8[%swap3A_96], %swap3A_99 {strides = array<i32>} : memref<128xi32, #tpu.memory_space<vmem>>, vector<16xi32>,
      %get3A_100 = arith.constant 80 : index
      %get3A_101 = tpu.vector_load %arg7[%get3A_100] {strides = array<i32>} : memref<256xi32, #tpu.memory_space<vmem>>, vector<16xi32>,
      %get3A_102 = vector.shape_cast %get3A_101 : vector<16xi32> to vector<16xi32>
      %swap3A_103 = arith.constant 80 : index
      %swap3A_104 = tpu.vector_load %arg8[%swap3A_103] {strides = array<i32>} : memref<128xi32, #tpu.memory_space<vmem>>, vector<16xi32>,
      %swap3A_105 = vector.shape_cast %swap3A_104 : vector<16xi32> to vector<16xi32>
      %swap3A_106 = vector.shape_cast %get3A_102 : vector<16xi32> to vector<16xi32>
      tpu.vector_store %arg8[%swap3A_103], %swap3A_106 {strides = array<i32>} : memref<128xi32, #tpu.memory_space<vmem>>, vector<16xi32>,
      %get3A_107 = arith.constant 96 : index
      %get3A_108 = tpu.vector_load %arg7[%get3A_107] {strides = array<i32>} : memref<256xi32, #tpu.memory_space<vmem>>, vector<16xi32>,
      %get3A_109 = vector.shape_cast %get3A_108 : vector<16xi32> to vector<16xi32>
      %swap3A_110 = arith.constant 96 : index
      %swap3A_111 = tpu.vector_load %arg8[%swap3A_110] {strides = array<i32>} : memref<128xi32, #tpu.memory_space<vmem>>, vector<16xi32>,
      %swap3A_112 = vector.shape_cast %swap3A_111 : vector<16xi32> to vector<16xi32>
      %swap3A_113 = vector.shape_cast %get3A_109 : vector<16xi32> to vector<16xi32>
      tpu.vector_store %arg8[%swap3A_110], %swap3A_113 {strides = array<i32>} : memref<128xi32, #tpu.memory_space<vmem>>, vector<16xi32>,
      %get3A_114 = arith.constant 112 : index
      %get3A_115 = tpu.vector_load %arg7[%get3A_114] {strides = array<i32>} : memref<256xi32, #tpu.memory_space<vmem>>, vector<16xi32>,
      %get3A_116 = vector.shape_cast %get3A_115 : vector<16xi32> to vector<16xi32>
      %swap3A_117 = arith.constant 112 : index
      %swap3A_118 = tpu.vector_load %arg8[%swap3A_117] {strides = array<i32>} : memref<128xi32, #tpu.memory_space<vmem>>, vector<16xi32>,
      %swap3A_119 = vector.shape_cast %swap3A_118 : vector<16xi32> to vector<16xi32>
      %swap3A_120 = vector.shape_cast %get3A_116 : vector<16xi32> to vector<16xi32>
      tpu.vector_store %arg8[%swap3A_117], %swap3A_120 {strides = array<i32>} : memref<128xi32, #tpu.memory_space<vmem>>, vector<16xi32>,
      %dma_start3A_121 = arith.constant 0 : i32
      %dma_start3A_122 = arith.constant 0 : i32
      %dma_start3A_123 = tpu.memref_slice %arg12[%dma_start3A_121, %dma_start3A_122] : memref<10240x128xf32, #tpu.memory_space<vmem_shared>> -> memref<10240x128xf32, #tpu.memory_space<vmem_shared>>
      tpu.enqueue_indirect_dma source(%arg10 : memref<128x128xf32, #tpu.memory_space<vmem>>) target(%dma_start3A_123 : memref<10240x128xf32, #tpu.memory_space<vmem_shared>>) offsets(%arg8 : memref<128xi32, #tpu.memory_space<vmem>>) semaphore(%arg15 : memref<!tpu.dma_semaphore, #tpu.memory_space<semaphore_mem>>) {add = true}
      %dma_wait3A_124 = arith.constant 128 : i32
      %dma_wait3A_125 = tpu.memref_slice %arg6[%dma_wait3A_124] : memref<256xi32, #tpu.memory_space<vmem>> -> memref<128xi32, #tpu.memory_space<vmem>>
      %dma_wait3A_126 = arith.constant 0 : i32
      %dma_wait3A_127 = arith.constant 0 : i32
      %dma_wait3A_128 = tpu.memref_slice %arg2[%dma_wait3A_126, %dma_wait3A_127] : memref<10000x128xf32, #tpu.memory_space<hbm>> -> memref<10000x128xf32, #tpu.memory_space<hbm>>
      tpu.wait_indirect_dma semaphore(%arg14 : memref<!tpu.dma_semaphore, #tpu.memory_space<semaphore_mem>>) src(%dma_wait3A_128 : memref<10000x128xf32, #tpu.memory_space<hbm>>) dst(%arg11 : memref<128x128xf32, #tpu.memory_space<vmem>>)
      %get3A_129 = arith.constant 128 : index
      %get3A_130 = tpu.vector_load %arg7[%get3A_129] {strides = array<i32>} : memref<256xi32, #tpu.memory_space<vmem>>, vector<16xi32>,
      %get3A_131 = vector.shape_cast %get3A_130 : vector<16xi32> to vector<16xi32>
      %swap3A_132 = arith.constant 0 : index
      %swap3A_133 = tpu.vector_load %arg9[%swap3A_132] {strides = array<i32>} : memref<128xi32, #tpu.memory_space<vmem>>, vector<16xi32>,
      %swap3A_134 = vector.shape_cast %swap3A_133 : vector<16xi32> to vector<16xi32>
      %swap3A_135 = vector.shape_cast %get3A_131 : vector<16xi32> to vector<16xi32>
      tpu.vector_store %arg9[%swap3A_132], %swap3A_135 {strides = array<i32>} : memref<128xi32, #tpu.memory_space<vmem>>, vector<16xi32>,
      %get3A_136 = arith.constant 144 : index
      %get3A_137 = tpu.vector_load %arg7[%get3A_136] {strides = array<i32>} : memref<256xi32, #tpu.memory_space<vmem>>, vector<16xi32>,
      %get3A_138 = vector.shape_cast %get3A_137 : vector<16xi32> to vector<16xi32>
      %swap3A_139 = arith.constant 16 : index
      %swap3A_140 = tpu.vector_load %arg9[%swap3A_139] {strides = array<i32>} : memref<128xi32, #tpu.memory_space<vmem>>, vector<16xi32>,
      %swap3A_141 = vector.shape_cast %swap3A_140 : vector<16xi32> to vector<16xi32>
      %swap3A_142 = vector.shape_cast %get3A_138 : vector<16xi32> to vector<16xi32>
      tpu.vector_store %arg9[%swap3A_139], %swap3A_142 {strides = array<i32>} : memref<128xi32, #tpu.memory_space<vmem>>, vector<16xi32>,
      %get3A_143 = arith.constant 160 : index
      %get3A_144 = tpu.vector_load %arg7[%get3A_143] {strides = array<i32>} : memref<256xi32, #tpu.memory_space<vmem>>, vector<16xi32>,
      %get3A_145 = vector.shape_cast %get3A_144 : vector<16xi32> to vector<16xi32>
      %swap3A_146 = arith.constant 32 : index
      %swap3A_147 = tpu.vector_load %arg9[%swap3A_146] {strides = array<i32>} : memref<128xi32, #tpu.memory_space<vmem>>, vector<16xi32>,
      %swap3A_148 = vector.shape_cast %swap3A_147 : vector<16xi32> to vector<16xi32>
      %swap3A_149 = vector.shape_cast %get3A_145 : vector<16xi32> to vector<16xi32>
      tpu.vector_store %arg9[%swap3A_146], %swap3A_149 {strides = array<i32>} : memref<128xi32, #tpu.memory_space<vmem>>, vector<16xi32>,
      %get3A_150 = arith.constant 176 : index
      %get3A_151 = tpu.vector_load %arg7[%get3A_150] {strides = array<i32>} : memref<256xi32, #tpu.memory_space<vmem>>, vector<16xi32>,
      %get3A_152 = vector.shape_cast %get3A_151 : vector<16xi32> to vector<16xi32>
      %swap3A_153 = arith.constant 48 : index
      %swap3A_154 = tpu.vector_load %arg9[%swap3A_153] {strides = array<i32>} : memref<128xi32, #tpu.memory_space<vmem>>, vector<16xi32>,
      %swap3A_155 = vector.shape_cast %swap3A_154 : vector<16xi32> to vector<16xi32>
      %swap3A_156 = vector.shape_cast %get3A_152 : vector<16xi32> to vector<16xi32>
      tpu.vector_store %arg9[%swap3A_153], %swap3A_156 {strides = array<i32>} : memref<128xi32, #tpu.memory_space<vmem>>, vector<16xi32>,
      %get3A_157 = arith.constant 192 : index
      %get3A_158 = tpu.vector_load %arg7[%get3A_157] {strides = array<i32>} : memref<256xi32, #tpu.memory_space<vmem>>, vector<16xi32>,
      %get3A_159 = vector.shape_cast %get3A_158 : vector<16xi32> to vector<16xi32>
      %swap3A_160 = arith.constant 64 : index
      %swap3A_161 = tpu.vector_load %arg9[%swap3A_160] {strides = array<i32>} : memref<128xi32, #tpu.memory_space<vmem>>, vector<16xi32>,
      %swap3A_162 = vector.shape_cast %swap3A_161 : vector<16xi32> to vector<16xi32>
      %swap3A_163 = vector.shape_cast %get3A_159 : vector<16xi32> to vector<16xi32>
      tpu.vector_store %arg9[%swap3A_160], %swap3A_163 {strides = array<i32>} : memref<128xi32, #tpu.memory_space<vmem>>, vector<16xi32>,
      %get3A_164 = arith.constant 208 : index
      %get3A_165 = tpu.vector_load %arg7[%get3A_164] {strides = array<i32>} : memref<256xi32, #tpu.memory_space<vmem>>, vector<16xi32>,
      %get3A_166 = vector.shape_cast %get3A_165 : vector<16xi32> to vector<16xi32>
      %swap3A_167 = arith.constant 80 : index
      %swap3A_168 = tpu.vector_load %arg9[%swap3A_167] {strides = array<i32>} : memref<128xi32, #tpu.memory_space<vmem>>, vector<16xi32>,
      %swap3A_169 = vector.shape_cast %swap3A_168 : vector<16xi32> to vector<16xi32>
      %swap3A_170 = vector.shape_cast %get3A_166 : vector<16xi32> to vector<16xi32>
      tpu.vector_store %arg9[%swap3A_167], %swap3A_170 {strides = array<i32>} : memref<128xi32, #tpu.memory_space<vmem>>, vector<16xi32>,
      %get3A_171 = arith.constant 224 : index
      %get3A_172 = tpu.vector_load %arg7[%get3A_171] {strides = array<i32>} : memref<256xi32, #tpu.memory_space<vmem>>, vector<16xi32>,
      %get3A_173 = vector.shape_cast %get3A_172 : vector<16xi32> to vector<16xi32>
      %swap3A_174 = arith.constant 96 : index
      %swap3A_175 = tpu.vector_load %arg9[%swap3A_174] {strides = array<i32>} : memref<128xi32, #tpu.memory_space<vmem>>, vector<16xi32>,
      %swap3A_176 = vector.shape_cast %swap3A_175 : vector<16xi32> to vector<16xi32>
      %swap3A_177 = vector.shape_cast %get3A_173 : vector<16xi32> to vector<16xi32>
      tpu.vector_store %arg9[%swap3A_174], %swap3A_177 {strides = array<i32>} : memref<128xi32, #tpu.memory_space<vmem>>, vector<16xi32>,
      %get3A_178 = arith.constant 240 : index
      %get3A_179 = tpu.vector_load %arg7[%get3A_178] {strides = array<i32>} : memref<256xi32, #tpu.memory_space<vmem>>, vector<16xi32>,
      %get3A_180 = vector.shape_cast %get3A_179 : vector<16xi32> to vector<16xi32>
      %swap3A_181 = arith.constant 112 : index
      %swap3A_182 = tpu.vector_load %arg9[%swap3A_181] {strides = array<i32>} : memref<128xi32, #tpu.memory_space<vmem>>, vector<16xi32>,
      %swap3A_183 = vector.shape_cast %swap3A_182 : vector<16xi32> to vector<16xi32>
      %swap3A_184 = vector.shape_cast %get3A_180 : vector<16xi32> to vector<16xi32>
      tpu.vector_store %arg9[%swap3A_181], %swap3A_184 {strides = array<i32>} : memref<128xi32, #tpu.memory_space<vmem>>, vector<16xi32>,
      %dma_start3A_185 = arith.constant 0 : i32
      %dma_start3A_186 = arith.constant 0 : i32
      %dma_start3A_187 = tpu.memref_slice %arg12[%dma_start3A_185, %dma_start3A_186] : memref<10240x128xf32, #tpu.memory_space<vmem_shared>> -> memref<10240x128xf32, #tpu.memory_space<vmem_shared>>
      tpu.enqueue_indirect_dma source(%arg11 : memref<128x128xf32, #tpu.memory_space<vmem>>) target(%dma_start3A_187 : memref<10240x128xf32, #tpu.memory_space<vmem_shared>>) offsets(%arg9 : memref<128xi32, #tpu.memory_space<vmem>>) semaphore(%arg16 : memref<!tpu.dma_semaphore, #tpu.memory_space<semaphore_mem>>) {add = true}
      %add3A_188 = arith.constant 2 : i32
      %add3A_189 = arith.addi %add3A_61, %add3A_188 : i32
      %rem3A = arith.remsi %add3A_189, %select_n3A : i32
      %mul3A_190 = arith.constant 128 : i32
      %mul3A_191 = arith.muli %rem3A, %mul3A_190 : i32
      %add3A_192 = arith.addi %mul3A_10, %mul3A_191 : i32
      "tpu.region"() ({
        %run_scoped3A = tpu.sem_alloc : memref<!tpu.dma_semaphore, #tpu.memory_space<semaphore_mem>>
        %dma_start3A_209 = tpu.memref_slice %arg3[%add3A_192] : memref<327680xi32, #tpu.memory_space<hbm>> -> memref<256xi32, #tpu.memory_space<hbm>>
        %dma_start3A_210 = tpu.memref_slice %arg3[%add3A_192] : memref<327680xi32, #tpu.memory_space<hbm>> -> memref<256xi32, #tpu.memory_space<hbm>>
        tpu.enqueue_dma source(%dma_start3A_210 : memref<256xi32, #tpu.memory_space<hbm>>) target(%arg6 : memref<256xi32, #tpu.memory_space<vmem>>) target_semaphore(%run_scoped3A : memref<!tpu.dma_semaphore, #tpu.memory_space<semaphore_mem>>)
        %dma_wait3A_211 = tpu.memref_slice %arg3[%add3A_192] : memref<327680xi32, #tpu.memory_space<hbm>> -> memref<256xi32, #tpu.memory_space<hbm>>
        %dma_wait3A_212 = tpu.memref_slice %arg3[%add3A_192] : memref<327680xi32, #tpu.memory_space<hbm>> -> memref<256xi32, #tpu.memory_space<hbm>>
        tpu.wait_dma2 semaphore(%run_scoped3A : memref<!tpu.dma_semaphore, #tpu.memory_space<semaphore_mem>>) src(%dma_wait3A_212 : memref<256xi32, #tpu.memory_space<hbm>>) dst(%arg6 : memref<256xi32, #tpu.memory_space<vmem>>)
        tpu.yield
      }) : () -> ()
      "tpu.region"() ({
        %run_scoped3A = tpu.sem_alloc : memref<!tpu.dma_semaphore, #tpu.memory_space<semaphore_mem>>
        %dma_start3A_209 = tpu.memref_slice %arg4[%add3A_192] : memref<327680xi32, #tpu.memory_space<hbm>> -> memref<256xi32, #tpu.memory_space<hbm>>
        %dma_start3A_210 = tpu.memref_slice %arg4[%add3A_192] : memref<327680xi32, #tpu.memory_space<hbm>> -> memref<256xi32, #tpu.memory_space<hbm>>
        tpu.enqueue_dma source(%dma_start3A_210 : memref<256xi32, #tpu.memory_space<hbm>>) target(%arg7 : memref<256xi32, #tpu.memory_space<vmem>>) target_semaphore(%run_scoped3A : memref<!tpu.dma_semaphore, #tpu.memory_space<semaphore_mem>>)
        %dma_wait3A_211 = tpu.memref_slice %arg4[%add3A_192] : memref<327680xi32, #tpu.memory_space<hbm>> -> memref<256xi32, #tpu.memory_space<hbm>>
        %dma_wait3A_212 = tpu.memref_slice %arg4[%add3A_192] : memref<327680xi32, #tpu.memory_space<hbm>> -> memref<256xi32, #tpu.memory_space<hbm>>
        tpu.wait_dma2 semaphore(%run_scoped3A : memref<!tpu.dma_semaphore, #tpu.memory_space<semaphore_mem>>) src(%dma_wait3A_212 : memref<256xi32, #tpu.memory_space<hbm>>) dst(%arg7 : memref<256xi32, #tpu.memory_space<vmem>>)
        tpu.yield
      }) : () -> ()
      %dma_wait3A_193 = arith.constant 0 : i32
      %dma_wait3A_194 = arith.constant 0 : i32
      %dma_wait3A_195 = tpu.memref_slice %arg12[%dma_wait3A_193, %dma_wait3A_194] : memref<10240x128xf32, #tpu.memory_space<vmem_shared>> -> memref<10240x128xf32, #tpu.memory_space<vmem_shared>>
      tpu.wait_indirect_dma semaphore(%arg15 : memref<!tpu.dma_semaphore, #tpu.memory_space<semaphore_mem>>) src(%arg10 : memref<128x128xf32, #tpu.memory_space<vmem>>) dst(%dma_wait3A_195 : memref<10240x128xf32, #tpu.memory_space<vmem_shared>>)
      %dma_start3A_196 = arith.constant 0 : i32
      %dma_start3A_197 = tpu.memref_slice %arg6[%dma_start3A_196] : memref<256xi32, #tpu.memory_space<vmem>> -> memref<128xi32, #tpu.memory_space<vmem>>
      %dma_start3A_198 = arith.constant 0 : i32
      %dma_start3A_199 = arith.constant 0 : i32
      %dma_start3A_200 = tpu.memref_slice %arg2[%dma_start3A_198, %dma_start3A_199] : memref<10000x128xf32, #tpu.memory_space<hbm>> -> memref<10000x128xf32, #tpu.memory_space<hbm>>
      tpu.enqueue_indirect_dma source(%dma_start3A_200 : memref<10000x128xf32, #tpu.memory_space<hbm>>) target(%arg10 : memref<128x128xf32, #tpu.memory_space<vmem>>) offsets(%dma_start3A_197 : memref<128xi32, #tpu.memory_space<vmem>>) semaphore(%arg13 : memref<!tpu.dma_semaphore, #tpu.memory_space<semaphore_mem>>)
      %dma_wait3A_201 = arith.constant 0 : i32
      %dma_wait3A_202 = arith.constant 0 : i32
      %dma_wait3A_203 = tpu.memref_slice %arg12[%dma_wait3A_201, %dma_wait3A_202] : memref<10240x128xf32, #tpu.memory_space<vmem_shared>> -> memref<10240x128xf32, #tpu.memory_space<vmem_shared>>
      tpu.wait_indirect_dma semaphore(%arg16 : memref<!tpu.dma_semaphore, #tpu.memory_space<semaphore_mem>>) src(%arg11 : memref<128x128xf32, #tpu.memory_space<vmem>>) dst(%dma_wait3A_203 : memref<10240x128xf32, #tpu.memory_space<vmem_shared>>)
      %dma_start3A_204 = arith.constant 128 : i32
      %dma_start3A_205 = tpu.memref_slice %arg6[%dma_start3A_204] : memref<256xi32, #tpu.memory_space<vmem>> -> memref<128xi32, #tpu.memory_space<vmem>>
      %dma_start3A_206 = arith.constant 0 : i32
      %dma_start3A_207 = arith.constant 0 : i32
      %dma_start3A_208 = tpu.memref_slice %arg2[%dma_start3A_206, %dma_start3A_207] : memref<10000x128xf32, #tpu.memory_space<hbm>> -> memref<10000x128xf32, #tpu.memory_space<hbm>>
      tpu.enqueue_indirect_dma source(%dma_start3A_208 : memref<10000x128xf32, #tpu.memory_space<hbm>>) target(%arg11 : memref<128x128xf32, #tpu.memory_space<vmem>>) offsets(%dma_start3A_205 : memref<128xi32, #tpu.memory_space<vmem>>) semaphore(%arg14 : memref<!tpu.dma_semaphore, #tpu.memory_space<semaphore_mem>>)
    }
    %dma_wait3A = arith.constant 0 : i32
    %dma_wait3A_45 = tpu.memref_slice %arg6[%dma_wait3A] : memref<256xi32, #tpu.memory_space<vmem>> -> memref<128xi32, #tpu.memory_space<vmem>>
    %dma_wait3A_46 = arith.constant 0 : i32
    %dma_wait3A_47 = arith.constant 0 : i32
    %dma_wait3A_48 = tpu.memref_slice %arg2[%dma_wait3A_46, %dma_wait3A_47] : memref<10000x128xf32, #tpu.memory_space<hbm>> -> memref<10000x128xf32, #tpu.memory_space<hbm>>
    tpu.wait_indirect_dma semaphore(%arg13 : memref<!tpu.dma_semaphore, #tpu.memory_space<semaphore_mem>>) src(%dma_wait3A_48 : memref<10000x128xf32, #tpu.memory_space<hbm>>) dst(%arg10 : memref<128x128xf32, #tpu.memory_space<vmem>>)
    %dma_wait3A_49 = arith.constant 128 : i32
    %dma_wait3A_50 = tpu.memref_slice %arg6[%dma_wait3A_49] : memref<256xi32, #tpu.memory_space<vmem>> -> memref<128xi32, #tpu.memory_space<vmem>>
    %dma_wait3A_51 = arith.constant 0 : i32
    %dma_wait3A_52 = arith.constant 0 : i32
    %dma_wait3A_53 = tpu.memref_slice %arg2[%dma_wait3A_51, %dma_wait3A_52] : memref<10000x128xf32, #tpu.memory_space<hbm>> -> memref<10000x128xf32, #tpu.memory_space<hbm>>
    tpu.wait_indirect_dma semaphore(%arg14 : memref<!tpu.dma_semaphore, #tpu.memory_space<semaphore_mem>>) src(%dma_wait3A_53 : memref<10000x128xf32, #tpu.memory_space<hbm>>) dst(%arg11 : memref<128x128xf32, #tpu.memory_space<vmem>>)
    %barrier3A_54 = arith.constant 0 : index
    tpu.barrier barrier_id(%barrier3A_54)
    %mul3A_55 = arith.constant 640 : i32
    %mul3A_56 = arith.muli %arg1, %mul3A_55 : i32
    %mul3A_57 = arith.constant 640 : i32
    %mul3A_58 = arith.muli %arg1, %mul3A_57 : i32
    "tpu.region"() ({
      %run_scoped3A = tpu.sem_alloc : memref<!tpu.dma_semaphore, #tpu.memory_space<semaphore_mem>>
      %dma_start3A_59 = arith.constant 0 : i32
      %dma_start3A_60 = tpu.memref_slice %arg5[%arg0, %mul3A_58, %dma_start3A_59] : memref<2x10240x128xf32, #tpu.memory_space<hbm>> -> memref<1x640x128xf32, #tpu.memory_space<hbm>>
      %dma_start3A_61 = tpu.memref_squeeze %dma_start3A_60 : memref<1x640x128xf32, #tpu.memory_space<hbm>> -> memref<640x128xf32, #tpu.memory_space<hbm>>
      %dma_start3A_62 = arith.constant 0 : i32
      %dma_start3A_63 = tpu.memref_slice %arg12[%mul3A_56, %dma_start3A_62] : memref<10240x128xf32, #tpu.memory_space<vmem_shared>> -> memref<640x128xf32, #tpu.memory_space<vmem_shared>>
      tpu.enqueue_dma source(%dma_start3A_63 : memref<640x128xf32, #tpu.memory_space<vmem_shared>>) target(%dma_start3A_61 : memref<640x128xf32, #tpu.memory_space<hbm>>) target_semaphore(%run_scoped3A : memref<!tpu.dma_semaphore, #tpu.memory_space<semaphore_mem>>)
      %dma_wait3A_64 = arith.constant 0 : i32
      %dma_wait3A_65 = tpu.memref_slice %arg5[%arg0, %mul3A_58, %dma_wait3A_64] : memref<2x10240x128xf32, #tpu.memory_space<hbm>> -> memref<1x640x128xf32, #tpu.memory_space<hbm>>
      %dma_wait3A_66 = tpu.memref_squeeze %dma_wait3A_65 : memref<1x640x128xf32, #tpu.memory_space<hbm>> -> memref<640x128xf32, #tpu.memory_space<hbm>>
      %dma_wait3A_67 = arith.constant 0 : i32
      %dma_wait3A_68 = tpu.memref_slice %arg12[%mul3A_56, %dma_wait3A_67] : memref<10240x128xf32, #tpu.memory_space<vmem_shared>> -> memref<640x128xf32, #tpu.memory_space<vmem_shared>>
      tpu.wait_dma2 semaphore(%run_scoped3A : memref<!tpu.dma_semaphore, #tpu.memory_space<semaphore_mem>>) src(%dma_wait3A_68 : memref<640x128xf32, #tpu.memory_space<vmem_shared>>) dst(%dma_wait3A_66 : memref<640x128xf32, #tpu.memory_space<hbm>>)
      tpu.yield
    }) : () -> ()
    return
  }
}

#map = affine_map<(d0, d1) -> (0, 0)>
#map1 = affine_map<(d0, d1) -> (0)>
#map2 = affine_map<(d0, d1) -> (0, 0, 0)>
module attributes {stable_mosaic.version = 14 : i64} {
  func.func @_sc_agg_body(%arg0: i32, %arg1: i32, %arg2: memref<10000x128xf32, #tpu.memory_space<hbm>>, %arg3: memref<327680xi32, #tpu.memory_space<hbm>>, %arg4: memref<327680xi32, #tpu.memory_space<hbm>>, %arg5: memref<2x10240x128xf32, #tpu.memory_space<hbm>>, %arg6: memref<256xi32, #tpu.memory_space<vmem>>, %arg7: memref<256xi32, #tpu.memory_space<vmem>>, %arg8: memref<128xi32, #tpu.memory_space<vmem>>, %arg9: memref<128xi32, #tpu.memory_space<vmem>>, %arg10: memref<128x128xf32, #tpu.memory_space<vmem>>, %arg11: memref<128x128xf32, #tpu.memory_space<vmem>>, %arg12: memref<10240x128xf32, #tpu.memory_space<vmem_shared>>, %arg13: memref<!tpu.dma_semaphore, #tpu.memory_space<semaphore_mem>>, %arg14: memref<!tpu.dma_semaphore, #tpu.memory_space<semaphore_mem>>, %arg15: memref<!tpu.dma_semaphore, #tpu.memory_space<semaphore_mem>>, %arg16: memref<!tpu.dma_semaphore, #tpu.memory_space<semaphore_mem>>) attributes {dimension_semantics = [#tpu.dimension_semantics<core_parallel>, #tpu.dimension_semantics<subcore_parallel>], iteration_bounds = array<i64: 2, 16>, scalar_prefetch = 0 : i64, scratch_operands = 11 : i64, tpu.core_type = #tpu.core_type<sc_vector_subcore>, window_params = [{transform_indices = #map}, {transform_indices = #map1}, {transform_indices = #map1}, {transform_indices = #map2}]} {
    %eq3A = arith.constant 0 : i32
    %eq3A_0 = arith.cmpi eq, %arg0, %eq3A : i32
    %jit3A = arith.constant 120 : i32
    %jit3A_1 = arith.constant 40 : i32
    %select_n3A = arith.select %eq3A_0, %jit3A, %jit3A_1 : i32
    %eq3A_2 = arith.constant 0 : i32
    %eq3A_3 = arith.cmpi eq, %arg0, %eq3A_2 : i32
    %mul3A = arith.constant 120 : i32
    %mul3A_4 = arith.muli %arg1, %mul3A : i32
    %mul3A_5 = arith.constant 40 : i32
    %mul3A_6 = arith.muli %arg1, %mul3A_5 : i32
    %add3A = arith.constant 1920 : i32
    %add3A_7 = arith.addi %add3A, %mul3A_6 : i32
    %select_n3A_8 = arith.select %eq3A_3, %mul3A_4, %add3A_7 : i32
    %mul3A_9 = arith.constant 128 : i32
    %mul3A_10 = arith.muli %select_n3A_8, %mul3A_9 : i32
    %scan3A = arith.constant 0 : i32
    %scan3A_11 = arith.constant 128 : i32
    %scan3A_12 = arith.addi %scan3A, %scan3A_11 : i32
    %scan3A_13 = arith.constant 1 : i32
    scf.for %scan3A_59 = %scan3A to %scan3A_12 step %scan3A_13  : i32 {
      %mul3A_60 = arith.constant 1 : i32
      %mul3A_61 = arith.muli %scan3A_59, %mul3A_60 : i32
      %add3A_62 = arith.constant 0 : i32
      %add3A_63 = arith.addi %add3A_62, %mul3A_61 : i32
      %broadcast_in_dim3A = arith.constant 0.000000e+00 : f32
      %broadcast_in_dim3A_64 = vector.broadcast %broadcast_in_dim3A : f32 to vector<16xf32>
      %swap3A = arith.index_cast %add3A_63 : i32 to index
      %swap3A_65 = arith.constant 0 : index
      %swap3A_66 = tpu.vector_load %arg10[%swap3A, %swap3A_65] {strides = array<i32>} : memref<128x128xf32, #tpu.memory_space<vmem>>, vector<1x16xf32>,
      %swap3A_67 = vector.shape_cast %swap3A_66 : vector<1x16xf32> to vector<16xf32>
      %swap3A_68 = vector.shape_cast %broadcast_in_dim3A_64 : vector<16xf32> to vector<1x16xf32>
      tpu.vector_store %arg10[%swap3A, %swap3A_65], %swap3A_68 {strides = array<i32>} : memref<128x128xf32, #tpu.memory_space<vmem>>, vector<1x16xf32>,
      %broadcast_in_dim3A_69 = arith.constant 0.000000e+00 : f32
      %broadcast_in_dim3A_70 = vector.broadcast %broadcast_in_dim3A_69 : f32 to vector<16xf32>
      %swap3A_71 = arith.index_cast %add3A_63 : i32 to index
      %swap3A_72 = arith.constant 16 : index
      %swap3A_73 = tpu.vector_load %arg10[%swap3A_71, %swap3A_72] {strides = array<i32>} : memref<128x128xf32, #tpu.memory_space<vmem>>, vector<1x16xf32>,
      %swap3A_74 = vector.shape_cast %swap3A_73 : vector<1x16xf32> to vector<16xf32>
      %swap3A_75 = vector.shape_cast %broadcast_in_dim3A_70 : vector<16xf32> to vector<1x16xf32>
      tpu.vector_store %arg10[%swap3A_71, %swap3A_72], %swap3A_75 {strides = array<i32>} : memref<128x128xf32, #tpu.memory_space<vmem>>, vector<1x16xf32>,
      %broadcast_in_dim3A_76 = arith.constant 0.000000e+00 : f32
      %broadcast_in_dim3A_77 = vector.broadcast %broadcast_in_dim3A_76 : f32 to vector<16xf32>
      %swap3A_78 = arith.index_cast %add3A_63 : i32 to index
      %swap3A_79 = arith.constant 32 : index
      %swap3A_80 = tpu.vector_load %arg10[%swap3A_78, %swap3A_79] {strides = array<i32>} : memref<128x128xf32, #tpu.memory_space<vmem>>, vector<1x16xf32>,
      %swap3A_81 = vector.shape_cast %swap3A_80 : vector<1x16xf32> to vector<16xf32>
      %swap3A_82 = vector.shape_cast %broadcast_in_dim3A_77 : vector<16xf32> to vector<1x16xf32>
      tpu.vector_store %arg10[%swap3A_78, %swap3A_79], %swap3A_82 {strides = array<i32>} : memref<128x128xf32, #tpu.memory_space<vmem>>, vector<1x16xf32>,
      %broadcast_in_dim3A_83 = arith.constant 0.000000e+00 : f32
      %broadcast_in_dim3A_84 = vector.broadcast %broadcast_in_dim3A_83 : f32 to vector<16xf32>
      %swap3A_85 = arith.index_cast %add3A_63 : i32 to index
      %swap3A_86 = arith.constant 48 : index
      %swap3A_87 = tpu.vector_load %arg10[%swap3A_85, %swap3A_86] {strides = array<i32>} : memref<128x128xf32, #tpu.memory_space<vmem>>, vector<1x16xf32>,
      %swap3A_88 = vector.shape_cast %swap3A_87 : vector<1x16xf32> to vector<16xf32>
      %swap3A_89 = vector.shape_cast %broadcast_in_dim3A_84 : vector<16xf32> to vector<1x16xf32>
      tpu.vector_store %arg10[%swap3A_85, %swap3A_86], %swap3A_89 {strides = array<i32>} : memref<128x128xf32, #tpu.memory_space<vmem>>, vector<1x16xf32>,
      %broadcast_in_dim3A_90 = arith.constant 0.000000e+00 : f32
      %broadcast_in_dim3A_91 = vector.broadcast %broadcast_in_dim3A_90 : f32 to vector<16xf32>
      %swap3A_92 = arith.index_cast %add3A_63 : i32 to index
      %swap3A_93 = arith.constant 64 : index
      %swap3A_94 = tpu.vector_load %arg10[%swap3A_92, %swap3A_93] {strides = array<i32>} : memref<128x128xf32, #tpu.memory_space<vmem>>, vector<1x16xf32>,
      %swap3A_95 = vector.shape_cast %swap3A_94 : vector<1x16xf32> to vector<16xf32>
      %swap3A_96 = vector.shape_cast %broadcast_in_dim3A_91 : vector<16xf32> to vector<1x16xf32>
      tpu.vector_store %arg10[%swap3A_92, %swap3A_93], %swap3A_96 {strides = array<i32>} : memref<128x128xf32, #tpu.memory_space<vmem>>, vector<1x16xf32>,
      %broadcast_in_dim3A_97 = arith.constant 0.000000e+00 : f32
      %broadcast_in_dim3A_98 = vector.broadcast %broadcast_in_dim3A_97 : f32 to vector<16xf32>
      %swap3A_99 = arith.index_cast %add3A_63 : i32 to index
      %swap3A_100 = arith.constant 80 : index
      %swap3A_101 = tpu.vector_load %arg10[%swap3A_99, %swap3A_100] {strides = array<i32>} : memref<128x128xf32, #tpu.memory_space<vmem>>, vector<1x16xf32>,
      %swap3A_102 = vector.shape_cast %swap3A_101 : vector<1x16xf32> to vector<16xf32>
      %swap3A_103 = vector.shape_cast %broadcast_in_dim3A_98 : vector<16xf32> to vector<1x16xf32>
      tpu.vector_store %arg10[%swap3A_99, %swap3A_100], %swap3A_103 {strides = array<i32>} : memref<128x128xf32, #tpu.memory_space<vmem>>, vector<1x16xf32>,
      %broadcast_in_dim3A_104 = arith.constant 0.000000e+00 : f32
      %broadcast_in_dim3A_105 = vector.broadcast %broadcast_in_dim3A_104 : f32 to vector<16xf32>
      %swap3A_106 = arith.index_cast %add3A_63 : i32 to index
      %swap3A_107 = arith.constant 96 : index
      %swap3A_108 = tpu.vector_load %arg10[%swap3A_106, %swap3A_107] {strides = array<i32>} : memref<128x128xf32, #tpu.memory_space<vmem>>, vector<1x16xf32>,
      %swap3A_109 = vector.shape_cast %swap3A_108 : vector<1x16xf32> to vector<16xf32>
      %swap3A_110 = vector.shape_cast %broadcast_in_dim3A_105 : vector<16xf32> to vector<1x16xf32>
      tpu.vector_store %arg10[%swap3A_106, %swap3A_107], %swap3A_110 {strides = array<i32>} : memref<128x128xf32, #tpu.memory_space<vmem>>, vector<1x16xf32>,
      %broadcast_in_dim3A_111 = arith.constant 0.000000e+00 : f32
      %broadcast_in_dim3A_112 = vector.broadcast %broadcast_in_dim3A_111 : f32 to vector<16xf32>
      %swap3A_113 = arith.index_cast %add3A_63 : i32 to index
      %swap3A_114 = arith.constant 112 : index
      %swap3A_115 = tpu.vector_load %arg10[%swap3A_113, %swap3A_114] {strides = array<i32>} : memref<128x128xf32, #tpu.memory_space<vmem>>, vector<1x16xf32>,
      %swap3A_116 = vector.shape_cast %swap3A_115 : vector<1x16xf32> to vector<16xf32>
      %swap3A_117 = vector.shape_cast %broadcast_in_dim3A_112 : vector<16xf32> to vector<1x16xf32>
      tpu.vector_store %arg10[%swap3A_113, %swap3A_114], %swap3A_117 {strides = array<i32>} : memref<128x128xf32, #tpu.memory_space<vmem>>, vector<1x16xf32>,
    }
    %scan3A_14 = arith.constant 128 : i32
    %scan3A_15 = arith.constant 0 : i32
    %scan3A_16 = arith.constant 5 : i32
    %scan3A_17 = arith.addi %scan3A_15, %scan3A_16 : i32
    %scan3A_18 = arith.constant 1 : i32
    scf.for %scan3A_59 = %scan3A_15 to %scan3A_17 step %scan3A_18  : i32 {
      %mul3A_60 = arith.constant 1 : i32
      %mul3A_61 = arith.muli %scan3A_59, %mul3A_60 : i32
      %add3A_62 = arith.constant 0 : i32
      %add3A_63 = arith.addi %add3A_62, %mul3A_61 : i32
      %mul3A_64 = arith.constant 640 : i32
      %mul3A_65 = arith.muli %arg1, %mul3A_64 : i32
      %mul3A_66 = arith.constant 128 : i32
      %mul3A_67 = arith.muli %add3A_63, %mul3A_66 : i32
      %add3A_68 = arith.addi %mul3A_65, %mul3A_67 : i32
      "tpu.region"() ({
        %run_scoped3A = tpu.sem_alloc : memref<!tpu.dma_semaphore, #tpu.memory_space<semaphore_mem>>
        %dma_start3A_69 = arith.constant 0 : i32
        %dma_start3A_70 = tpu.memref_slice %arg12[%add3A_68, %dma_start3A_69] : memref<10240x128xf32, #tpu.memory_space<vmem_shared>> -> memref<128x128xf32, #tpu.memory_space<vmem_shared>>
        %dma_start3A_71 = arith.constant 0 : i32
        %dma_start3A_72 = tpu.memref_slice %arg12[%add3A_68, %dma_start3A_71] : memref<10240x128xf32, #tpu.memory_space<vmem_shared>> -> memref<128x128xf32, #tpu.memory_space<vmem_shared>>
        tpu.enqueue_dma source(%arg10 : memref<128x128xf32, #tpu.memory_space<vmem>>) target(%dma_start3A_72 : memref<128x128xf32, #tpu.memory_space<vmem_shared>>) target_semaphore(%run_scoped3A : memref<!tpu.dma_semaphore, #tpu.memory_space<semaphore_mem>>)
        %dma_wait3A_73 = arith.constant 0 : i32
        %dma_wait3A_74 = tpu.memref_slice %arg12[%add3A_68, %dma_wait3A_73] : memref<10240x128xf32, #tpu.memory_space<vmem_shared>> -> memref<128x128xf32, #tpu.memory_space<vmem_shared>>
        %dma_wait3A_75 = arith.constant 0 : i32
        %dma_wait3A_76 = tpu.memref_slice %arg12[%add3A_68, %dma_wait3A_75] : memref<10240x128xf32, #tpu.memory_space<vmem_shared>> -> memref<128x128xf32, #tpu.memory_space<vmem_shared>>
        tpu.wait_dma2 semaphore(%run_scoped3A : memref<!tpu.dma_semaphore, #tpu.memory_space<semaphore_mem>>) src(%arg10 : memref<128x128xf32, #tpu.memory_space<vmem>>) dst(%dma_wait3A_76 : memref<128x128xf32, #tpu.memory_space<vmem_shared>>)
        tpu.yield
      }) : () -> ()
    }
    %scan3A_19 = arith.constant 5 : i32
    "tpu.region"() ({
      %run_scoped3A = tpu.sem_alloc : memref<!tpu.dma_semaphore, #tpu.memory_space<semaphore_mem>>
      %dma_start3A_59 = tpu.memref_slice %arg3[%mul3A_10] : memref<327680xi32, #tpu.memory_space<hbm>> -> memref<256xi32, #tpu.memory_space<hbm>>
      %dma_start3A_60 = tpu.memref_slice %arg3[%mul3A_10] : memref<327680xi32, #tpu.memory_space<hbm>> -> memref<256xi32, #tpu.memory_space<hbm>>
      tpu.enqueue_dma source(%dma_start3A_60 : memref<256xi32, #tpu.memory_space<hbm>>) target(%arg6 : memref<256xi32, #tpu.memory_space<vmem>>) target_semaphore(%run_scoped3A : memref<!tpu.dma_semaphore, #tpu.memory_space<semaphore_mem>>)
      %dma_wait3A_61 = tpu.memref_slice %arg3[%mul3A_10] : memref<327680xi32, #tpu.memory_space<hbm>> -> memref<256xi32, #tpu.memory_space<hbm>>
      %dma_wait3A_62 = tpu.memref_slice %arg3[%mul3A_10] : memref<327680xi32, #tpu.memory_space<hbm>> -> memref<256xi32, #tpu.memory_space<hbm>>
      tpu.wait_dma2 semaphore(%run_scoped3A : memref<!tpu.dma_semaphore, #tpu.memory_space<semaphore_mem>>) src(%dma_wait3A_62 : memref<256xi32, #tpu.memory_space<hbm>>) dst(%arg6 : memref<256xi32, #tpu.memory_space<vmem>>)
      tpu.yield
    }) : () -> ()
    "tpu.region"() ({
      %run_scoped3A = tpu.sem_alloc : memref<!tpu.dma_semaphore, #tpu.memory_space<semaphore_mem>>
      %dma_start3A_59 = tpu.memref_slice %arg4[%mul3A_10] : memref<327680xi32, #tpu.memory_space<hbm>> -> memref<256xi32, #tpu.memory_space<hbm>>
      %dma_start3A_60 = tpu.memref_slice %arg4[%mul3A_10] : memref<327680xi32, #tpu.memory_space<hbm>> -> memref<256xi32, #tpu.memory_space<hbm>>
      tpu.enqueue_dma source(%dma_start3A_60 : memref<256xi32, #tpu.memory_space<hbm>>) target(%arg7 : memref<256xi32, #tpu.memory_space<vmem>>) target_semaphore(%run_scoped3A : memref<!tpu.dma_semaphore, #tpu.memory_space<semaphore_mem>>)
      %dma_wait3A_61 = tpu.memref_slice %arg4[%mul3A_10] : memref<327680xi32, #tpu.memory_space<hbm>> -> memref<256xi32, #tpu.memory_space<hbm>>
      %dma_wait3A_62 = tpu.memref_slice %arg4[%mul3A_10] : memref<327680xi32, #tpu.memory_space<hbm>> -> memref<256xi32, #tpu.memory_space<hbm>>
      tpu.wait_dma2 semaphore(%run_scoped3A : memref<!tpu.dma_semaphore, #tpu.memory_space<semaphore_mem>>) src(%dma_wait3A_62 : memref<256xi32, #tpu.memory_space<hbm>>) dst(%arg7 : memref<256xi32, #tpu.memory_space<vmem>>)
      tpu.yield
    }) : () -> ()
    %dma_start3A = arith.constant 0 : i32
    %dma_start3A_20 = tpu.memref_slice %arg6[%dma_start3A] : memref<256xi32, #tpu.memory_space<vmem>> -> memref<128xi32, #tpu.memory_space<vmem>>
    %dma_start3A_21 = arith.constant 0 : i32
    %dma_start3A_22 = arith.constant 0 : i32
    %dma_start3A_23 = tpu.memref_slice %arg2[%dma_start3A_21, %dma_start3A_22] : memref<10000x128xf32, #tpu.memory_space<hbm>> -> memref<10000x128xf32, #tpu.memory_space<hbm>>
    tpu.enqueue_indirect_dma source(%dma_start3A_23 : memref<10000x128xf32, #tpu.memory_space<hbm>>) target(%arg10 : memref<128x128xf32, #tpu.memory_space<vmem>>) offsets(%dma_start3A_20 : memref<128xi32, #tpu.memory_space<vmem>>) semaphore(%arg13 : memref<!tpu.dma_semaphore, #tpu.memory_space<semaphore_mem>>)
    %dma_start3A_24 = arith.constant 128 : i32
    %dma_start3A_25 = tpu.memref_slice %arg6[%dma_start3A_24] : memref<256xi32, #tpu.memory_space<vmem>> -> memref<128xi32, #tpu.memory_space<vmem>>
    %dma_start3A_26 = arith.constant 0 : i32
    %dma_start3A_27 = arith.constant 0 : i32
    %dma_start3A_28 = tpu.memref_slice %arg2[%dma_start3A_26, %dma_start3A_27] : memref<10000x128xf32, #tpu.memory_space<hbm>> -> memref<10000x128xf32, #tpu.memory_space<hbm>>
    tpu.enqueue_indirect_dma source(%dma_start3A_28 : memref<10000x128xf32, #tpu.memory_space<hbm>>) target(%arg11 : memref<128x128xf32, #tpu.memory_space<vmem>>) offsets(%dma_start3A_25 : memref<128xi32, #tpu.memory_space<vmem>>) semaphore(%arg14 : memref<!tpu.dma_semaphore, #tpu.memory_space<semaphore_mem>>)
    %barrier3A = arith.constant 0 : index
    tpu.barrier barrier_id(%barrier3A)
    %sub3A = arith.constant 0 : i32
    %sub3A_29 = arith.subi %select_n3A, %sub3A : i32
    %sub3A_30 = arith.constant 2 : i32
    %sub3A_31 = arith.constant 1 : i32
    %sub3A_32 = arith.subi %sub3A_30, %sub3A_31 : i32
    %add3A_33 = arith.addi %sub3A_29, %sub3A_32 : i32
    %div3A = arith.constant 2 : i32
    %div3A_34 = arith.divsi %add3A_33, %div3A : i32
    %while3A = arith.constant 2 : i32
    %while3A_35 = arith.constant 0 : i32
    %while3A_36 = arith.constant 0 : i32
    %while3A_37 = arith.subi %div3A_34, %while3A_36 : i32
    %while3A_38 = arith.addi %while3A_36, %while3A_37 : i32
    %while3A_39 = arith.constant 1 : i32
    %while3A_40 = arith.divsi %while3A_37, %while3A_39 : i32
    %while3A_41 = arith.muli %while3A_40, %while3A_39 : i32
    %while3A_42 = arith.addi %while3A_36, %while3A_41 : i32
    %while3A_43 = arith.constant 1 : i32
    scf.for %while3A_59 = %while3A_36 to %while3A_42 step %while3A_43  : i32 {
      %mul3A_60 = arith.muli %while3A_59, %while3A : i32
      %add3A_61 = arith.addi %while3A_35, %mul3A_60 : i32
      %dma_wait3A_62 = arith.constant 0 : i32
      %dma_wait3A_63 = tpu.memref_slice %arg6[%dma_wait3A_62] : memref<256xi32, #tpu.memory_space<vmem>> -> memref<128xi32, #tpu.memory_space<vmem>>
      %dma_wait3A_64 = arith.constant 0 : i32
      %dma_wait3A_65 = arith.constant 0 : i32
      %dma_wait3A_66 = tpu.memref_slice %arg2[%dma_wait3A_64, %dma_wait3A_65] : memref<10000x128xf32, #tpu.memory_space<hbm>> -> memref<10000x128xf32, #tpu.memory_space<hbm>>
      tpu.wait_indirect_dma semaphore(%arg13 : memref<!tpu.dma_semaphore, #tpu.memory_space<semaphore_mem>>) src(%dma_wait3A_66 : memref<10000x128xf32, #tpu.memory_space<hbm>>) dst(%arg10 : memref<128x128xf32, #tpu.memory_space<vmem>>)
      %get3A = arith.constant 0 : index
      %get3A_67 = tpu.vector_load %arg7[%get3A] {strides = array<i32>} : memref<256xi32, #tpu.memory_space<vmem>>, vector<16xi32>,
      %get3A_68 = vector.shape_cast %get3A_67 : vector<16xi32> to vector<16xi32>
      %swap3A = arith.constant 0 : index
      %swap3A_69 = tpu.vector_load %arg8[%swap3A] {strides = array<i32>} : memref<128xi32, #tpu.memory_space<vmem>>, vector<16xi32>,
      %swap3A_70 = vector.shape_cast %swap3A_69 : vector<16xi32> to vector<16xi32>
      %swap3A_71 = vector.shape_cast %get3A_68 : vector<16xi32> to vector<16xi32>
      tpu.vector_store %arg8[%swap3A], %swap3A_71 {strides = array<i32>} : memref<128xi32, #tpu.memory_space<vmem>>, vector<16xi32>,
      %get3A_72 = arith.constant 16 : index
      %get3A_73 = tpu.vector_load %arg7[%get3A_72] {strides = array<i32>} : memref<256xi32, #tpu.memory_space<vmem>>, vector<16xi32>,
      %get3A_74 = vector.shape_cast %get3A_73 : vector<16xi32> to vector<16xi32>
      %swap3A_75 = arith.constant 16 : index
      %swap3A_76 = tpu.vector_load %arg8[%swap3A_75] {strides = array<i32>} : memref<128xi32, #tpu.memory_space<vmem>>, vector<16xi32>,
      %swap3A_77 = vector.shape_cast %swap3A_76 : vector<16xi32> to vector<16xi32>
      %swap3A_78 = vector.shape_cast %get3A_74 : vector<16xi32> to vector<16xi32>
      tpu.vector_store %arg8[%swap3A_75], %swap3A_78 {strides = array<i32>} : memref<128xi32, #tpu.memory_space<vmem>>, vector<16xi32>,
      %get3A_79 = arith.constant 32 : index
      %get3A_80 = tpu.vector_load %arg7[%get3A_79] {strides = array<i32>} : memref<256xi32, #tpu.memory_space<vmem>>, vector<16xi32>,
      %get3A_81 = vector.shape_cast %get3A_80 : vector<16xi32> to vector<16xi32>
      %swap3A_82 = arith.constant 32 : index
      %swap3A_83 = tpu.vector_load %arg8[%swap3A_82] {strides = array<i32>} : memref<128xi32, #tpu.memory_space<vmem>>, vector<16xi32>,
      %swap3A_84 = vector.shape_cast %swap3A_83 : vector<16xi32> to vector<16xi32>
      %swap3A_85 = vector.shape_cast %get3A_81 : vector<16xi32> to vector<16xi32>
      tpu.vector_store %arg8[%swap3A_82], %swap3A_85 {strides = array<i32>} : memref<128xi32, #tpu.memory_space<vmem>>, vector<16xi32>,
      %get3A_86 = arith.constant 48 : index
      %get3A_87 = tpu.vector_load %arg7[%get3A_86] {strides = array<i32>} : memref<256xi32, #tpu.memory_space<vmem>>, vector<16xi32>,
      %get3A_88 = vector.shape_cast %get3A_87 : vector<16xi32> to vector<16xi32>
      %swap3A_89 = arith.constant 48 : index
      %swap3A_90 = tpu.vector_load %arg8[%swap3A_89] {strides = array<i32>} : memref<128xi32, #tpu.memory_space<vmem>>, vector<16xi32>,
      %swap3A_91 = vector.shape_cast %swap3A_90 : vector<16xi32> to vector<16xi32>
      %swap3A_92 = vector.shape_cast %get3A_88 : vector<16xi32> to vector<16xi32>
      tpu.vector_store %arg8[%swap3A_89], %swap3A_92 {strides = array<i32>} : memref<128xi32, #tpu.memory_space<vmem>>, vector<16xi32>,
      %get3A_93 = arith.constant 64 : index
      %get3A_94 = tpu.vector_load %arg7[%get3A_93] {strides = array<i32>} : memref<256xi32, #tpu.memory_space<vmem>>, vector<16xi32>,
      %get3A_95 = vector.shape_cast %get3A_94 : vector<16xi32> to vector<16xi32>
      %swap3A_96 = arith.constant 64 : index
      %swap3A_97 = tpu.vector_load %arg8[%swap3A_96] {strides = array<i32>} : memref<128xi32, #tpu.memory_space<vmem>>, vector<16xi32>,
      %swap3A_98 = vector.shape_cast %swap3A_97 : vector<16xi32> to vector<16xi32>
      %swap3A_99 = vector.shape_cast %get3A_95 : vector<16xi32> to vector<16xi32>
      tpu.vector_store %arg8[%swap3A_96], %swap3A_99 {strides = array<i32>} : memref<128xi32, #tpu.memory_space<vmem>>, vector<16xi32>,
      %get3A_100 = arith.constant 80 : index
      %get3A_101 = tpu.vector_load %arg7[%get3A_100] {strides = array<i32>} : memref<256xi32, #tpu.memory_space<vmem>>, vector<16xi32>,
      %get3A_102 = vector.shape_cast %get3A_101 : vector<16xi32> to vector<16xi32>
      %swap3A_103 = arith.constant 80 : index
      %swap3A_104 = tpu.vector_load %arg8[%swap3A_103] {strides = array<i32>} : memref<128xi32, #tpu.memory_space<vmem>>, vector<16xi32>,
      %swap3A_105 = vector.shape_cast %swap3A_104 : vector<16xi32> to vector<16xi32>
      %swap3A_106 = vector.shape_cast %get3A_102 : vector<16xi32> to vector<16xi32>
      tpu.vector_store %arg8[%swap3A_103], %swap3A_106 {strides = array<i32>} : memref<128xi32, #tpu.memory_space<vmem>>, vector<16xi32>,
      %get3A_107 = arith.constant 96 : index
      %get3A_108 = tpu.vector_load %arg7[%get3A_107] {strides = array<i32>} : memref<256xi32, #tpu.memory_space<vmem>>, vector<16xi32>,
      %get3A_109 = vector.shape_cast %get3A_108 : vector<16xi32> to vector<16xi32>
      %swap3A_110 = arith.constant 96 : index
      %swap3A_111 = tpu.vector_load %arg8[%swap3A_110] {strides = array<i32>} : memref<128xi32, #tpu.memory_space<vmem>>, vector<16xi32>,
      %swap3A_112 = vector.shape_cast %swap3A_111 : vector<16xi32> to vector<16xi32>
      %swap3A_113 = vector.shape_cast %get3A_109 : vector<16xi32> to vector<16xi32>
      tpu.vector_store %arg8[%swap3A_110], %swap3A_113 {strides = array<i32>} : memref<128xi32, #tpu.memory_space<vmem>>, vector<16xi32>,
      %get3A_114 = arith.constant 112 : index
      %get3A_115 = tpu.vector_load %arg7[%get3A_114] {strides = array<i32>} : memref<256xi32, #tpu.memory_space<vmem>>, vector<16xi32>,
      %get3A_116 = vector.shape_cast %get3A_115 : vector<16xi32> to vector<16xi32>
      %swap3A_117 = arith.constant 112 : index
      %swap3A_118 = tpu.vector_load %arg8[%swap3A_117] {strides = array<i32>} : memref<128xi32, #tpu.memory_space<vmem>>, vector<16xi32>,
      %swap3A_119 = vector.shape_cast %swap3A_118 : vector<16xi32> to vector<16xi32>
      %swap3A_120 = vector.shape_cast %get3A_116 : vector<16xi32> to vector<16xi32>
      tpu.vector_store %arg8[%swap3A_117], %swap3A_120 {strides = array<i32>} : memref<128xi32, #tpu.memory_space<vmem>>, vector<16xi32>,
      %dma_start3A_121 = arith.constant 0 : i32
      %dma_start3A_122 = arith.constant 0 : i32
      %dma_start3A_123 = tpu.memref_slice %arg12[%dma_start3A_121, %dma_start3A_122] : memref<10240x128xf32, #tpu.memory_space<vmem_shared>> -> memref<10240x128xf32, #tpu.memory_space<vmem_shared>>
      tpu.enqueue_indirect_dma source(%arg10 : memref<128x128xf32, #tpu.memory_space<vmem>>) target(%dma_start3A_123 : memref<10240x128xf32, #tpu.memory_space<vmem_shared>>) offsets(%arg8 : memref<128xi32, #tpu.memory_space<vmem>>) semaphore(%arg15 : memref<!tpu.dma_semaphore, #tpu.memory_space<semaphore_mem>>) {add = true}
      %dma_wait3A_124 = arith.constant 128 : i32
      %dma_wait3A_125 = tpu.memref_slice %arg6[%dma_wait3A_124] : memref<256xi32, #tpu.memory_space<vmem>> -> memref<128xi32, #tpu.memory_space<vmem>>
      %dma_wait3A_126 = arith.constant 0 : i32
      %dma_wait3A_127 = arith.constant 0 : i32
      %dma_wait3A_128 = tpu.memref_slice %arg2[%dma_wait3A_126, %dma_wait3A_127] : memref<10000x128xf32, #tpu.memory_space<hbm>> -> memref<10000x128xf32, #tpu.memory_space<hbm>>
      tpu.wait_indirect_dma semaphore(%arg14 : memref<!tpu.dma_semaphore, #tpu.memory_space<semaphore_mem>>) src(%dma_wait3A_128 : memref<10000x128xf32, #tpu.memory_space<hbm>>) dst(%arg11 : memref<128x128xf32, #tpu.memory_space<vmem>>)
      %get3A_129 = arith.constant 128 : index
      %get3A_130 = tpu.vector_load %arg7[%get3A_129] {strides = array<i32>} : memref<256xi32, #tpu.memory_space<vmem>>, vector<16xi32>,
      %get3A_131 = vector.shape_cast %get3A_130 : vector<16xi32> to vector<16xi32>
      %swap3A_132 = arith.constant 0 : index
      %swap3A_133 = tpu.vector_load %arg9[%swap3A_132] {strides = array<i32>} : memref<128xi32, #tpu.memory_space<vmem>>, vector<16xi32>,
      %swap3A_134 = vector.shape_cast %swap3A_133 : vector<16xi32> to vector<16xi32>
      %swap3A_135 = vector.shape_cast %get3A_131 : vector<16xi32> to vector<16xi32>
      tpu.vector_store %arg9[%swap3A_132], %swap3A_135 {strides = array<i32>} : memref<128xi32, #tpu.memory_space<vmem>>, vector<16xi32>,
      %get3A_136 = arith.constant 144 : index
      %get3A_137 = tpu.vector_load %arg7[%get3A_136] {strides = array<i32>} : memref<256xi32, #tpu.memory_space<vmem>>, vector<16xi32>,
      %get3A_138 = vector.shape_cast %get3A_137 : vector<16xi32> to vector<16xi32>
      %swap3A_139 = arith.constant 16 : index
      %swap3A_140 = tpu.vector_load %arg9[%swap3A_139] {strides = array<i32>} : memref<128xi32, #tpu.memory_space<vmem>>, vector<16xi32>,
      %swap3A_141 = vector.shape_cast %swap3A_140 : vector<16xi32> to vector<16xi32>
      %swap3A_142 = vector.shape_cast %get3A_138 : vector<16xi32> to vector<16xi32>
      tpu.vector_store %arg9[%swap3A_139], %swap3A_142 {strides = array<i32>} : memref<128xi32, #tpu.memory_space<vmem>>, vector<16xi32>,
      %get3A_143 = arith.constant 160 : index
      %get3A_144 = tpu.vector_load %arg7[%get3A_143] {strides = array<i32>} : memref<256xi32, #tpu.memory_space<vmem>>, vector<16xi32>,
      %get3A_145 = vector.shape_cast %get3A_144 : vector<16xi32> to vector<16xi32>
      %swap3A_146 = arith.constant 32 : index
      %swap3A_147 = tpu.vector_load %arg9[%swap3A_146] {strides = array<i32>} : memref<128xi32, #tpu.memory_space<vmem>>, vector<16xi32>,
      %swap3A_148 = vector.shape_cast %swap3A_147 : vector<16xi32> to vector<16xi32>
      %swap3A_149 = vector.shape_cast %get3A_145 : vector<16xi32> to vector<16xi32>
      tpu.vector_store %arg9[%swap3A_146], %swap3A_149 {strides = array<i32>} : memref<128xi32, #tpu.memory_space<vmem>>, vector<16xi32>,
      %get3A_150 = arith.constant 176 : index
      %get3A_151 = tpu.vector_load %arg7[%get3A_150] {strides = array<i32>} : memref<256xi32, #tpu.memory_space<vmem>>, vector<16xi32>,
      %get3A_152 = vector.shape_cast %get3A_151 : vector<16xi32> to vector<16xi32>
      %swap3A_153 = arith.constant 48 : index
      %swap3A_154 = tpu.vector_load %arg9[%swap3A_153] {strides = array<i32>} : memref<128xi32, #tpu.memory_space<vmem>>, vector<16xi32>,
      %swap3A_155 = vector.shape_cast %swap3A_154 : vector<16xi32> to vector<16xi32>
      %swap3A_156 = vector.shape_cast %get3A_152 : vector<16xi32> to vector<16xi32>
      tpu.vector_store %arg9[%swap3A_153], %swap3A_156 {strides = array<i32>} : memref<128xi32, #tpu.memory_space<vmem>>, vector<16xi32>,
      %get3A_157 = arith.constant 192 : index
      %get3A_158 = tpu.vector_load %arg7[%get3A_157] {strides = array<i32>} : memref<256xi32, #tpu.memory_space<vmem>>, vector<16xi32>,
      %get3A_159 = vector.shape_cast %get3A_158 : vector<16xi32> to vector<16xi32>
      %swap3A_160 = arith.constant 64 : index
      %swap3A_161 = tpu.vector_load %arg9[%swap3A_160] {strides = array<i32>} : memref<128xi32, #tpu.memory_space<vmem>>, vector<16xi32>,
      %swap3A_162 = vector.shape_cast %swap3A_161 : vector<16xi32> to vector<16xi32>
      %swap3A_163 = vector.shape_cast %get3A_159 : vector<16xi32> to vector<16xi32>
      tpu.vector_store %arg9[%swap3A_160], %swap3A_163 {strides = array<i32>} : memref<128xi32, #tpu.memory_space<vmem>>, vector<16xi32>,
      %get3A_164 = arith.constant 208 : index
      %get3A_165 = tpu.vector_load %arg7[%get3A_164] {strides = array<i32>} : memref<256xi32, #tpu.memory_space<vmem>>, vector<16xi32>,
      %get3A_166 = vector.shape_cast %get3A_165 : vector<16xi32> to vector<16xi32>
      %swap3A_167 = arith.constant 80 : index
      %swap3A_168 = tpu.vector_load %arg9[%swap3A_167] {strides = array<i32>} : memref<128xi32, #tpu.memory_space<vmem>>, vector<16xi32>,
      %swap3A_169 = vector.shape_cast %swap3A_168 : vector<16xi32> to vector<16xi32>
      %swap3A_170 = vector.shape_cast %get3A_166 : vector<16xi32> to vector<16xi32>
      tpu.vector_store %arg9[%swap3A_167], %swap3A_170 {strides = array<i32>} : memref<128xi32, #tpu.memory_space<vmem>>, vector<16xi32>,
      %get3A_171 = arith.constant 224 : index
      %get3A_172 = tpu.vector_load %arg7[%get3A_171] {strides = array<i32>} : memref<256xi32, #tpu.memory_space<vmem>>, vector<16xi32>,
      %get3A_173 = vector.shape_cast %get3A_172 : vector<16xi32> to vector<16xi32>
      %swap3A_174 = arith.constant 96 : index
      %swap3A_175 = tpu.vector_load %arg9[%swap3A_174] {strides = array<i32>} : memref<128xi32, #tpu.memory_space<vmem>>, vector<16xi32>,
      %swap3A_176 = vector.shape_cast %swap3A_175 : vector<16xi32> to vector<16xi32>
      %swap3A_177 = vector.shape_cast %get3A_173 : vector<16xi32> to vector<16xi32>
      tpu.vector_store %arg9[%swap3A_174], %swap3A_177 {strides = array<i32>} : memref<128xi32, #tpu.memory_space<vmem>>, vector<16xi32>,
      %get3A_178 = arith.constant 240 : index
      %get3A_179 = tpu.vector_load %arg7[%get3A_178] {strides = array<i32>} : memref<256xi32, #tpu.memory_space<vmem>>, vector<16xi32>,
      %get3A_180 = vector.shape_cast %get3A_179 : vector<16xi32> to vector<16xi32>
      %swap3A_181 = arith.constant 112 : index
      %swap3A_182 = tpu.vector_load %arg9[%swap3A_181] {strides = array<i32>} : memref<128xi32, #tpu.memory_space<vmem>>, vector<16xi32>,
      %swap3A_183 = vector.shape_cast %swap3A_182 : vector<16xi32> to vector<16xi32>
      %swap3A_184 = vector.shape_cast %get3A_180 : vector<16xi32> to vector<16xi32>
      tpu.vector_store %arg9[%swap3A_181], %swap3A_184 {strides = array<i32>} : memref<128xi32, #tpu.memory_space<vmem>>, vector<16xi32>,
      %dma_start3A_185 = arith.constant 0 : i32
      %dma_start3A_186 = arith.constant 0 : i32
      %dma_start3A_187 = tpu.memref_slice %arg12[%dma_start3A_185, %dma_start3A_186] : memref<10240x128xf32, #tpu.memory_space<vmem_shared>> -> memref<10240x128xf32, #tpu.memory_space<vmem_shared>>
      tpu.enqueue_indirect_dma source(%arg11 : memref<128x128xf32, #tpu.memory_space<vmem>>) target(%dma_start3A_187 : memref<10240x128xf32, #tpu.memory_space<vmem_shared>>) offsets(%arg9 : memref<128xi32, #tpu.memory_space<vmem>>) semaphore(%arg16 : memref<!tpu.dma_semaphore, #tpu.memory_space<semaphore_mem>>) {add = true}
      %add3A_188 = arith.constant 2 : i32
      %add3A_189 = arith.addi %add3A_61, %add3A_188 : i32
      %rem3A = arith.remsi %add3A_189, %select_n3A : i32
      %mul3A_190 = arith.constant 128 : i32
      %mul3A_191 = arith.muli %rem3A, %mul3A_190 : i32
      %add3A_192 = arith.addi %mul3A_10, %mul3A_191 : i32
      "tpu.region"() ({
        %run_scoped3A = tpu.sem_alloc : memref<!tpu.dma_semaphore, #tpu.memory_space<semaphore_mem>>
        %dma_start3A_209 = tpu.memref_slice %arg3[%add3A_192] : memref<327680xi32, #tpu.memory_space<hbm>> -> memref<256xi32, #tpu.memory_space<hbm>>
        %dma_start3A_210 = tpu.memref_slice %arg3[%add3A_192] : memref<327680xi32, #tpu.memory_space<hbm>> -> memref<256xi32, #tpu.memory_space<hbm>>
        tpu.enqueue_dma source(%dma_start3A_210 : memref<256xi32, #tpu.memory_space<hbm>>) target(%arg6 : memref<256xi32, #tpu.memory_space<vmem>>) target_semaphore(%run_scoped3A : memref<!tpu.dma_semaphore, #tpu.memory_space<semaphore_mem>>)
        %dma_wait3A_211 = tpu.memref_slice %arg3[%add3A_192] : memref<327680xi32, #tpu.memory_space<hbm>> -> memref<256xi32, #tpu.memory_space<hbm>>
        %dma_wait3A_212 = tpu.memref_slice %arg3[%add3A_192] : memref<327680xi32, #tpu.memory_space<hbm>> -> memref<256xi32, #tpu.memory_space<hbm>>
        tpu.wait_dma2 semaphore(%run_scoped3A : memref<!tpu.dma_semaphore, #tpu.memory_space<semaphore_mem>>) src(%dma_wait3A_212 : memref<256xi32, #tpu.memory_space<hbm>>) dst(%arg6 : memref<256xi32, #tpu.memory_space<vmem>>)
        tpu.yield
      }) : () -> ()
      "tpu.region"() ({
        %run_scoped3A = tpu.sem_alloc : memref<!tpu.dma_semaphore, #tpu.memory_space<semaphore_mem>>
        %dma_start3A_209 = tpu.memref_slice %arg4[%add3A_192] : memref<327680xi32, #tpu.memory_space<hbm>> -> memref<256xi32, #tpu.memory_space<hbm>>
        %dma_start3A_210 = tpu.memref_slice %arg4[%add3A_192] : memref<327680xi32, #tpu.memory_space<hbm>> -> memref<256xi32, #tpu.memory_space<hbm>>
        tpu.enqueue_dma source(%dma_start3A_210 : memref<256xi32, #tpu.memory_space<hbm>>) target(%arg7 : memref<256xi32, #tpu.memory_space<vmem>>) target_semaphore(%run_scoped3A : memref<!tpu.dma_semaphore, #tpu.memory_space<semaphore_mem>>)
        %dma_wait3A_211 = tpu.memref_slice %arg4[%add3A_192] : memref<327680xi32, #tpu.memory_space<hbm>> -> memref<256xi32, #tpu.memory_space<hbm>>
        %dma_wait3A_212 = tpu.memref_slice %arg4[%add3A_192] : memref<327680xi32, #tpu.memory_space<hbm>> -> memref<256xi32, #tpu.memory_space<hbm>>
        tpu.wait_dma2 semaphore(%run_scoped3A : memref<!tpu.dma_semaphore, #tpu.memory_space<semaphore_mem>>) src(%dma_wait3A_212 : memref<256xi32, #tpu.memory_space<hbm>>) dst(%arg7 : memref<256xi32, #tpu.memory_space<vmem>>)
        tpu.yield
      }) : () -> ()
      %dma_wait3A_193 = arith.constant 0 : i32
      %dma_wait3A_194 = arith.constant 0 : i32
      %dma_wait3A_195 = tpu.memref_slice %arg12[%dma_wait3A_193, %dma_wait3A_194] : memref<10240x128xf32, #tpu.memory_space<vmem_shared>> -> memref<10240x128xf32, #tpu.memory_space<vmem_shared>>
      tpu.wait_indirect_dma semaphore(%arg15 : memref<!tpu.dma_semaphore, #tpu.memory_space<semaphore_mem>>) src(%arg10 : memref<128x128xf32, #tpu.memory_space<vmem>>) dst(%dma_wait3A_195 : memref<10240x128xf32, #tpu.memory_space<vmem_shared>>)
      %dma_start3A_196 = arith.constant 0 : i32
      %dma_start3A_197 = tpu.memref_slice %arg6[%dma_start3A_196] : memref<256xi32, #tpu.memory_space<vmem>> -> memref<128xi32, #tpu.memory_space<vmem>>
      %dma_start3A_198 = arith.constant 0 : i32
      %dma_start3A_199 = arith.constant 0 : i32
      %dma_start3A_200 = tpu.memref_slice %arg2[%dma_start3A_198, %dma_start3A_199] : memref<10000x128xf32, #tpu.memory_space<hbm>> -> memref<10000x128xf32, #tpu.memory_space<hbm>>
      tpu.enqueue_indirect_dma source(%dma_start3A_200 : memref<10000x128xf32, #tpu.memory_space<hbm>>) target(%arg10 : memref<128x128xf32, #tpu.memory_space<vmem>>) offsets(%dma_start3A_197 : memref<128xi32, #tpu.memory_space<vmem>>) semaphore(%arg13 : memref<!tpu.dma_semaphore, #tpu.memory_space<semaphore_mem>>)
      %dma_wait3A_201 = arith.constant 0 : i32
      %dma_wait3A_202 = arith.constant 0 : i32
      %dma_wait3A_203 = tpu.memref_slice %arg12[%dma_wait3A_201, %dma_wait3A_202] : memref<10240x128xf32, #tpu.memory_space<vmem_shared>> -> memref<10240x128xf32, #tpu.memory_space<vmem_shared>>
      tpu.wait_indirect_dma semaphore(%arg16 : memref<!tpu.dma_semaphore, #tpu.memory_space<semaphore_mem>>) src(%arg11 : memref<128x128xf32, #tpu.memory_space<vmem>>) dst(%dma_wait3A_203 : memref<10240x128xf32, #tpu.memory_space<vmem_shared>>)
      %dma_start3A_204 = arith.constant 128 : i32
      %dma_start3A_205 = tpu.memref_slice %arg6[%dma_start3A_204] : memref<256xi32, #tpu.memory_space<vmem>> -> memref<128xi32, #tpu.memory_space<vmem>>
      %dma_start3A_206 = arith.constant 0 : i32
      %dma_start3A_207 = arith.constant 0 : i32
      %dma_start3A_208 = tpu.memref_slice %arg2[%dma_start3A_206, %dma_start3A_207] : memref<10000x128xf32, #tpu.memory_space<hbm>> -> memref<10000x128xf32, #tpu.memory_space<hbm>>
      tpu.enqueue_indirect_dma source(%dma_start3A_208 : memref<10000x128xf32, #tpu.memory_space<hbm>>) target(%arg11 : memref<128x128xf32, #tpu.memory_space<vmem>>) offsets(%dma_start3A_205 : memref<128xi32, #tpu.memory_space<vmem>>) semaphore(%arg14 : memref<!tpu.dma_semaphore, #tpu.memory_space<semaphore_mem>>)
    }
    %while3A_44 = arith.constant 1 : i32
    scf.for %while3A_59 = %while3A_42 to %while3A_38 step %while3A_44  : i32 {
      %mul3A_60 = arith.muli %while3A_59, %while3A : i32
      %add3A_61 = arith.addi %while3A_35, %mul3A_60 : i32
      %dma_wait3A_62 = arith.constant 0 : i32
      %dma_wait3A_63 = tpu.memref_slice %arg6[%dma_wait3A_62] : memref<256xi32, #tpu.memory_space<vmem>> -> memref<128xi32, #tpu.memory_space<vmem>>
      %dma_wait3A_64 = arith.constant 0 : i32
      %dma_wait3A_65 = arith.constant 0 : i32
      %dma_wait3A_66 = tpu.memref_slice %arg2[%dma_wait3A_64, %dma_wait3A_65] : memref<10000x128xf32, #tpu.memory_space<hbm>> -> memref<10000x128xf32, #tpu.memory_space<hbm>>
      tpu.wait_indirect_dma semaphore(%arg13 : memref<!tpu.dma_semaphore, #tpu.memory_space<semaphore_mem>>) src(%dma_wait3A_66 : memref<10000x128xf32, #tpu.memory_space<hbm>>) dst(%arg10 : memref<128x128xf32, #tpu.memory_space<vmem>>)
      %get3A = arith.constant 0 : index
      %get3A_67 = tpu.vector_load %arg7[%get3A] {strides = array<i32>} : memref<256xi32, #tpu.memory_space<vmem>>, vector<16xi32>,
      %get3A_68 = vector.shape_cast %get3A_67 : vector<16xi32> to vector<16xi32>
      %swap3A = arith.constant 0 : index
      %swap3A_69 = tpu.vector_load %arg8[%swap3A] {strides = array<i32>} : memref<128xi32, #tpu.memory_space<vmem>>, vector<16xi32>,
      %swap3A_70 = vector.shape_cast %swap3A_69 : vector<16xi32> to vector<16xi32>
      %swap3A_71 = vector.shape_cast %get3A_68 : vector<16xi32> to vector<16xi32>
      tpu.vector_store %arg8[%swap3A], %swap3A_71 {strides = array<i32>} : memref<128xi32, #tpu.memory_space<vmem>>, vector<16xi32>,
      %get3A_72 = arith.constant 16 : index
      %get3A_73 = tpu.vector_load %arg7[%get3A_72] {strides = array<i32>} : memref<256xi32, #tpu.memory_space<vmem>>, vector<16xi32>,
      %get3A_74 = vector.shape_cast %get3A_73 : vector<16xi32> to vector<16xi32>
      %swap3A_75 = arith.constant 16 : index
      %swap3A_76 = tpu.vector_load %arg8[%swap3A_75] {strides = array<i32>} : memref<128xi32, #tpu.memory_space<vmem>>, vector<16xi32>,
      %swap3A_77 = vector.shape_cast %swap3A_76 : vector<16xi32> to vector<16xi32>
      %swap3A_78 = vector.shape_cast %get3A_74 : vector<16xi32> to vector<16xi32>
      tpu.vector_store %arg8[%swap3A_75], %swap3A_78 {strides = array<i32>} : memref<128xi32, #tpu.memory_space<vmem>>, vector<16xi32>,
      %get3A_79 = arith.constant 32 : index
      %get3A_80 = tpu.vector_load %arg7[%get3A_79] {strides = array<i32>} : memref<256xi32, #tpu.memory_space<vmem>>, vector<16xi32>,
      %get3A_81 = vector.shape_cast %get3A_80 : vector<16xi32> to vector<16xi32>
      %swap3A_82 = arith.constant 32 : index
      %swap3A_83 = tpu.vector_load %arg8[%swap3A_82] {strides = array<i32>} : memref<128xi32, #tpu.memory_space<vmem>>, vector<16xi32>,
      %swap3A_84 = vector.shape_cast %swap3A_83 : vector<16xi32> to vector<16xi32>
      %swap3A_85 = vector.shape_cast %get3A_81 : vector<16xi32> to vector<16xi32>
      tpu.vector_store %arg8[%swap3A_82], %swap3A_85 {strides = array<i32>} : memref<128xi32, #tpu.memory_space<vmem>>, vector<16xi32>,
      %get3A_86 = arith.constant 48 : index
      %get3A_87 = tpu.vector_load %arg7[%get3A_86] {strides = array<i32>} : memref<256xi32, #tpu.memory_space<vmem>>, vector<16xi32>,
      %get3A_88 = vector.shape_cast %get3A_87 : vector<16xi32> to vector<16xi32>
      %swap3A_89 = arith.constant 48 : index
      %swap3A_90 = tpu.vector_load %arg8[%swap3A_89] {strides = array<i32>} : memref<128xi32, #tpu.memory_space<vmem>>, vector<16xi32>,
      %swap3A_91 = vector.shape_cast %swap3A_90 : vector<16xi32> to vector<16xi32>
      %swap3A_92 = vector.shape_cast %get3A_88 : vector<16xi32> to vector<16xi32>
      tpu.vector_store %arg8[%swap3A_89], %swap3A_92 {strides = array<i32>} : memref<128xi32, #tpu.memory_space<vmem>>, vector<16xi32>,
      %get3A_93 = arith.constant 64 : index
      %get3A_94 = tpu.vector_load %arg7[%get3A_93] {strides = array<i32>} : memref<256xi32, #tpu.memory_space<vmem>>, vector<16xi32>,
      %get3A_95 = vector.shape_cast %get3A_94 : vector<16xi32> to vector<16xi32>
      %swap3A_96 = arith.constant 64 : index
      %swap3A_97 = tpu.vector_load %arg8[%swap3A_96] {strides = array<i32>} : memref<128xi32, #tpu.memory_space<vmem>>, vector<16xi32>,
      %swap3A_98 = vector.shape_cast %swap3A_97 : vector<16xi32> to vector<16xi32>
      %swap3A_99 = vector.shape_cast %get3A_95 : vector<16xi32> to vector<16xi32>
      tpu.vector_store %arg8[%swap3A_96], %swap3A_99 {strides = array<i32>} : memref<128xi32, #tpu.memory_space<vmem>>, vector<16xi32>,
      %get3A_100 = arith.constant 80 : index
      %get3A_101 = tpu.vector_load %arg7[%get3A_100] {strides = array<i32>} : memref<256xi32, #tpu.memory_space<vmem>>, vector<16xi32>,
      %get3A_102 = vector.shape_cast %get3A_101 : vector<16xi32> to vector<16xi32>
      %swap3A_103 = arith.constant 80 : index
      %swap3A_104 = tpu.vector_load %arg8[%swap3A_103] {strides = array<i32>} : memref<128xi32, #tpu.memory_space<vmem>>, vector<16xi32>,
      %swap3A_105 = vector.shape_cast %swap3A_104 : vector<16xi32> to vector<16xi32>
      %swap3A_106 = vector.shape_cast %get3A_102 : vector<16xi32> to vector<16xi32>
      tpu.vector_store %arg8[%swap3A_103], %swap3A_106 {strides = array<i32>} : memref<128xi32, #tpu.memory_space<vmem>>, vector<16xi32>,
      %get3A_107 = arith.constant 96 : index
      %get3A_108 = tpu.vector_load %arg7[%get3A_107] {strides = array<i32>} : memref<256xi32, #tpu.memory_space<vmem>>, vector<16xi32>,
      %get3A_109 = vector.shape_cast %get3A_108 : vector<16xi32> to vector<16xi32>
      %swap3A_110 = arith.constant 96 : index
      %swap3A_111 = tpu.vector_load %arg8[%swap3A_110] {strides = array<i32>} : memref<128xi32, #tpu.memory_space<vmem>>, vector<16xi32>,
      %swap3A_112 = vector.shape_cast %swap3A_111 : vector<16xi32> to vector<16xi32>
      %swap3A_113 = vector.shape_cast %get3A_109 : vector<16xi32> to vector<16xi32>
      tpu.vector_store %arg8[%swap3A_110], %swap3A_113 {strides = array<i32>} : memref<128xi32, #tpu.memory_space<vmem>>, vector<16xi32>,
      %get3A_114 = arith.constant 112 : index
      %get3A_115 = tpu.vector_load %arg7[%get3A_114] {strides = array<i32>} : memref<256xi32, #tpu.memory_space<vmem>>, vector<16xi32>,
      %get3A_116 = vector.shape_cast %get3A_115 : vector<16xi32> to vector<16xi32>
      %swap3A_117 = arith.constant 112 : index
      %swap3A_118 = tpu.vector_load %arg8[%swap3A_117] {strides = array<i32>} : memref<128xi32, #tpu.memory_space<vmem>>, vector<16xi32>,
      %swap3A_119 = vector.shape_cast %swap3A_118 : vector<16xi32> to vector<16xi32>
      %swap3A_120 = vector.shape_cast %get3A_116 : vector<16xi32> to vector<16xi32>
      tpu.vector_store %arg8[%swap3A_117], %swap3A_120 {strides = array<i32>} : memref<128xi32, #tpu.memory_space<vmem>>, vector<16xi32>,
      %dma_start3A_121 = arith.constant 0 : i32
      %dma_start3A_122 = arith.constant 0 : i32
      %dma_start3A_123 = tpu.memref_slice %arg12[%dma_start3A_121, %dma_start3A_122] : memref<10240x128xf32, #tpu.memory_space<vmem_shared>> -> memref<10240x128xf32, #tpu.memory_space<vmem_shared>>
      tpu.enqueue_indirect_dma source(%arg10 : memref<128x128xf32, #tpu.memory_space<vmem>>) target(%dma_start3A_123 : memref<10240x128xf32, #tpu.memory_space<vmem_shared>>) offsets(%arg8 : memref<128xi32, #tpu.memory_space<vmem>>) semaphore(%arg15 : memref<!tpu.dma_semaphore, #tpu.memory_space<semaphore_mem>>) {add = true}
      %dma_wait3A_124 = arith.constant 128 : i32
      %dma_wait3A_125 = tpu.memref_slice %arg6[%dma_wait3A_124] : memref<256xi32, #tpu.memory_space<vmem>> -> memref<128xi32, #tpu.memory_space<vmem>>
      %dma_wait3A_126 = arith.constant 0 : i32
      %dma_wait3A_127 = arith.constant 0 : i32
      %dma_wait3A_128 = tpu.memref_slice %arg2[%dma_wait3A_126, %dma_wait3A_127] : memref<10000x128xf32, #tpu.memory_space<hbm>> -> memref<10000x128xf32, #tpu.memory_space<hbm>>
      tpu.wait_indirect_dma semaphore(%arg14 : memref<!tpu.dma_semaphore, #tpu.memory_space<semaphore_mem>>) src(%dma_wait3A_128 : memref<10000x128xf32, #tpu.memory_space<hbm>>) dst(%arg11 : memref<128x128xf32, #tpu.memory_space<vmem>>)
      %get3A_129 = arith.constant 128 : index
      %get3A_130 = tpu.vector_load %arg7[%get3A_129] {strides = array<i32>} : memref<256xi32, #tpu.memory_space<vmem>>, vector<16xi32>,
      %get3A_131 = vector.shape_cast %get3A_130 : vector<16xi32> to vector<16xi32>
      %swap3A_132 = arith.constant 0 : index
      %swap3A_133 = tpu.vector_load %arg9[%swap3A_132] {strides = array<i32>} : memref<128xi32, #tpu.memory_space<vmem>>, vector<16xi32>,
      %swap3A_134 = vector.shape_cast %swap3A_133 : vector<16xi32> to vector<16xi32>
      %swap3A_135 = vector.shape_cast %get3A_131 : vector<16xi32> to vector<16xi32>
      tpu.vector_store %arg9[%swap3A_132], %swap3A_135 {strides = array<i32>} : memref<128xi32, #tpu.memory_space<vmem>>, vector<16xi32>,
      %get3A_136 = arith.constant 144 : index
      %get3A_137 = tpu.vector_load %arg7[%get3A_136] {strides = array<i32>} : memref<256xi32, #tpu.memory_space<vmem>>, vector<16xi32>,
      %get3A_138 = vector.shape_cast %get3A_137 : vector<16xi32> to vector<16xi32>
      %swap3A_139 = arith.constant 16 : index
      %swap3A_140 = tpu.vector_load %arg9[%swap3A_139] {strides = array<i32>} : memref<128xi32, #tpu.memory_space<vmem>>, vector<16xi32>,
      %swap3A_141 = vector.shape_cast %swap3A_140 : vector<16xi32> to vector<16xi32>
      %swap3A_142 = vector.shape_cast %get3A_138 : vector<16xi32> to vector<16xi32>
      tpu.vector_store %arg9[%swap3A_139], %swap3A_142 {strides = array<i32>} : memref<128xi32, #tpu.memory_space<vmem>>, vector<16xi32>,
      %get3A_143 = arith.constant 160 : index
      %get3A_144 = tpu.vector_load %arg7[%get3A_143] {strides = array<i32>} : memref<256xi32, #tpu.memory_space<vmem>>, vector<16xi32>,
      %get3A_145 = vector.shape_cast %get3A_144 : vector<16xi32> to vector<16xi32>
      %swap3A_146 = arith.constant 32 : index
      %swap3A_147 = tpu.vector_load %arg9[%swap3A_146] {strides = array<i32>} : memref<128xi32, #tpu.memory_space<vmem>>, vector<16xi32>,
      %swap3A_148 = vector.shape_cast %swap3A_147 : vector<16xi32> to vector<16xi32>
      %swap3A_149 = vector.shape_cast %get3A_145 : vector<16xi32> to vector<16xi32>
      tpu.vector_store %arg9[%swap3A_146], %swap3A_149 {strides = array<i32>} : memref<128xi32, #tpu.memory_space<vmem>>, vector<16xi32>,
      %get3A_150 = arith.constant 176 : index
      %get3A_151 = tpu.vector_load %arg7[%get3A_150] {strides = array<i32>} : memref<256xi32, #tpu.memory_space<vmem>>, vector<16xi32>,
      %get3A_152 = vector.shape_cast %get3A_151 : vector<16xi32> to vector<16xi32>
      %swap3A_153 = arith.constant 48 : index
      %swap3A_154 = tpu.vector_load %arg9[%swap3A_153] {strides = array<i32>} : memref<128xi32, #tpu.memory_space<vmem>>, vector<16xi32>,
      %swap3A_155 = vector.shape_cast %swap3A_154 : vector<16xi32> to vector<16xi32>
      %swap3A_156 = vector.shape_cast %get3A_152 : vector<16xi32> to vector<16xi32>
      tpu.vector_store %arg9[%swap3A_153], %swap3A_156 {strides = array<i32>} : memref<128xi32, #tpu.memory_space<vmem>>, vector<16xi32>,
      %get3A_157 = arith.constant 192 : index
      %get3A_158 = tpu.vector_load %arg7[%get3A_157] {strides = array<i32>} : memref<256xi32, #tpu.memory_space<vmem>>, vector<16xi32>,
      %get3A_159 = vector.shape_cast %get3A_158 : vector<16xi32> to vector<16xi32>
      %swap3A_160 = arith.constant 64 : index
      %swap3A_161 = tpu.vector_load %arg9[%swap3A_160] {strides = array<i32>} : memref<128xi32, #tpu.memory_space<vmem>>, vector<16xi32>,
      %swap3A_162 = vector.shape_cast %swap3A_161 : vector<16xi32> to vector<16xi32>
      %swap3A_163 = vector.shape_cast %get3A_159 : vector<16xi32> to vector<16xi32>
      tpu.vector_store %arg9[%swap3A_160], %swap3A_163 {strides = array<i32>} : memref<128xi32, #tpu.memory_space<vmem>>, vector<16xi32>,
      %get3A_164 = arith.constant 208 : index
      %get3A_165 = tpu.vector_load %arg7[%get3A_164] {strides = array<i32>} : memref<256xi32, #tpu.memory_space<vmem>>, vector<16xi32>,
      %get3A_166 = vector.shape_cast %get3A_165 : vector<16xi32> to vector<16xi32>
      %swap3A_167 = arith.constant 80 : index
      %swap3A_168 = tpu.vector_load %arg9[%swap3A_167] {strides = array<i32>} : memref<128xi32, #tpu.memory_space<vmem>>, vector<16xi32>,
      %swap3A_169 = vector.shape_cast %swap3A_168 : vector<16xi32> to vector<16xi32>
      %swap3A_170 = vector.shape_cast %get3A_166 : vector<16xi32> to vector<16xi32>
      tpu.vector_store %arg9[%swap3A_167], %swap3A_170 {strides = array<i32>} : memref<128xi32, #tpu.memory_space<vmem>>, vector<16xi32>,
      %get3A_171 = arith.constant 224 : index
      %get3A_172 = tpu.vector_load %arg7[%get3A_171] {strides = array<i32>} : memref<256xi32, #tpu.memory_space<vmem>>, vector<16xi32>,
      %get3A_173 = vector.shape_cast %get3A_172 : vector<16xi32> to vector<16xi32>
      %swap3A_174 = arith.constant 96 : index
      %swap3A_175 = tpu.vector_load %arg9[%swap3A_174] {strides = array<i32>} : memref<128xi32, #tpu.memory_space<vmem>>, vector<16xi32>,
      %swap3A_176 = vector.shape_cast %swap3A_175 : vector<16xi32> to vector<16xi32>
      %swap3A_177 = vector.shape_cast %get3A_173 : vector<16xi32> to vector<16xi32>
      tpu.vector_store %arg9[%swap3A_174], %swap3A_177 {strides = array<i32>} : memref<128xi32, #tpu.memory_space<vmem>>, vector<16xi32>,
      %get3A_178 = arith.constant 240 : index
      %get3A_179 = tpu.vector_load %arg7[%get3A_178] {strides = array<i32>} : memref<256xi32, #tpu.memory_space<vmem>>, vector<16xi32>,
      %get3A_180 = vector.shape_cast %get3A_179 : vector<16xi32> to vector<16xi32>
      %swap3A_181 = arith.constant 112 : index
      %swap3A_182 = tpu.vector_load %arg9[%swap3A_181] {strides = array<i32>} : memref<128xi32, #tpu.memory_space<vmem>>, vector<16xi32>,
      %swap3A_183 = vector.shape_cast %swap3A_182 : vector<16xi32> to vector<16xi32>
      %swap3A_184 = vector.shape_cast %get3A_180 : vector<16xi32> to vector<16xi32>
      tpu.vector_store %arg9[%swap3A_181], %swap3A_184 {strides = array<i32>} : memref<128xi32, #tpu.memory_space<vmem>>, vector<16xi32>,
      %dma_start3A_185 = arith.constant 0 : i32
      %dma_start3A_186 = arith.constant 0 : i32
      %dma_start3A_187 = tpu.memref_slice %arg12[%dma_start3A_185, %dma_start3A_186] : memref<10240x128xf32, #tpu.memory_space<vmem_shared>> -> memref<10240x128xf32, #tpu.memory_space<vmem_shared>>
      tpu.enqueue_indirect_dma source(%arg11 : memref<128x128xf32, #tpu.memory_space<vmem>>) target(%dma_start3A_187 : memref<10240x128xf32, #tpu.memory_space<vmem_shared>>) offsets(%arg9 : memref<128xi32, #tpu.memory_space<vmem>>) semaphore(%arg16 : memref<!tpu.dma_semaphore, #tpu.memory_space<semaphore_mem>>) {add = true}
      %add3A_188 = arith.constant 2 : i32
      %add3A_189 = arith.addi %add3A_61, %add3A_188 : i32
      %rem3A = arith.remsi %add3A_189, %select_n3A : i32
      %mul3A_190 = arith.constant 128 : i32
      %mul3A_191 = arith.muli %rem3A, %mul3A_190 : i32
      %add3A_192 = arith.addi %mul3A_10, %mul3A_191 : i32
      "tpu.region"() ({
        %run_scoped3A = tpu.sem_alloc : memref<!tpu.dma_semaphore, #tpu.memory_space<semaphore_mem>>
        %dma_start3A_209 = tpu.memref_slice %arg3[%add3A_192] : memref<327680xi32, #tpu.memory_space<hbm>> -> memref<256xi32, #tpu.memory_space<hbm>>
        %dma_start3A_210 = tpu.memref_slice %arg3[%add3A_192] : memref<327680xi32, #tpu.memory_space<hbm>> -> memref<256xi32, #tpu.memory_space<hbm>>
        tpu.enqueue_dma source(%dma_start3A_210 : memref<256xi32, #tpu.memory_space<hbm>>) target(%arg6 : memref<256xi32, #tpu.memory_space<vmem>>) target_semaphore(%run_scoped3A : memref<!tpu.dma_semaphore, #tpu.memory_space<semaphore_mem>>)
        %dma_wait3A_211 = tpu.memref_slice %arg3[%add3A_192] : memref<327680xi32, #tpu.memory_space<hbm>> -> memref<256xi32, #tpu.memory_space<hbm>>
        %dma_wait3A_212 = tpu.memref_slice %arg3[%add3A_192] : memref<327680xi32, #tpu.memory_space<hbm>> -> memref<256xi32, #tpu.memory_space<hbm>>
        tpu.wait_dma2 semaphore(%run_scoped3A : memref<!tpu.dma_semaphore, #tpu.memory_space<semaphore_mem>>) src(%dma_wait3A_212 : memref<256xi32, #tpu.memory_space<hbm>>) dst(%arg6 : memref<256xi32, #tpu.memory_space<vmem>>)
        tpu.yield
      }) : () -> ()
      "tpu.region"() ({
        %run_scoped3A = tpu.sem_alloc : memref<!tpu.dma_semaphore, #tpu.memory_space<semaphore_mem>>
        %dma_start3A_209 = tpu.memref_slice %arg4[%add3A_192] : memref<327680xi32, #tpu.memory_space<hbm>> -> memref<256xi32, #tpu.memory_space<hbm>>
        %dma_start3A_210 = tpu.memref_slice %arg4[%add3A_192] : memref<327680xi32, #tpu.memory_space<hbm>> -> memref<256xi32, #tpu.memory_space<hbm>>
        tpu.enqueue_dma source(%dma_start3A_210 : memref<256xi32, #tpu.memory_space<hbm>>) target(%arg7 : memref<256xi32, #tpu.memory_space<vmem>>) target_semaphore(%run_scoped3A : memref<!tpu.dma_semaphore, #tpu.memory_space<semaphore_mem>>)
        %dma_wait3A_211 = tpu.memref_slice %arg4[%add3A_192] : memref<327680xi32, #tpu.memory_space<hbm>> -> memref<256xi32, #tpu.memory_space<hbm>>
        %dma_wait3A_212 = tpu.memref_slice %arg4[%add3A_192] : memref<327680xi32, #tpu.memory_space<hbm>> -> memref<256xi32, #tpu.memory_space<hbm>>
        tpu.wait_dma2 semaphore(%run_scoped3A : memref<!tpu.dma_semaphore, #tpu.memory_space<semaphore_mem>>) src(%dma_wait3A_212 : memref<256xi32, #tpu.memory_space<hbm>>) dst(%arg7 : memref<256xi32, #tpu.memory_space<vmem>>)
        tpu.yield
      }) : () -> ()
      %dma_wait3A_193 = arith.constant 0 : i32
      %dma_wait3A_194 = arith.constant 0 : i32
      %dma_wait3A_195 = tpu.memref_slice %arg12[%dma_wait3A_193, %dma_wait3A_194] : memref<10240x128xf32, #tpu.memory_space<vmem_shared>> -> memref<10240x128xf32, #tpu.memory_space<vmem_shared>>
      tpu.wait_indirect_dma semaphore(%arg15 : memref<!tpu.dma_semaphore, #tpu.memory_space<semaphore_mem>>) src(%arg10 : memref<128x128xf32, #tpu.memory_space<vmem>>) dst(%dma_wait3A_195 : memref<10240x128xf32, #tpu.memory_space<vmem_shared>>)
      %dma_start3A_196 = arith.constant 0 : i32
      %dma_start3A_197 = tpu.memref_slice %arg6[%dma_start3A_196] : memref<256xi32, #tpu.memory_space<vmem>> -> memref<128xi32, #tpu.memory_space<vmem>>
      %dma_start3A_198 = arith.constant 0 : i32
      %dma_start3A_199 = arith.constant 0 : i32
      %dma_start3A_200 = tpu.memref_slice %arg2[%dma_start3A_198, %dma_start3A_199] : memref<10000x128xf32, #tpu.memory_space<hbm>> -> memref<10000x128xf32, #tpu.memory_space<hbm>>
      tpu.enqueue_indirect_dma source(%dma_start3A_200 : memref<10000x128xf32, #tpu.memory_space<hbm>>) target(%arg10 : memref<128x128xf32, #tpu.memory_space<vmem>>) offsets(%dma_start3A_197 : memref<128xi32, #tpu.memory_space<vmem>>) semaphore(%arg13 : memref<!tpu.dma_semaphore, #tpu.memory_space<semaphore_mem>>)
      %dma_wait3A_201 = arith.constant 0 : i32
      %dma_wait3A_202 = arith.constant 0 : i32
      %dma_wait3A_203 = tpu.memref_slice %arg12[%dma_wait3A_201, %dma_wait3A_202] : memref<10240x128xf32, #tpu.memory_space<vmem_shared>> -> memref<10240x128xf32, #tpu.memory_space<vmem_shared>>
      tpu.wait_indirect_dma semaphore(%arg16 : memref<!tpu.dma_semaphore, #tpu.memory_space<semaphore_mem>>) src(%arg11 : memref<128x128xf32, #tpu.memory_space<vmem>>) dst(%dma_wait3A_203 : memref<10240x128xf32, #tpu.memory_space<vmem_shared>>)
      %dma_start3A_204 = arith.constant 128 : i32
      %dma_start3A_205 = tpu.memref_slice %arg6[%dma_start3A_204] : memref<256xi32, #tpu.memory_space<vmem>> -> memref<128xi32, #tpu.memory_space<vmem>>
      %dma_start3A_206 = arith.constant 0 : i32
      %dma_start3A_207 = arith.constant 0 : i32
      %dma_start3A_208 = tpu.memref_slice %arg2[%dma_start3A_206, %dma_start3A_207] : memref<10000x128xf32, #tpu.memory_space<hbm>> -> memref<10000x128xf32, #tpu.memory_space<hbm>>
      tpu.enqueue_indirect_dma source(%dma_start3A_208 : memref<10000x128xf32, #tpu.memory_space<hbm>>) target(%arg11 : memref<128x128xf32, #tpu.memory_space<vmem>>) offsets(%dma_start3A_205 : memref<128xi32, #tpu.memory_space<vmem>>) semaphore(%arg14 : memref<!tpu.dma_semaphore, #tpu.memory_space<semaphore_mem>>)
    }
    %dma_wait3A = arith.constant 0 : i32
    %dma_wait3A_45 = tpu.memref_slice %arg6[%dma_wait3A] : memref<256xi32, #tpu.memory_space<vmem>> -> memref<128xi32, #tpu.memory_space<vmem>>
    %dma_wait3A_46 = arith.constant 0 : i32
    %dma_wait3A_47 = arith.constant 0 : i32
    %dma_wait3A_48 = tpu.memref_slice %arg2[%dma_wait3A_46, %dma_wait3A_47] : memref<10000x128xf32, #tpu.memory_space<hbm>> -> memref<10000x128xf32, #tpu.memory_space<hbm>>
    tpu.wait_indirect_dma semaphore(%arg13 : memref<!tpu.dma_semaphore, #tpu.memory_space<semaphore_mem>>) src(%dma_wait3A_48 : memref<10000x128xf32, #tpu.memory_space<hbm>>) dst(%arg10 : memref<128x128xf32, #tpu.memory_space<vmem>>)
    %dma_wait3A_49 = arith.constant 128 : i32
    %dma_wait3A_50 = tpu.memref_slice %arg6[%dma_wait3A_49] : memref<256xi32, #tpu.memory_space<vmem>> -> memref<128xi32, #tpu.memory_space<vmem>>
    %dma_wait3A_51 = arith.constant 0 : i32
    %dma_wait3A_52 = arith.constant 0 : i32
    %dma_wait3A_53 = tpu.memref_slice %arg2[%dma_wait3A_51, %dma_wait3A_52] : memref<10000x128xf32, #tpu.memory_space<hbm>> -> memref<10000x128xf32, #tpu.memory_space<hbm>>
    tpu.wait_indirect_dma semaphore(%arg14 : memref<!tpu.dma_semaphore, #tpu.memory_space<semaphore_mem>>) src(%dma_wait3A_53 : memref<10000x128xf32, #tpu.memory_space<hbm>>) dst(%arg11 : memref<128x128xf32, #tpu.memory_space<vmem>>)
    %barrier3A_54 = arith.constant 0 : index
    tpu.barrier barrier_id(%barrier3A_54)
    %mul3A_55 = arith.constant 640 : i32
    %mul3A_56 = arith.muli %arg1, %mul3A_55 : i32
    %mul3A_57 = arith.constant 640 : i32
    %mul3A_58 = arith.muli %arg1, %mul3A_57 : i32
    "tpu.region"() ({
      %run_scoped3A = tpu.sem_alloc : memref<!tpu.dma_semaphore, #tpu.memory_space<semaphore_mem>>
      %dma_start3A_59 = arith.constant 0 : i32
      %dma_start3A_60 = tpu.memref_slice %arg5[%arg0, %mul3A_58, %dma_start3A_59] : memref<2x10240x128xf32, #tpu.memory_space<hbm>> -> memref<1x640x128xf32, #tpu.memory_space<hbm>>
      %dma_start3A_61 = tpu.memref_squeeze %dma_start3A_60 : memref<1x640x128xf32, #tpu.memory_space<hbm>> -> memref<640x128xf32, #tpu.memory_space<hbm>>
      %dma_start3A_62 = arith.constant 0 : i32
      %dma_start3A_63 = tpu.memref_slice %arg12[%mul3A_56, %dma_start3A_62] : memref<10240x128xf32, #tpu.memory_space<vmem_shared>> -> memref<640x128xf32, #tpu.memory_space<vmem_shared>>
      tpu.enqueue_dma source(%dma_start3A_63 : memref<640x128xf32, #tpu.memory_space<vmem_shared>>) target(%dma_start3A_61 : memref<640x128xf32, #tpu.memory_space<hbm>>) target_semaphore(%run_scoped3A : memref<!tpu.dma_semaphore, #tpu.memory_space<semaphore_mem>>)
      %dma_wait3A_64 = arith.constant 0 : i32
      %dma_wait3A_65 = tpu.memref_slice %arg5[%arg0, %mul3A_58, %dma_wait3A_64] : memref<2x10240x128xf32, #tpu.memory_space<hbm>> -> memref<1x640x128xf32, #tpu.memory_space<hbm>>
      %dma_wait3A_66 = tpu.memref_squeeze %dma_wait3A_65 : memref<1x640x128xf32, #tpu.memory_space<hbm>> -> memref<640x128xf32, #tpu.memory_space<hbm>>
      %dma_wait3A_67 = arith.constant 0 : i32
      %dma_wait3A_68 = tpu.memref_slice %arg12[%mul3A_56, %dma_wait3A_67] : memref<10240x128xf32, #tpu.memory_space<vmem_shared>> -> memref<640x128xf32, #tpu.memory_space<vmem_shared>>
      tpu.wait_dma2 semaphore(%run_scoped3A : memref<!tpu.dma_semaphore, #tpu.memory_space<semaphore_mem>>) src(%dma_wait3A_68 : memref<640x128xf32, #tpu.memory_space<vmem_shared>>) dst(%dma_wait3A_66 : memref<640x128xf32, #tpu.memory_space<hbm>>)
      tpu.yield
    }) : () -> ()
    return
  }
}

#map = affine_map<(d0, d1) -> (0)>
#map1 = affine_map<(d0, d1) -> (0, 0, 0)>
module attributes {stable_mosaic.version = 14 : i64} {
  func.func @_sc_deg_body(%arg0: i32, %arg1: i32, %arg2: memref<327680xi32, #tpu.memory_space<hbm>>, %arg3: memref<2x10240x16xf32, #tpu.memory_space<hbm>>, %arg4: memref<10240xi32, #tpu.memory_space<vmem>>, %arg5: memref<128xi32, #tpu.memory_space<vmem>>, %arg6: memref<128xi32, #tpu.memory_space<vmem>>, %arg7: memref<128x16xf32, #tpu.memory_space<vmem>>, %arg8: memref<128x16xf32, #tpu.memory_space<vmem>>, %arg9: memref<10240x16xf32, #tpu.memory_space<vmem_shared>>, %arg10: memref<!tpu.dma_semaphore, #tpu.memory_space<semaphore_mem>>, %arg11: memref<!tpu.dma_semaphore, #tpu.memory_space<semaphore_mem>>) attributes {dimension_semantics = [#tpu.dimension_semantics<core_parallel>, #tpu.dimension_semantics<subcore_parallel>], iteration_bounds = array<i64: 2, 16>, scalar_prefetch = 0 : i64, scratch_operands = 8 : i64, tpu.core_type = #tpu.core_type<sc_vector_subcore>, window_params = [{transform_indices = #map}, {transform_indices = #map1}]} {
    %mul3A = arith.constant 16 : i32
    %mul3A_0 = arith.muli %arg0, %mul3A : i32
    %add3A = arith.addi %mul3A_0, %arg1 : i32
    %scan3A = arith.constant 0 : i32
    %scan3A_1 = arith.constant 128 : i32
    %scan3A_2 = arith.addi %scan3A, %scan3A_1 : i32
    %scan3A_3 = arith.constant 1 : i32
    scf.for %scan3A_27 = %scan3A to %scan3A_2 step %scan3A_3  : i32 {
      %mul3A_28 = arith.constant 1 : i32
      %mul3A_29 = arith.muli %scan3A_27, %mul3A_28 : i32
      %add3A_30 = arith.constant 0 : i32
      %add3A_31 = arith.addi %add3A_30, %mul3A_29 : i32
      %broadcast_in_dim3A = arith.constant 0.000000e+00 : f32
      %broadcast_in_dim3A_32 = vector.broadcast %broadcast_in_dim3A : f32 to vector<16xf32>
      %swap3A = arith.index_cast %add3A_31 : i32 to index
      %swap3A_33 = arith.constant 0 : index
      %swap3A_34 = tpu.vector_load %arg8[%swap3A, %swap3A_33] {strides = array<i32>} : memref<128x16xf32, #tpu.memory_space<vmem>>, vector<1x16xf32>,
      %swap3A_35 = vector.shape_cast %swap3A_34 : vector<1x16xf32> to vector<16xf32>
      %swap3A_36 = vector.shape_cast %broadcast_in_dim3A_32 : vector<16xf32> to vector<1x16xf32>
      tpu.vector_store %arg8[%swap3A, %swap3A_33], %swap3A_36 {strides = array<i32>} : memref<128x16xf32, #tpu.memory_space<vmem>>, vector<1x16xf32>,
      %broadcast_in_dim3A_37 = arith.constant 1.000000e+00 : f32
      %broadcast_in_dim3A_38 = vector.broadcast %broadcast_in_dim3A_37 : f32 to vector<16xf32>
      %swap3A_39 = arith.index_cast %add3A_31 : i32 to index
      %swap3A_40 = arith.constant 0 : index
      %swap3A_41 = tpu.vector_load %arg7[%swap3A_39, %swap3A_40] {strides = array<i32>} : memref<128x16xf32, #tpu.memory_space<vmem>>, vector<1x16xf32>,
      %swap3A_42 = vector.shape_cast %swap3A_41 : vector<1x16xf32> to vector<16xf32>
      %swap3A_43 = vector.shape_cast %broadcast_in_dim3A_38 : vector<16xf32> to vector<1x16xf32>
      tpu.vector_store %arg7[%swap3A_39, %swap3A_40], %swap3A_43 {strides = array<i32>} : memref<128x16xf32, #tpu.memory_space<vmem>>, vector<1x16xf32>,
    }
    %scan3A_4 = arith.constant 128 : i32
    %mul3A_5 = arith.constant 10240 : i32
    %mul3A_6 = arith.muli %add3A, %mul3A_5 : i32
    "tpu.region"() ({
      %run_scoped3A = tpu.sem_alloc : memref<!tpu.dma_semaphore, #tpu.memory_space<semaphore_mem>>
      %dma_start3A = tpu.memref_slice %arg2[%mul3A_6] : memref<327680xi32, #tpu.memory_space<hbm>> -> memref<10240xi32, #tpu.memory_space<hbm>>
      %dma_start3A_27 = tpu.memref_slice %arg2[%mul3A_6] : memref<327680xi32, #tpu.memory_space<hbm>> -> memref<10240xi32, #tpu.memory_space<hbm>>
      tpu.enqueue_dma source(%dma_start3A_27 : memref<10240xi32, #tpu.memory_space<hbm>>) target(%arg4 : memref<10240xi32, #tpu.memory_space<vmem>>) target_semaphore(%run_scoped3A : memref<!tpu.dma_semaphore, #tpu.memory_space<semaphore_mem>>)
      %dma_wait3A_28 = tpu.memref_slice %arg2[%mul3A_6] : memref<327680xi32, #tpu.memory_space<hbm>> -> memref<10240xi32, #tpu.memory_space<hbm>>
      %dma_wait3A_29 = tpu.memref_slice %arg2[%mul3A_6] : memref<327680xi32, #tpu.memory_space<hbm>> -> memref<10240xi32, #tpu.memory_space<hbm>>
      tpu.wait_dma2 semaphore(%run_scoped3A : memref<!tpu.dma_semaphore, #tpu.memory_space<semaphore_mem>>) src(%dma_wait3A_29 : memref<10240xi32, #tpu.memory_space<hbm>>) dst(%arg4 : memref<10240xi32, #tpu.memory_space<vmem>>)
      tpu.yield
    }) : () -> ()
    %scan3A_7 = arith.constant 0 : i32
    %scan3A_8 = arith.constant 5 : i32
    %scan3A_9 = arith.addi %scan3A_7, %scan3A_8 : i32
    %scan3A_10 = arith.constant 1 : i32
    scf.for %scan3A_27 = %scan3A_7 to %scan3A_9 step %scan3A_10  : i32 {
      %mul3A_28 = arith.constant 1 : i32
      %mul3A_29 = arith.muli %scan3A_27, %mul3A_28 : i32
      %add3A_30 = arith.constant 0 : i32
      %add3A_31 = arith.addi %add3A_30, %mul3A_29 : i32
      %mul3A_32 = arith.constant 640 : i32
      %mul3A_33 = arith.muli %arg1, %mul3A_32 : i32
      %mul3A_34 = arith.constant 128 : i32
      %mul3A_35 = arith.muli %add3A_31, %mul3A_34 : i32
      %add3A_36 = arith.addi %mul3A_33, %mul3A_35 : i32
      "tpu.region"() ({
        %run_scoped3A = tpu.sem_alloc : memref<!tpu.dma_semaphore, #tpu.memory_space<semaphore_mem>>
        %dma_start3A = arith.constant 0 : i32
        %dma_start3A_37 = tpu.memref_slice %arg9[%add3A_36, %dma_start3A] : memref<10240x16xf32, #tpu.memory_space<vmem_shared>> -> memref<128x16xf32, #tpu.memory_space<vmem_shared>>
        %dma_start3A_38 = arith.constant 0 : i32
        %dma_start3A_39 = tpu.memref_slice %arg9[%add3A_36, %dma_start3A_38] : memref<10240x16xf32, #tpu.memory_space<vmem_shared>> -> memref<128x16xf32, #tpu.memory_space<vmem_shared>>
        tpu.enqueue_dma source(%arg8 : memref<128x16xf32, #tpu.memory_space<vmem>>) target(%dma_start3A_39 : memref<128x16xf32, #tpu.memory_space<vmem_shared>>) target_semaphore(%run_scoped3A : memref<!tpu.dma_semaphore, #tpu.memory_space<semaphore_mem>>)
        %dma_wait3A_40 = arith.constant 0 : i32
        %dma_wait3A_41 = tpu.memref_slice %arg9[%add3A_36, %dma_wait3A_40] : memref<10240x16xf32, #tpu.memory_space<vmem_shared>> -> memref<128x16xf32, #tpu.memory_space<vmem_shared>>
        %dma_wait3A_42 = arith.constant 0 : i32
        %dma_wait3A_43 = tpu.memref_slice %arg9[%add3A_36, %dma_wait3A_42] : memref<10240x16xf32, #tpu.memory_space<vmem_shared>> -> memref<128x16xf32, #tpu.memory_space<vmem_shared>>
        tpu.wait_dma2 semaphore(%run_scoped3A : memref<!tpu.dma_semaphore, #tpu.memory_space<semaphore_mem>>) src(%arg8 : memref<128x16xf32, #tpu.memory_space<vmem>>) dst(%dma_wait3A_43 : memref<128x16xf32, #tpu.memory_space<vmem_shared>>)
        tpu.yield
      }) : () -> ()
    }
    %scan3A_11 = arith.constant 5 : i32
    %barrier3A = arith.constant 0 : index
    tpu.barrier barrier_id(%barrier3A)
    %scan3A_12 = arith.constant 0 : i32
    %scan3A_13 = arith.constant 40 : i32
    %scan3A_14 = arith.addi %scan3A_12, %scan3A_13 : i32
    %scan3A_15 = arith.constant 1 : i32
    scf.for %scan3A_27 = %scan3A_12 to %scan3A_14 step %scan3A_15  : i32 {
      %mul3A_28 = arith.constant 2 : i32
      %mul3A_29 = arith.muli %scan3A_27, %mul3A_28 : i32
      %add3A_30 = arith.constant 0 : i32
      %add3A_31 = arith.addi %add3A_30, %mul3A_29 : i32
      %add3A_32 = arith.constant 0 : i32
      %add3A_33 = arith.addi %add3A_31, %add3A_32 : i32
      %ge3A = arith.constant 2 : i32
      %ge3A_34 = arith.cmpi sge, %add3A_33, %ge3A : i32
      %convert_element_type3A = arith.extui %ge3A_34 : i1 to i32
      %cond3A = arith.constant 0 : i32
      %cond3A_35 = arith.cmpi ne, %convert_element_type3A, %cond3A : i32
      scf.if %cond3A_35 {
        %dma_wait3A_194 = arith.constant 0 : i32
        %dma_wait3A_195 = arith.constant 0 : i32
        %dma_wait3A_196 = tpu.memref_slice %arg9[%dma_wait3A_194, %dma_wait3A_195] : memref<10240x16xf32, #tpu.memory_space<vmem_shared>> -> memref<10240x16xf32, #tpu.memory_space<vmem_shared>>
        tpu.wait_indirect_dma semaphore(%arg10 : memref<!tpu.dma_semaphore, #tpu.memory_space<semaphore_mem>>) src(%arg7 : memref<128x16xf32, #tpu.memory_space<vmem>>) dst(%dma_wait3A_196 : memref<10240x16xf32, #tpu.memory_space<vmem_shared>>)
      } else {
      }
      %mul3A_36 = arith.constant 128 : i32
      %mul3A_37 = arith.muli %add3A_33, %mul3A_36 : i32
      %add3A_38 = arith.constant 0 : i32
      %add3A_39 = arith.addi %mul3A_37, %add3A_38 : i32
      %get3A = arith.index_cast %add3A_39 : i32 to index
      %get3A_40 = tpu.vector_load %arg4[%get3A] {strides = array<i32>} : memref<10240xi32, #tpu.memory_space<vmem>>, vector<16xi32>,
      %get3A_41 = vector.shape_cast %get3A_40 : vector<16xi32> to vector<16xi32>
      %swap3A = arith.constant 0 : index
      %swap3A_42 = tpu.vector_load %arg5[%swap3A] {strides = array<i32>} : memref<128xi32, #tpu.memory_space<vmem>>, vector<16xi32>,
      %swap3A_43 = vector.shape_cast %swap3A_42 : vector<16xi32> to vector<16xi32>
      %swap3A_44 = vector.shape_cast %get3A_41 : vector<16xi32> to vector<16xi32>
      tpu.vector_store %arg5[%swap3A], %swap3A_44 {strides = array<i32>} : memref<128xi32, #tpu.memory_space<vmem>>, vector<16xi32>,
      %add3A_45 = arith.constant 16 : i32
      %add3A_46 = arith.addi %mul3A_37, %add3A_45 : i32
      %get3A_47 = arith.index_cast %add3A_46 : i32 to index
      %get3A_48 = tpu.vector_load %arg4[%get3A_47] {strides = array<i32>} : memref<10240xi32, #tpu.memory_space<vmem>>, vector<16xi32>,
      %get3A_49 = vector.shape_cast %get3A_48 : vector<16xi32> to vector<16xi32>
      %swap3A_50 = arith.constant 16 : index
      %swap3A_51 = tpu.vector_load %arg5[%swap3A_50] {strides = array<i32>} : memref<128xi32, #tpu.memory_space<vmem>>, vector<16xi32>,
      %swap3A_52 = vector.shape_cast %swap3A_51 : vector<16xi32> to vector<16xi32>
      %swap3A_53 = vector.shape_cast %get3A_49 : vector<16xi32> to vector<16xi32>
      tpu.vector_store %arg5[%swap3A_50], %swap3A_53 {strides = array<i32>} : memref<128xi32, #tpu.memory_space<vmem>>, vector<16xi32>,
      %add3A_54 = arith.constant 32 : i32
      %add3A_55 = arith.addi %mul3A_37, %add3A_54 : i32
      %get3A_56 = arith.index_cast %add3A_55 : i32 to index
      %get3A_57 = tpu.vector_load %arg4[%get3A_56] {strides = array<i32>} : memref<10240xi32, #tpu.memory_space<vmem>>, vector<16xi32>,
      %get3A_58 = vector.shape_cast %get3A_57 : vector<16xi32> to vector<16xi32>
      %swap3A_59 = arith.constant 32 : index
      %swap3A_60 = tpu.vector_load %arg5[%swap3A_59] {strides = array<i32>} : memref<128xi32, #tpu.memory_space<vmem>>, vector<16xi32>,
      %swap3A_61 = vector.shape_cast %swap3A_60 : vector<16xi32> to vector<16xi32>
      %swap3A_62 = vector.shape_cast %get3A_58 : vector<16xi32> to vector<16xi32>
      tpu.vector_store %arg5[%swap3A_59], %swap3A_62 {strides = array<i32>} : memref<128xi32, #tpu.memory_space<vmem>>, vector<16xi32>,
      %add3A_63 = arith.constant 48 : i32
      %add3A_64 = arith.addi %mul3A_37, %add3A_63 : i32
      %get3A_65 = arith.index_cast %add3A_64 : i32 to index
      %get3A_66 = tpu.vector_load %arg4[%get3A_65] {strides = array<i32>} : memref<10240xi32, #tpu.memory_space<vmem>>, vector<16xi32>,
      %get3A_67 = vector.shape_cast %get3A_66 : vector<16xi32> to vector<16xi32>
      %swap3A_68 = arith.constant 48 : index
      %swap3A_69 = tpu.vector_load %arg5[%swap3A_68] {strides = array<i32>} : memref<128xi32, #tpu.memory_space<vmem>>, vector<16xi32>,
      %swap3A_70 = vector.shape_cast %swap3A_69 : vector<16xi32> to vector<16xi32>
      %swap3A_71 = vector.shape_cast %get3A_67 : vector<16xi32> to vector<16xi32>
      tpu.vector_store %arg5[%swap3A_68], %swap3A_71 {strides = array<i32>} : memref<128xi32, #tpu.memory_space<vmem>>, vector<16xi32>,
      %add3A_72 = arith.constant 64 : i32
      %add3A_73 = arith.addi %mul3A_37, %add3A_72 : i32
      %get3A_74 = arith.index_cast %add3A_73 : i32 to index
      %get3A_75 = tpu.vector_load %arg4[%get3A_74] {strides = array<i32>} : memref<10240xi32, #tpu.memory_space<vmem>>, vector<16xi32>,
      %get3A_76 = vector.shape_cast %get3A_75 : vector<16xi32> to vector<16xi32>
      %swap3A_77 = arith.constant 64 : index
      %swap3A_78 = tpu.vector_load %arg5[%swap3A_77] {strides = array<i32>} : memref<128xi32, #tpu.memory_space<vmem>>, vector<16xi32>,
      %swap3A_79 = vector.shape_cast %swap3A_78 : vector<16xi32> to vector<16xi32>
      %swap3A_80 = vector.shape_cast %get3A_76 : vector<16xi32> to vector<16xi32>
      tpu.vector_store %arg5[%swap3A_77], %swap3A_80 {strides = array<i32>} : memref<128xi32, #tpu.memory_space<vmem>>, vector<16xi32>,
      %add3A_81 = arith.constant 80 : i32
      %add3A_82 = arith.addi %mul3A_37, %add3A_81 : i32
      %get3A_83 = arith.index_cast %add3A_82 : i32 to index
      %get3A_84 = tpu.vector_load %arg4[%get3A_83] {strides = array<i32>} : memref<10240xi32, #tpu.memory_space<vmem>>, vector<16xi32>,
      %get3A_85 = vector.shape_cast %get3A_84 : vector<16xi32> to vector<16xi32>
      %swap3A_86 = arith.constant 80 : index
      %swap3A_87 = tpu.vector_load %arg5[%swap3A_86] {strides = array<i32>} : memref<128xi32, #tpu.memory_space<vmem>>, vector<16xi32>,
      %swap3A_88 = vector.shape_cast %swap3A_87 : vector<16xi32> to vector<16xi32>
      %swap3A_89 = vector.shape_cast %get3A_85 : vector<16xi32> to vector<16xi32>
      tpu.vector_store %arg5[%swap3A_86], %swap3A_89 {strides = array<i32>} : memref<128xi32, #tpu.memory_space<vmem>>, vector<16xi32>,
      %add3A_90 = arith.constant 96 : i32
      %add3A_91 = arith.addi %mul3A_37, %add3A_90 : i32
      %get3A_92 = arith.index_cast %add3A_91 : i32 to index
      %get3A_93 = tpu.vector_load %arg4[%get3A_92] {strides = array<i32>} : memref<10240xi32, #tpu.memory_space<vmem>>, vector<16xi32>,
      %get3A_94 = vector.shape_cast %get3A_93 : vector<16xi32> to vector<16xi32>
      %swap3A_95 = arith.constant 96 : index
      %swap3A_96 = tpu.vector_load %arg5[%swap3A_95] {strides = array<i32>} : memref<128xi32, #tpu.memory_space<vmem>>, vector<16xi32>,
      %swap3A_97 = vector.shape_cast %swap3A_96 : vector<16xi32> to vector<16xi32>
      %swap3A_98 = vector.shape_cast %get3A_94 : vector<16xi32> to vector<16xi32>
      tpu.vector_store %arg5[%swap3A_95], %swap3A_98 {strides = array<i32>} : memref<128xi32, #tpu.memory_space<vmem>>, vector<16xi32>,
      %add3A_99 = arith.constant 112 : i32
      %add3A_100 = arith.addi %mul3A_37, %add3A_99 : i32
      %get3A_101 = arith.index_cast %add3A_100 : i32 to index
      %get3A_102 = tpu.vector_load %arg4[%get3A_101] {strides = array<i32>} : memref<10240xi32, #tpu.memory_space<vmem>>, vector<16xi32>,
      %get3A_103 = vector.shape_cast %get3A_102 : vector<16xi32> to vector<16xi32>
      %swap3A_104 = arith.constant 112 : index
      %swap3A_105 = tpu.vector_load %arg5[%swap3A_104] {strides = array<i32>} : memref<128xi32, #tpu.memory_space<vmem>>, vector<16xi32>,
      %swap3A_106 = vector.shape_cast %swap3A_105 : vector<16xi32> to vector<16xi32>
      %swap3A_107 = vector.shape_cast %get3A_103 : vector<16xi32> to vector<16xi32>
      tpu.vector_store %arg5[%swap3A_104], %swap3A_107 {strides = array<i32>} : memref<128xi32, #tpu.memory_space<vmem>>, vector<16xi32>,
      %dma_start3A = arith.constant 0 : i32
      %dma_start3A_108 = arith.constant 0 : i32
      %dma_start3A_109 = tpu.memref_slice %arg9[%dma_start3A, %dma_start3A_108] : memref<10240x16xf32, #tpu.memory_space<vmem_shared>> -> memref<10240x16xf32, #tpu.memory_space<vmem_shared>>
      tpu.enqueue_indirect_dma source(%arg7 : memref<128x16xf32, #tpu.memory_space<vmem>>) target(%dma_start3A_109 : memref<10240x16xf32, #tpu.memory_space<vmem_shared>>) offsets(%arg5 : memref<128xi32, #tpu.memory_space<vmem>>) semaphore(%arg10 : memref<!tpu.dma_semaphore, #tpu.memory_space<semaphore_mem>>) {add = true}
      %add3A_110 = arith.constant 1 : i32
      %add3A_111 = arith.addi %add3A_31, %add3A_110 : i32
      %ge3A_112 = arith.constant 2 : i32
      %ge3A_113 = arith.cmpi sge, %add3A_111, %ge3A_112 : i32
      %convert_element_type3A_114 = arith.extui %ge3A_113 : i1 to i32
      %cond3A_115 = arith.constant 0 : i32
      %cond3A_116 = arith.cmpi ne, %convert_element_type3A_114, %cond3A_115 : i32
      scf.if %cond3A_116 {
        %dma_wait3A_194 = arith.constant 0 : i32
        %dma_wait3A_195 = arith.constant 0 : i32
        %dma_wait3A_196 = tpu.memref_slice %arg9[%dma_wait3A_194, %dma_wait3A_195] : memref<10240x16xf32, #tpu.memory_space<vmem_shared>> -> memref<10240x16xf32, #tpu.memory_space<vmem_shared>>
        tpu.wait_indirect_dma semaphore(%arg11 : memref<!tpu.dma_semaphore, #tpu.memory_space<semaphore_mem>>) src(%arg7 : memref<128x16xf32, #tpu.memory_space<vmem>>) dst(%dma_wait3A_196 : memref<10240x16xf32, #tpu.memory_space<vmem_shared>>)
      } else {
      }
      %mul3A_117 = arith.constant 128 : i32
      %mul3A_118 = arith.muli %add3A_111, %mul3A_117 : i32
      %add3A_119 = arith.constant 0 : i32
      %add3A_120 = arith.addi %mul3A_118, %add3A_119 : i32
      %get3A_121 = arith.index_cast %add3A_120 : i32 to index
      %get3A_122 = tpu.vector_load %arg4[%get3A_121] {strides = array<i32>} : memref<10240xi32, #tpu.memory_space<vmem>>, vector<16xi32>,
      %get3A_123 = vector.shape_cast %get3A_122 : vector<16xi32> to vector<16xi32>
      %swap3A_124 = arith.constant 0 : index
      %swap3A_125 = tpu.vector_load %arg6[%swap3A_124] {strides = array<i32>} : memref<128xi32, #tpu.memory_space<vmem>>, vector<16xi32>,
      %swap3A_126 = vector.shape_cast %swap3A_125 : vector<16xi32> to vector<16xi32>
      %swap3A_127 = vector.shape_cast %get3A_123 : vector<16xi32> to vector<16xi32>
      tpu.vector_store %arg6[%swap3A_124], %swap3A_127 {strides = array<i32>} : memref<128xi32, #tpu.memory_space<vmem>>, vector<16xi32>,
      %add3A_128 = arith.constant 16 : i32
      %add3A_129 = arith.addi %mul3A_118, %add3A_128 : i32
      %get3A_130 = arith.index_cast %add3A_129 : i32 to index
      %get3A_131 = tpu.vector_load %arg4[%get3A_130] {strides = array<i32>} : memref<10240xi32, #tpu.memory_space<vmem>>, vector<16xi32>,
      %get3A_132 = vector.shape_cast %get3A_131 : vector<16xi32> to vector<16xi32>
      %swap3A_133 = arith.constant 16 : index
      %swap3A_134 = tpu.vector_load %arg6[%swap3A_133] {strides = array<i32>} : memref<128xi32, #tpu.memory_space<vmem>>, vector<16xi32>,
      %swap3A_135 = vector.shape_cast %swap3A_134 : vector<16xi32> to vector<16xi32>
      %swap3A_136 = vector.shape_cast %get3A_132 : vector<16xi32> to vector<16xi32>
      tpu.vector_store %arg6[%swap3A_133], %swap3A_136 {strides = array<i32>} : memref<128xi32, #tpu.memory_space<vmem>>, vector<16xi32>,
      %add3A_137 = arith.constant 32 : i32
      %add3A_138 = arith.addi %mul3A_118, %add3A_137 : i32
      %get3A_139 = arith.index_cast %add3A_138 : i32 to index
      %get3A_140 = tpu.vector_load %arg4[%get3A_139] {strides = array<i32>} : memref<10240xi32, #tpu.memory_space<vmem>>, vector<16xi32>,
      %get3A_141 = vector.shape_cast %get3A_140 : vector<16xi32> to vector<16xi32>
      %swap3A_142 = arith.constant 32 : index
      %swap3A_143 = tpu.vector_load %arg6[%swap3A_142] {strides = array<i32>} : memref<128xi32, #tpu.memory_space<vmem>>, vector<16xi32>,
      %swap3A_144 = vector.shape_cast %swap3A_143 : vector<16xi32> to vector<16xi32>
      %swap3A_145 = vector.shape_cast %get3A_141 : vector<16xi32> to vector<16xi32>
      tpu.vector_store %arg6[%swap3A_142], %swap3A_145 {strides = array<i32>} : memref<128xi32, #tpu.memory_space<vmem>>, vector<16xi32>,
      %add3A_146 = arith.constant 48 : i32
      %add3A_147 = arith.addi %mul3A_118, %add3A_146 : i32
      %get3A_148 = arith.index_cast %add3A_147 : i32 to index
      %get3A_149 = tpu.vector_load %arg4[%get3A_148] {strides = array<i32>} : memref<10240xi32, #tpu.memory_space<vmem>>, vector<16xi32>,
      %get3A_150 = vector.shape_cast %get3A_149 : vector<16xi32> to vector<16xi32>
      %swap3A_151 = arith.constant 48 : index
      %swap3A_152 = tpu.vector_load %arg6[%swap3A_151] {strides = array<i32>} : memref<128xi32, #tpu.memory_space<vmem>>, vector<16xi32>,
      %swap3A_153 = vector.shape_cast %swap3A_152 : vector<16xi32> to vector<16xi32>
      %swap3A_154 = vector.shape_cast %get3A_150 : vector<16xi32> to vector<16xi32>
      tpu.vector_store %arg6[%swap3A_151], %swap3A_154 {strides = array<i32>} : memref<128xi32, #tpu.memory_space<vmem>>, vector<16xi32>,
      %add3A_155 = arith.constant 64 : i32
      %add3A_156 = arith.addi %mul3A_118, %add3A_155 : i32
      %get3A_157 = arith.index_cast %add3A_156 : i32 to index
      %get3A_158 = tpu.vector_load %arg4[%get3A_157] {strides = array<i32>} : memref<10240xi32, #tpu.memory_space<vmem>>, vector<16xi32>,
      %get3A_159 = vector.shape_cast %get3A_158 : vector<16xi32> to vector<16xi32>
      %swap3A_160 = arith.constant 64 : index
      %swap3A_161 = tpu.vector_load %arg6[%swap3A_160] {strides = array<i32>} : memref<128xi32, #tpu.memory_space<vmem>>, vector<16xi32>,
      %swap3A_162 = vector.shape_cast %swap3A_161 : vector<16xi32> to vector<16xi32>
      %swap3A_163 = vector.shape_cast %get3A_159 : vector<16xi32> to vector<16xi32>
      tpu.vector_store %arg6[%swap3A_160], %swap3A_163 {strides = array<i32>} : memref<128xi32, #tpu.memory_space<vmem>>, vector<16xi32>,
      %add3A_164 = arith.constant 80 : i32
      %add3A_165 = arith.addi %mul3A_118, %add3A_164 : i32
      %get3A_166 = arith.index_cast %add3A_165 : i32 to index
      %get3A_167 = tpu.vector_load %arg4[%get3A_166] {strides = array<i32>} : memref<10240xi32, #tpu.memory_space<vmem>>, vector<16xi32>,
      %get3A_168 = vector.shape_cast %get3A_167 : vector<16xi32> to vector<16xi32>
      %swap3A_169 = arith.constant 80 : index
      %swap3A_170 = tpu.vector_load %arg6[%swap3A_169] {strides = array<i32>} : memref<128xi32, #tpu.memory_space<vmem>>, vector<16xi32>,
      %swap3A_171 = vector.shape_cast %swap3A_170 : vector<16xi32> to vector<16xi32>
      %swap3A_172 = vector.shape_cast %get3A_168 : vector<16xi32> to vector<16xi32>
      tpu.vector_store %arg6[%swap3A_169], %swap3A_172 {strides = array<i32>} : memref<128xi32, #tpu.memory_space<vmem>>, vector<16xi32>,
      %add3A_173 = arith.constant 96 : i32
      %add3A_174 = arith.addi %mul3A_118, %add3A_173 : i32
      %get3A_175 = arith.index_cast %add3A_174 : i32 to index
      %get3A_176 = tpu.vector_load %arg4[%get3A_175] {strides = array<i32>} : memref<10240xi32, #tpu.memory_space<vmem>>, vector<16xi32>,
      %get3A_177 = vector.shape_cast %get3A_176 : vector<16xi32> to vector<16xi32>
      %swap3A_178 = arith.constant 96 : index
      %swap3A_179 = tpu.vector_load %arg6[%swap3A_178] {strides = array<i32>} : memref<128xi32, #tpu.memory_space<vmem>>, vector<16xi32>,
      %swap3A_180 = vector.shape_cast %swap3A_179 : vector<16xi32> to vector<16xi32>
      %swap3A_181 = vector.shape_cast %get3A_177 : vector<16xi32> to vector<16xi32>
      tpu.vector_store %arg6[%swap3A_178], %swap3A_181 {strides = array<i32>} : memref<128xi32, #tpu.memory_space<vmem>>, vector<16xi32>,
      %add3A_182 = arith.constant 112 : i32
      %add3A_183 = arith.addi %mul3A_118, %add3A_182 : i32
      %get3A_184 = arith.index_cast %add3A_183 : i32 to index
      %get3A_185 = tpu.vector_load %arg4[%get3A_184] {strides = array<i32>} : memref<10240xi32, #tpu.memory_space<vmem>>, vector<16xi32>,
      %get3A_186 = vector.shape_cast %get3A_185 : vector<16xi32> to vector<16xi32>
      %swap3A_187 = arith.constant 112 : index
      %swap3A_188 = tpu.vector_load %arg6[%swap3A_187] {strides = array<i32>} : memref<128xi32, #tpu.memory_space<vmem>>, vector<16xi32>,
      %swap3A_189 = vector.shape_cast %swap3A_188 : vector<16xi32> to vector<16xi32>
      %swap3A_190 = vector.shape_cast %get3A_186 : vector<16xi32> to vector<16xi32>
      tpu.vector_store %arg6[%swap3A_187], %swap3A_190 {strides = array<i32>} : memref<128xi32, #tpu.memory_space<vmem>>, vector<16xi32>,
      %dma_start3A_191 = arith.constant 0 : i32
      %dma_start3A_192 = arith.constant 0 : i32
      %dma_start3A_193 = tpu.memref_slice %arg9[%dma_start3A_191, %dma_start3A_192] : memref<10240x16xf32, #tpu.memory_space<vmem_shared>> -> memref<10240x16xf32, #tpu.memory_space<vmem_shared>>
      tpu.enqueue_indirect_dma source(%arg7 : memref<128x16xf32, #tpu.memory_space<vmem>>) target(%dma_start3A_193 : memref<10240x16xf32, #tpu.memory_space<vmem_shared>>) offsets(%arg6 : memref<128xi32, #tpu.memory_space<vmem>>) semaphore(%arg11 : memref<!tpu.dma_semaphore, #tpu.memory_space<semaphore_mem>>) {add = true}
    }
    %scan3A_16 = arith.constant 40 : i32
    %dma_wait3A = arith.constant 0 : i32
    %dma_wait3A_17 = arith.constant 0 : i32
    %dma_wait3A_18 = tpu.memref_slice %arg9[%dma_wait3A, %dma_wait3A_17] : memref<10240x16xf32, #tpu.memory_space<vmem_shared>> -> memref<10240x16xf32, #tpu.memory_space<vmem_shared>>
    tpu.wait_indirect_dma semaphore(%arg10 : memref<!tpu.dma_semaphore, #tpu.memory_space<semaphore_mem>>) src(%arg7 : memref<128x16xf32, #tpu.memory_space<vmem>>) dst(%dma_wait3A_18 : memref<10240x16xf32, #tpu.memory_space<vmem_shared>>)
    %dma_wait3A_19 = arith.constant 0 : i32
    %dma_wait3A_20 = arith.constant 0 : i32
    %dma_wait3A_21 = tpu.memref_slice %arg9[%dma_wait3A_19, %dma_wait3A_20] : memref<10240x16xf32, #tpu.memory_space<vmem_shared>> -> memref<10240x16xf32, #tpu.memory_space<vmem_shared>>
    tpu.wait_indirect_dma semaphore(%arg11 : memref<!tpu.dma_semaphore, #tpu.memory_space<semaphore_mem>>) src(%arg7 : memref<128x16xf32, #tpu.memory_space<vmem>>) dst(%dma_wait3A_21 : memref<10240x16xf32, #tpu.memory_space<vmem_shared>>)
    %barrier3A_22 = arith.constant 0 : index
    tpu.barrier barrier_id(%barrier3A_22)
    %mul3A_23 = arith.constant 640 : i32
    %mul3A_24 = arith.muli %arg1, %mul3A_23 : i32
    %mul3A_25 = arith.constant 640 : i32
    %mul3A_26 = arith.muli %arg1, %mul3A_25 : i32
    "tpu.region"() ({
      %run_scoped3A = tpu.sem_alloc : memref<!tpu.dma_semaphore, #tpu.memory_space<semaphore_mem>>
      %dma_start3A = arith.constant 0 : i32
      %dma_start3A_27 = tpu.memref_slice %arg3[%arg0, %mul3A_26, %dma_start3A] : memref<2x10240x16xf32, #tpu.memory_space<hbm>> -> memref<1x640x16xf32, #tpu.memory_space<hbm>>
      %dma_start3A_28 = tpu.memref_squeeze %dma_start3A_27 : memref<1x640x16xf32, #tpu.memory_space<hbm>> -> memref<640x16xf32, #tpu.memory_space<hbm>>
      %dma_start3A_29 = arith.constant 0 : i32
      %dma_start3A_30 = tpu.memref_slice %arg9[%mul3A_24, %dma_start3A_29] : memref<10240x16xf32, #tpu.memory_space<vmem_shared>> -> memref<640x16xf32, #tpu.memory_space<vmem_shared>>
      tpu.enqueue_dma source(%dma_start3A_30 : memref<640x16xf32, #tpu.memory_space<vmem_shared>>) target(%dma_start3A_28 : memref<640x16xf32, #tpu.memory_space<hbm>>) target_semaphore(%run_scoped3A : memref<!tpu.dma_semaphore, #tpu.memory_space<semaphore_mem>>)
      %dma_wait3A_31 = arith.constant 0 : i32
      %dma_wait3A_32 = tpu.memref_slice %arg3[%arg0, %mul3A_26, %dma_wait3A_31] : memref<2x10240x16xf32, #tpu.memory_space<hbm>> -> memref<1x640x16xf32, #tpu.memory_space<hbm>>
      %dma_wait3A_33 = tpu.memref_squeeze %dma_wait3A_32 : memref<1x640x16xf32, #tpu.memory_space<hbm>> -> memref<640x16xf32, #tpu.memory_space<hbm>>
      %dma_wait3A_34 = arith.constant 0 : i32
      %dma_wait3A_35 = tpu.memref_slice %arg9[%mul3A_24, %dma_wait3A_34] : memref<10240x16xf32, #tpu.memory_space<vmem_shared>> -> memref<640x16xf32, #tpu.memory_space<vmem_shared>>
      tpu.wait_dma2 semaphore(%run_scoped3A : memref<!tpu.dma_semaphore, #tpu.memory_space<semaphore_mem>>) src(%dma_wait3A_35 : memref<640x16xf32, #tpu.memory_space<vmem_shared>>) dst(%dma_wait3A_33 : memref<640x16xf32, #tpu.memory_space<hbm>>)
      tpu.yield
    }) : () -> ()
    return
  }
}

module attributes {stable_mosaic.version = 14 : i64} {
  func.func @_tc_scale_body(%arg0: i32, %arg1: memref<2000x128xf32, #tpu.memory_space<vmem>>, %arg2: memref<128x128xf32, #tpu.memory_space<vmem>>, %arg3: memref<2x2000x16xf32, #tpu.memory_space<vmem>>, %arg4: memref<2000x128xf32, #tpu.memory_space<vmem>>, %arg5: memref<2000x1xf32, #tpu.memory_space<vmem>>) attributes {dimension_semantics = [#tpu.dimension_semantics<arbitrary>], iteration_bounds = array<i64: 5>, scalar_prefetch = 0 : i64, scratch_operands = 0 : i64, tpu.core_type = #tpu.core_type<tc>, window_params = [{transform_indices = @transform_0, window_bounds = array<i64: 2000, 128>}, {pipeline_mode = #tpu.pipeline_mode<synchronous>, transform_indices = @transform_1, window_bounds = array<i64: 128, 128>}, {transform_indices = @transform_2, window_bounds = array<i64: 2, 2000, 16>}, {transform_indices = @transform_3, window_bounds = array<i64: 2000, 128>}, {transform_indices = @transform_4, window_bounds = array<i64: 2000, 1>}]} {
    %get3A = arith.constant 0 : index
    %get3A_0 = arith.constant 0 : index
    %get3A_1 = arith.constant 0 : index
    %get3A_2 = vector.load %arg3[%get3A, %get3A_0, %get3A_1] : memref<2x2000x16xf32, #tpu.memory_space<vmem>>, vector<1x2000x1xf32>
    %get3A_3 = vector.shape_cast %get3A_2 : vector<1x2000x1xf32> to vector<2000x1xf32>
    %get3A_4 = arith.constant 1 : index
    %get3A_5 = arith.constant 0 : index
    %get3A_6 = arith.constant 0 : index
    %get3A_7 = vector.load %arg3[%get3A_4, %get3A_5, %get3A_6] : memref<2x2000x16xf32, #tpu.memory_space<vmem>>, vector<1x2000x1xf32>
    %get3A_8 = vector.shape_cast %get3A_7 : vector<1x2000x1xf32> to vector<2000x1xf32>
    %add3A = arith.addf %get3A_3, %get3A_8 : vector<2000x1xf32>
    %add3A_9 = arith.constant 1.000000e+00 : f32
    %add3A_10 = vector.broadcast %add3A_9 : f32 to vector<2000x1xf32>
    %add3A_11 = arith.addf %add3A, %add3A_10 : vector<2000x1xf32>
    %rsqrt3A = math.rsqrt %add3A_11 : vector<2000x1xf32>
    %get3A_12 = arith.constant 0 : index
    %get3A_13 = arith.constant 0 : index
    %get3A_14 = vector.load %arg1[%get3A_12, %get3A_13] : memref<2000x128xf32, #tpu.memory_space<vmem>>, vector<2000x128xf32>
    %get3A_15 = arith.constant 0 : index
    %get3A_16 = arith.constant 0 : index
    %get3A_17 = vector.load %arg2[%get3A_15, %get3A_16] : memref<128x128xf32, #tpu.memory_space<vmem>>, vector<128x128xf32>
    %dot_general3A = arith.constant dense<0.000000e+00> : vector<2000x128xf32>
    %dot_general3A_18 = tpu.matmul %get3A_14, %get3A_17, %dot_general3A {dimension_numbers = #tpu.dot_dimension_numbers<[1], [0], [0], [1], [0, 0, 1, 1], [], []>, transpose_lhs_hint = false} : vector<2000x128xf32>, vector<128x128xf32>, vector<2000x128xf32> -> vector<2000x128xf32>
    %mul3A = vector.broadcast %rsqrt3A : vector<2000x1xf32> to vector<2000x128xf32>
    %mul3A_19 = arith.mulf %dot_general3A_18, %mul3A : vector<2000x128xf32>
    %swap3A = arith.constant 0 : index
    %swap3A_20 = arith.constant 0 : index
    %swap3A_21 = vector.load %arg4[%swap3A, %swap3A_20] : memref<2000x128xf32, #tpu.memory_space<vmem>>, vector<2000x128xf32>
    tpu.vector_store %arg4[%swap3A, %swap3A_20], %mul3A_19 {strides = array<i32>} : memref<2000x128xf32, #tpu.memory_space<vmem>>, vector<2000x128xf32>,
    %swap3A_22 = arith.constant 0 : index
    %swap3A_23 = arith.constant 0 : index
    %swap3A_24 = vector.load %arg5[%swap3A_22, %swap3A_23] : memref<2000x1xf32, #tpu.memory_space<vmem>>, vector<2000x1xf32>
    tpu.vector_store %arg5[%swap3A_22, %swap3A_23], %rsqrt3A {strides = array<i32>} : memref<2000x1xf32, #tpu.memory_space<vmem>>, vector<2000x1xf32>,
    return
  }
  func.func @transform_0(%arg0: i32) -> (i32, i32) {
    %c0_i32 = arith.constant 0 : i32
    %c0_i32_0 = arith.constant 0 : i32
    return %arg0, %c0_i32 : i32, i32
  }
  func.func @transform_1(%arg0: i32) -> (i32, i32) {
    %c0_i32 = arith.constant 0 : i32
    %c0_i32_0 = arith.constant 0 : i32
    %c0_i32_1 = arith.constant 0 : i32
    return %c0_i32, %c0_i32_0 : i32, i32
  }
  func.func @transform_2(%arg0: i32) -> (i32, i32, i32) {
    %c0_i32 = arith.constant 0 : i32
    %c0_i32_0 = arith.constant 0 : i32
    %c0_i32_1 = arith.constant 0 : i32
    return %c0_i32, %arg0, %c0_i32_0 : i32, i32, i32
  }
  func.func @transform_3(%arg0: i32) -> (i32, i32) {
    %c0_i32 = arith.constant 0 : i32
    %c0_i32_0 = arith.constant 0 : i32
    return %arg0, %c0_i32 : i32, i32
  }
  func.func @transform_4(%arg0: i32) -> (i32, i32) {
    %c0_i32 = arith.constant 0 : i32
    %c0_i32_0 = arith.constant 0 : i32
    return %arg0, %c0_i32 : i32, i32
  }
}

module attributes {stable_mosaic.version = 14 : i64} {
  func.func @_tc_mid_body(%arg0: i32, %arg1: memref<2x2000x128xf32, #tpu.memory_space<vmem>>, %arg2: memref<2000x128xf32, #tpu.memory_space<vmem>>, %arg3: memref<2000x1xf32, #tpu.memory_space<vmem>>, %arg4: memref<1x128xf32, #tpu.memory_space<vmem>>, %arg5: memref<128x128xf32, #tpu.memory_space<vmem>>, %arg6: memref<2000x128xf32, #tpu.memory_space<vmem>>, %arg7: memref<2000x128xf32, #tpu.memory_space<vmem>>) attributes {dimension_semantics = [#tpu.dimension_semantics<arbitrary>], iteration_bounds = array<i64: 5>, scalar_prefetch = 0 : i64, scratch_operands = 0 : i64, tpu.core_type = #tpu.core_type<tc>, window_params = [{transform_indices = @transform_0, window_bounds = array<i64: 2, 2000, 128>}, {transform_indices = @transform_1, window_bounds = array<i64: 2000, 128>}, {transform_indices = @transform_2, window_bounds = array<i64: 2000, 1>}, {pipeline_mode = #tpu.pipeline_mode<synchronous>, transform_indices = @transform_3, window_bounds = array<i64: 1, 128>}, {pipeline_mode = #tpu.pipeline_mode<synchronous>, transform_indices = @transform_4, window_bounds = array<i64: 128, 128>}, {transform_indices = @transform_5, window_bounds = array<i64: 2000, 128>}, {transform_indices = @transform_6, window_bounds = array<i64: 2000, 128>}]} {
    %get3A = arith.constant 0 : index
    %get3A_0 = arith.constant 0 : index
    %get3A_1 = arith.constant 0 : index
    %get3A_2 = vector.load %arg1[%get3A, %get3A_0, %get3A_1] : memref<2x2000x128xf32, #tpu.memory_space<vmem>>, vector<1x2000x128xf32>
    %get3A_3 = vector.shape_cast %get3A_2 : vector<1x2000x128xf32> to vector<2000x128xf32>
    %get3A_4 = arith.constant 1 : index
    %get3A_5 = arith.constant 0 : index
    %get3A_6 = arith.constant 0 : index
    %get3A_7 = vector.load %arg1[%get3A_4, %get3A_5, %get3A_6] : memref<2x2000x128xf32, #tpu.memory_space<vmem>>, vector<1x2000x128xf32>
    %get3A_8 = vector.shape_cast %get3A_7 : vector<1x2000x128xf32> to vector<2000x128xf32>
    %add3A = arith.addf %get3A_3, %get3A_8 : vector<2000x128xf32>
    %get3A_9 = arith.constant 0 : index
    %get3A_10 = arith.constant 0 : index
    %get3A_11 = vector.load %arg2[%get3A_9, %get3A_10] : memref<2000x128xf32, #tpu.memory_space<vmem>>, vector<2000x128xf32>
    %add3A_12 = arith.addf %add3A, %get3A_11 : vector<2000x128xf32>
    %get3A_13 = arith.constant 0 : index
    %get3A_14 = arith.constant 0 : index
    %get3A_15 = vector.load %arg3[%get3A_13, %get3A_14] : memref<2000x1xf32, #tpu.memory_space<vmem>>, vector<2000x1xf32>
    %mul3A = vector.broadcast %get3A_15 : vector<2000x1xf32> to vector<2000x128xf32>
    %mul3A_16 = arith.mulf %add3A_12, %mul3A : vector<2000x128xf32>
    %get3A_17 = arith.constant 0 : index
    %get3A_18 = arith.constant 0 : index
    %get3A_19 = vector.load %arg4[%get3A_17, %get3A_18] : memref<1x128xf32, #tpu.memory_space<vmem>>, vector<1x128xf32>
    %add3A_20 = vector.broadcast %get3A_19 : vector<1x128xf32> to vector<2000x128xf32>
    %add3A_21 = arith.addf %mul3A_16, %add3A_20 : vector<2000x128xf32>
    %max3A = arith.constant 0.000000e+00 : f32
    %max3A_22 = vector.broadcast %max3A : f32 to vector<2000x128xf32>
    %max3A_23 = arith.maximumf %add3A_21, %max3A_22 : vector<2000x128xf32>
    %swap3A = arith.constant 0 : index
    %swap3A_24 = arith.constant 0 : index
    %swap3A_25 = vector.load %arg7[%swap3A, %swap3A_24] : memref<2000x128xf32, #tpu.memory_space<vmem>>, vector<2000x128xf32>
    tpu.vector_store %arg7[%swap3A, %swap3A_24], %max3A_23 {strides = array<i32>} : memref<2000x128xf32, #tpu.memory_space<vmem>>, vector<2000x128xf32>,
    %get3A_26 = arith.constant 0 : index
    %get3A_27 = arith.constant 0 : index
    %get3A_28 = vector.load %arg5[%get3A_26, %get3A_27] : memref<128x128xf32, #tpu.memory_space<vmem>>, vector<128x128xf32>
    %dot_general3A = arith.constant dense<0.000000e+00> : vector<2000x128xf32>
    %dot_general3A_29 = tpu.matmul %max3A_23, %get3A_28, %dot_general3A {dimension_numbers = #tpu.dot_dimension_numbers<[1], [0], [0], [1], [0, 0, 1, 1], [], []>, transpose_lhs_hint = false} : vector<2000x128xf32>, vector<128x128xf32>, vector<2000x128xf32> -> vector<2000x128xf32>
    %mul3A_30 = vector.broadcast %get3A_15 : vector<2000x1xf32> to vector<2000x128xf32>
    %mul3A_31 = arith.mulf %dot_general3A_29, %mul3A_30 : vector<2000x128xf32>
    %swap3A_32 = arith.constant 0 : index
    %swap3A_33 = arith.constant 0 : index
    %swap3A_34 = vector.load %arg6[%swap3A_32, %swap3A_33] : memref<2000x128xf32, #tpu.memory_space<vmem>>, vector<2000x128xf32>
    tpu.vector_store %arg6[%swap3A_32, %swap3A_33], %mul3A_31 {strides = array<i32>} : memref<2000x128xf32, #tpu.memory_space<vmem>>, vector<2000x128xf32>,
    return
  }
  func.func @transform_0(%arg0: i32) -> (i32, i32, i32) {
    %c0_i32 = arith.constant 0 : i32
    %c0_i32_0 = arith.constant 0 : i32
    %c0_i32_1 = arith.constant 0 : i32
    return %c0_i32, %arg0, %c0_i32_0 : i32, i32, i32
  }
  func.func @transform_1(%arg0: i32) -> (i32, i32) {
    %c0_i32 = arith.constant 0 : i32
    %c0_i32_0 = arith.constant 0 : i32
    return %arg0, %c0_i32 : i32, i32
  }
  func.func @transform_2(%arg0: i32) -> (i32, i32) {
    %c0_i32 = arith.constant 0 : i32
    %c0_i32_0 = arith.constant 0 : i32
    return %arg0, %c0_i32 : i32, i32
  }
  func.func @transform_3(%arg0: i32) -> (i32, i32) {
    %c0_i32 = arith.constant 0 : i32
    %c0_i32_0 = arith.constant 0 : i32
    %c0_i32_1 = arith.constant 0 : i32
    return %c0_i32, %c0_i32_0 : i32, i32
  }
  func.func @transform_4(%arg0: i32) -> (i32, i32) {
    %c0_i32 = arith.constant 0 : i32
    %c0_i32_0 = arith.constant 0 : i32
    %c0_i32_1 = arith.constant 0 : i32
    return %c0_i32, %c0_i32_0 : i32, i32
  }
  func.func @transform_5(%arg0: i32) -> (i32, i32) {
    %c0_i32 = arith.constant 0 : i32
    %c0_i32_0 = arith.constant 0 : i32
    return %arg0, %c0_i32 : i32, i32
  }
  func.func @transform_6(%arg0: i32) -> (i32, i32) {
    %c0_i32 = arith.constant 0 : i32
    %c0_i32_0 = arith.constant 0 : i32
    return %arg0, %c0_i32 : i32, i32
  }
}

module attributes {stable_mosaic.version = 14 : i64} {
  func.func @_tc_mid_body(%arg0: i32, %arg1: memref<2x2000x128xf32, #tpu.memory_space<vmem>>, %arg2: memref<2000x128xf32, #tpu.memory_space<vmem>>, %arg3: memref<2000x1xf32, #tpu.memory_space<vmem>>, %arg4: memref<1x128xf32, #tpu.memory_space<vmem>>, %arg5: memref<128x128xf32, #tpu.memory_space<vmem>>, %arg6: memref<2000x128xf32, #tpu.memory_space<vmem>>, %arg7: memref<2000x128xf32, #tpu.memory_space<vmem>>) attributes {dimension_semantics = [#tpu.dimension_semantics<arbitrary>], iteration_bounds = array<i64: 5>, scalar_prefetch = 0 : i64, scratch_operands = 0 : i64, tpu.core_type = #tpu.core_type<tc>, window_params = [{transform_indices = @transform_0, window_bounds = array<i64: 2, 2000, 128>}, {transform_indices = @transform_1, window_bounds = array<i64: 2000, 128>}, {transform_indices = @transform_2, window_bounds = array<i64: 2000, 1>}, {pipeline_mode = #tpu.pipeline_mode<synchronous>, transform_indices = @transform_3, window_bounds = array<i64: 1, 128>}, {pipeline_mode = #tpu.pipeline_mode<synchronous>, transform_indices = @transform_4, window_bounds = array<i64: 128, 128>}, {transform_indices = @transform_5, window_bounds = array<i64: 2000, 128>}, {transform_indices = @transform_6, window_bounds = array<i64: 2000, 128>}]} {
    %get3A = arith.constant 0 : index
    %get3A_0 = arith.constant 0 : index
    %get3A_1 = arith.constant 0 : index
    %get3A_2 = vector.load %arg1[%get3A, %get3A_0, %get3A_1] : memref<2x2000x128xf32, #tpu.memory_space<vmem>>, vector<1x2000x128xf32>
    %get3A_3 = vector.shape_cast %get3A_2 : vector<1x2000x128xf32> to vector<2000x128xf32>
    %get3A_4 = arith.constant 1 : index
    %get3A_5 = arith.constant 0 : index
    %get3A_6 = arith.constant 0 : index
    %get3A_7 = vector.load %arg1[%get3A_4, %get3A_5, %get3A_6] : memref<2x2000x128xf32, #tpu.memory_space<vmem>>, vector<1x2000x128xf32>
    %get3A_8 = vector.shape_cast %get3A_7 : vector<1x2000x128xf32> to vector<2000x128xf32>
    %add3A = arith.addf %get3A_3, %get3A_8 : vector<2000x128xf32>
    %get3A_9 = arith.constant 0 : index
    %get3A_10 = arith.constant 0 : index
    %get3A_11 = vector.load %arg2[%get3A_9, %get3A_10] : memref<2000x128xf32, #tpu.memory_space<vmem>>, vector<2000x128xf32>
    %add3A_12 = arith.addf %add3A, %get3A_11 : vector<2000x128xf32>
    %get3A_13 = arith.constant 0 : index
    %get3A_14 = arith.constant 0 : index
    %get3A_15 = vector.load %arg3[%get3A_13, %get3A_14] : memref<2000x1xf32, #tpu.memory_space<vmem>>, vector<2000x1xf32>
    %mul3A = vector.broadcast %get3A_15 : vector<2000x1xf32> to vector<2000x128xf32>
    %mul3A_16 = arith.mulf %add3A_12, %mul3A : vector<2000x128xf32>
    %get3A_17 = arith.constant 0 : index
    %get3A_18 = arith.constant 0 : index
    %get3A_19 = vector.load %arg4[%get3A_17, %get3A_18] : memref<1x128xf32, #tpu.memory_space<vmem>>, vector<1x128xf32>
    %add3A_20 = vector.broadcast %get3A_19 : vector<1x128xf32> to vector<2000x128xf32>
    %add3A_21 = arith.addf %mul3A_16, %add3A_20 : vector<2000x128xf32>
    %max3A = arith.constant 0.000000e+00 : f32
    %max3A_22 = vector.broadcast %max3A : f32 to vector<2000x128xf32>
    %max3A_23 = arith.maximumf %add3A_21, %max3A_22 : vector<2000x128xf32>
    %swap3A = arith.constant 0 : index
    %swap3A_24 = arith.constant 0 : index
    %swap3A_25 = vector.load %arg7[%swap3A, %swap3A_24] : memref<2000x128xf32, #tpu.memory_space<vmem>>, vector<2000x128xf32>
    tpu.vector_store %arg7[%swap3A, %swap3A_24], %max3A_23 {strides = array<i32>} : memref<2000x128xf32, #tpu.memory_space<vmem>>, vector<2000x128xf32>,
    %get3A_26 = arith.constant 0 : index
    %get3A_27 = arith.constant 0 : index
    %get3A_28 = vector.load %arg5[%get3A_26, %get3A_27] : memref<128x128xf32, #tpu.memory_space<vmem>>, vector<128x128xf32>
    %dot_general3A = arith.constant dense<0.000000e+00> : vector<2000x128xf32>
    %dot_general3A_29 = tpu.matmul %max3A_23, %get3A_28, %dot_general3A {dimension_numbers = #tpu.dot_dimension_numbers<[1], [0], [0], [1], [0, 0, 1, 1], [], []>, transpose_lhs_hint = false} : vector<2000x128xf32>, vector<128x128xf32>, vector<2000x128xf32> -> vector<2000x128xf32>
    %mul3A_30 = vector.broadcast %get3A_15 : vector<2000x1xf32> to vector<2000x128xf32>
    %mul3A_31 = arith.mulf %dot_general3A_29, %mul3A_30 : vector<2000x128xf32>
    %swap3A_32 = arith.constant 0 : index
    %swap3A_33 = arith.constant 0 : index
    %swap3A_34 = vector.load %arg6[%swap3A_32, %swap3A_33] : memref<2000x128xf32, #tpu.memory_space<vmem>>, vector<2000x128xf32>
    tpu.vector_store %arg6[%swap3A_32, %swap3A_33], %mul3A_31 {strides = array<i32>} : memref<2000x128xf32, #tpu.memory_space<vmem>>, vector<2000x128xf32>,
    return
  }
  func.func @transform_0(%arg0: i32) -> (i32, i32, i32) {
    %c0_i32 = arith.constant 0 : i32
    %c0_i32_0 = arith.constant 0 : i32
    %c0_i32_1 = arith.constant 0 : i32
    return %c0_i32, %arg0, %c0_i32_0 : i32, i32, i32
  }
  func.func @transform_1(%arg0: i32) -> (i32, i32) {
    %c0_i32 = arith.constant 0 : i32
    %c0_i32_0 = arith.constant 0 : i32
    return %arg0, %c0_i32 : i32, i32
  }
  func.func @transform_2(%arg0: i32) -> (i32, i32) {
    %c0_i32 = arith.constant 0 : i32
    %c0_i32_0 = arith.constant 0 : i32
    return %arg0, %c0_i32 : i32, i32
  }
  func.func @transform_3(%arg0: i32) -> (i32, i32) {
    %c0_i32 = arith.constant 0 : i32
    %c0_i32_0 = arith.constant 0 : i32
    %c0_i32_1 = arith.constant 0 : i32
    return %c0_i32, %c0_i32_0 : i32, i32
  }
  func.func @transform_4(%arg0: i32) -> (i32, i32) {
    %c0_i32 = arith.constant 0 : i32
    %c0_i32_0 = arith.constant 0 : i32
    %c0_i32_1 = arith.constant 0 : i32
    return %c0_i32, %c0_i32_0 : i32, i32
  }
  func.func @transform_5(%arg0: i32) -> (i32, i32) {
    %c0_i32 = arith.constant 0 : i32
    %c0_i32_0 = arith.constant 0 : i32
    return %arg0, %c0_i32 : i32, i32
  }
  func.func @transform_6(%arg0: i32) -> (i32, i32) {
    %c0_i32 = arith.constant 0 : i32
    %c0_i32_0 = arith.constant 0 : i32
    return %arg0, %c0_i32 : i32, i32
  }
}

module attributes {stable_mosaic.version = 14 : i64} {
  func.func @_tc_pool_body(%arg0: i32, %arg1: memref<2000x128xf32, #tpu.memory_space<vmem>>, %arg2: memref<2000x1xi32, #tpu.memory_space<vmem>>, %arg3: memref<128x1xf32, #tpu.memory_space<vmem>>, %arg4: memref<1x1xf32, #tpu.memory_space<vmem>>, %arg5: memref<64x1xf32, #tpu.memory_space<vmem>>, %arg6: memref<64x128xf32, #tpu.memory_space<vmem>>, %arg7: memref<64x1xf32, #tpu.memory_space<vmem>>) attributes {dimension_semantics = [#tpu.dimension_semantics<arbitrary>], iteration_bounds = array<i64: 5>, scalar_prefetch = 0 : i64, scratch_operands = 2 : i64, tpu.core_type = #tpu.core_type<tc>, window_params = [{transform_indices = @transform_0, window_bounds = array<i64: 2000, 128>}, {transform_indices = @transform_1, window_bounds = array<i64: 2000, 1>}, {pipeline_mode = #tpu.pipeline_mode<synchronous>, transform_indices = @transform_2, window_bounds = array<i64: 128, 1>}, {pipeline_mode = #tpu.pipeline_mode<synchronous>, transform_indices = @transform_3, window_bounds = array<i64: 1, 1>}, {pipeline_mode = #tpu.pipeline_mode<synchronous>, transform_indices = @transform_4, window_bounds = array<i64: 64, 1>}]} {
    %get3A = arith.constant 0 : index
    %get3A_0 = arith.constant 0 : index
    %get3A_1 = vector.load %arg1[%get3A, %get3A_0] : memref<2000x128xf32, #tpu.memory_space<vmem>>, vector<2000x128xf32>
    %get3A_2 = arith.constant 0 : index
    %get3A_3 = arith.constant 0 : index
    %get3A_4 = vector.load %arg2[%get3A_2, %get3A_3] : memref<2000x1xi32, #tpu.memory_space<vmem>>, vector<2000x1xi32>
    %iota3A = tpu.iota {dimensions = array<i32: 1>} : vector<2000x64xi32>
    %eq3A = vector.broadcast %get3A_4 : vector<2000x1xi32> to vector<2000x64xi32>
    %eq3A_5 = arith.cmpi eq, %eq3A, %iota3A : vector<2000x64xi32>
    %convert_element_type3A = arith.extui %eq3A_5 : vector<2000x64xi1> to vector<2000x64xi32>
    %convert_element_type3A_6 = arith.sitofp %convert_element_type3A : vector<2000x64xi32> to vector<2000x64xf32>
    %dot_general3A = arith.constant dense<0.000000e+00> : vector<64x128xf32>
    %dot_general3A_7 = tpu.matmul %convert_element_type3A_6, %get3A_1, %dot_general3A {dimension_numbers = #tpu.dot_dimension_numbers<[0], [0], [1], [1], [0, 1, 1, 1], [], []>, transpose_lhs_hint = false} : vector<2000x64xf32>, vector<2000x128xf32>, vector<64x128xf32> -> vector<64x128xf32>
    %broadcast_in_dim3A = arith.constant 1.000000e+00 : f32
    %broadcast_in_dim3A_8 = vector.broadcast %broadcast_in_dim3A : f32 to vector<2000x1xf32>
    %dot_general3A_9 = arith.constant dense<0.000000e+00> : vector<64x1xf32>
    %dot_general3A_10 = tpu.matmul %convert_element_type3A_6, %broadcast_in_dim3A_8, %dot_general3A_9 {dimension_numbers = #tpu.dot_dimension_numbers<[0], [0], [1], [1], [0, 1, 1, 1], [], []>, transpose_lhs_hint = false} : vector<2000x64xf32>, vector<2000x1xf32>, vector<64x1xf32> -> vector<64x1xf32>
    %eq3A_11 = arith.constant 0 : i32
    %eq3A_12 = arith.cmpi eq, %arg0, %eq3A_11 : i32
    %convert_element_type3A_13 = arith.extui %eq3A_12 : i1 to i32
    %cond3A = arith.constant 0 : i32
    %cond3A_14 = arith.cmpi ne, %convert_element_type3A_13, %cond3A : i32
    scf.if %cond3A_14 {
      %swap3A = arith.constant 0 : index
      %swap3A_24 = arith.constant 0 : index
      %swap3A_25 = vector.load %arg6[%swap3A, %swap3A_24] : memref<64x128xf32, #tpu.memory_space<vmem>>, vector<64x128xf32>
      tpu.vector_store %arg6[%swap3A, %swap3A_24], %dot_general3A_7 {strides = array<i32>} : memref<64x128xf32, #tpu.memory_space<vmem>>, vector<64x128xf32>,
      %swap3A_26 = arith.constant 0 : index
      %swap3A_27 = arith.constant 0 : index
      %swap3A_28 = vector.load %arg7[%swap3A_26, %swap3A_27] : memref<64x1xf32, #tpu.memory_space<vmem>>, vector<64x1xf32>
      tpu.vector_store %arg7[%swap3A_26, %swap3A_27], %dot_general3A_10 {strides = array<i32>} : memref<64x1xf32, #tpu.memory_space<vmem>>, vector<64x1xf32>,
    } else {
    }
    %gt3A = arith.constant 0 : i32
    %gt3A_15 = arith.cmpi sgt, %arg0, %gt3A : i32
    %convert_element_type3A_16 = arith.extui %gt3A_15 : i1 to i32
    %cond3A_17 = arith.constant 0 : i32
    %cond3A_18 = arith.cmpi ne, %convert_element_type3A_16, %cond3A_17 : i32
    scf.if %cond3A_18 {
      %get3A_24 = arith.constant 0 : index
      %get3A_25 = arith.constant 0 : index
      %get3A_26 = vector.load %arg6[%get3A_24, %get3A_25] : memref<64x128xf32, #tpu.memory_space<vmem>>, vector<64x128xf32>
      %add3A = arith.addf %get3A_26, %dot_general3A_7 : vector<64x128xf32>
      %swap3A = arith.constant 0 : index
      %swap3A_27 = arith.constant 0 : index
      %swap3A_28 = vector.load %arg6[%swap3A, %swap3A_27] : memref<64x128xf32, #tpu.memory_space<vmem>>, vector<64x128xf32>
      tpu.vector_store %arg6[%swap3A, %swap3A_27], %add3A {strides = array<i32>} : memref<64x128xf32, #tpu.memory_space<vmem>>, vector<64x128xf32>,
      %get3A_29 = arith.constant 0 : index
      %get3A_30 = arith.constant 0 : index
      %get3A_31 = vector.load %arg7[%get3A_29, %get3A_30] : memref<64x1xf32, #tpu.memory_space<vmem>>, vector<64x1xf32>
      %add3A_32 = arith.addf %get3A_31, %dot_general3A_10 : vector<64x1xf32>
      %swap3A_33 = arith.constant 0 : index
      %swap3A_34 = arith.constant 0 : index
      %swap3A_35 = vector.load %arg7[%swap3A_33, %swap3A_34] : memref<64x1xf32, #tpu.memory_space<vmem>>, vector<64x1xf32>
      tpu.vector_store %arg7[%swap3A_33, %swap3A_34], %add3A_32 {strides = array<i32>} : memref<64x1xf32, #tpu.memory_space<vmem>>, vector<64x1xf32>,
    } else {
    }
    %eq3A_19 = arith.constant 4 : i32
    %eq3A_20 = arith.cmpi eq, %arg0, %eq3A_19 : i32
    %convert_element_type3A_21 = arith.extui %eq3A_20 : i1 to i32
    %cond3A_22 = arith.constant 0 : i32
    %cond3A_23 = arith.cmpi ne, %convert_element_type3A_21, %cond3A_22 : i32
    scf.if %cond3A_23 {
      %get3A_24 = arith.constant 0 : index
      %get3A_25 = arith.constant 0 : index
      %get3A_26 = vector.load %arg6[%get3A_24, %get3A_25] : memref<64x128xf32, #tpu.memory_space<vmem>>, vector<64x128xf32>
      %get3A_27 = arith.constant 0 : index
      %get3A_28 = arith.constant 0 : index
      %get3A_29 = vector.load %arg7[%get3A_27, %get3A_28] : memref<64x1xf32, #tpu.memory_space<vmem>>, vector<64x1xf32>
      %max3A = arith.constant 1.000000e+00 : f32
      %max3A_30 = vector.broadcast %max3A : f32 to vector<64x1xf32>
      %max3A_31 = arith.maximumf %get3A_29, %max3A_30 : vector<64x1xf32>
      %div3A = vector.broadcast %max3A_31 : vector<64x1xf32> to vector<64x128xf32>
      %div3A_32 = arith.divf %get3A_26, %div3A : vector<64x128xf32>
      %get3A_33 = arith.constant 0 : index
      %get3A_34 = arith.constant 0 : index
      %get3A_35 = vector.load %arg3[%get3A_33, %get3A_34] : memref<128x1xf32, #tpu.memory_space<vmem>>, vector<128x1xf32>
      %dot_general3A_36 = arith.constant dense<0.000000e+00> : vector<64x1xf32>
      %dot_general3A_37 = tpu.matmul %div3A_32, %get3A_35, %dot_general3A_36 {dimension_numbers = #tpu.dot_dimension_numbers<[1], [0], [0], [1], [0, 0, 1, 1], [], []>, transpose_lhs_hint = false} : vector<64x128xf32>, vector<128x1xf32>, vector<64x1xf32> -> vector<64x1xf32>
      %get3A_38 = arith.constant 0 : index
      %get3A_39 = arith.constant 0 : index
      %get3A_40 = vector.load %arg4[%get3A_38, %get3A_39] : memref<1x1xf32, #tpu.memory_space<vmem>>, vector<1x1xf32>
      %add3A = vector.broadcast %get3A_40 : vector<1x1xf32> to vector<64x1xf32>
      %add3A_41 = arith.addf %dot_general3A_37, %add3A : vector<64x1xf32>
      %swap3A = arith.constant 0 : index
      %swap3A_42 = arith.constant 0 : index
      %swap3A_43 = vector.load %arg5[%swap3A, %swap3A_42] : memref<64x1xf32, #tpu.memory_space<vmem>>, vector<64x1xf32>
      tpu.vector_store %arg5[%swap3A, %swap3A_42], %add3A_41 {strides = array<i32>} : memref<64x1xf32, #tpu.memory_space<vmem>>, vector<64x1xf32>,
    } else {
    }
    return
  }
  func.func @transform_0(%arg0: i32) -> (i32, i32) {
    %c0_i32 = arith.constant 0 : i32
    %c0_i32_0 = arith.constant 0 : i32
    return %arg0, %c0_i32 : i32, i32
  }
  func.func @transform_1(%arg0: i32) -> (i32, i32) {
    %c0_i32 = arith.constant 0 : i32
    %c0_i32_0 = arith.constant 0 : i32
    return %arg0, %c0_i32 : i32, i32
  }
  func.func @transform_2(%arg0: i32) -> (i32, i32) {
    %c0_i32 = arith.constant 0 : i32
    %c0_i32_0 = arith.constant 0 : i32
    %c0_i32_1 = arith.constant 0 : i32
    return %c0_i32, %c0_i32_0 : i32, i32
  }
  func.func @transform_3(%arg0: i32) -> (i32, i32) {
    %c0_i32 = arith.constant 0 : i32
    %c0_i32_0 = arith.constant 0 : i32
    %c0_i32_1 = arith.constant 0 : i32
    return %c0_i32, %c0_i32_0 : i32, i32
  }
  func.func @transform_4(%arg0: i32) -> (i32, i32) {
    %c0_i32 = arith.constant 0 : i32
    %c0_i32_0 = arith.constant 0 : i32
    %c0_i32_1 = arith.constant 0 : i32
    return %c0_i32, %c0_i32_0 : i32, i32
  }
}

</mosaic_0001>

<sc_bundles>
// kernel: kernel.12.cloned.1.call-start
scs
__scs_entry_jumppad:
0x0: {  	(pc) =	sbr.rel $0x88, $3  }
0x1: {  	(tag) =	ssettag $0x0;
	lr =	simm.s32 $0x1  }
0x2: {  	[smem:$0x3F98] =	sst lr;
	_ =	strace $0xD0000000  }
0x3: {  	_ = 	snop  }
0x4: {  	_ = 	snop  }
0x5: {  	_ = 	snop  }
0x6: {  	_ = 	snop  }
0x7: {  	_ = 	snop  }
__scs_overlays_trampoline_lowered:
0x8: {  	[smem:$0x3FA7] =	sst s0  }
0x9: {  	[smem:$0x3FA8] =	sst s1  }
0xa: {  	[smem:$0x3FA9] =	sst s2  }
0xb: {  	[smem:$0x3FAA] =	sst s3  }
0xc: {  	[smem:$0x3FAB] =	sst s4  }
0xd: {  	[smem:$0x3FAC] =	sst s5  }
0xe: {  	[smem:$0x3FAD] =	sst s6  }
0xf: {  	[smem:$0x3FAE] =	sst s7  }
0x10: {  	[smem:$0x3FAF] =	sst s8  }
0x11: {  	[smem:$0x3FB0] =	sst s9;
	s0 =	simm.s32 @!p0 $0x0  }
0x12: {  	s1 =	sld [smem:$0x3F96];
	s0 =	simm.s32 @p0 $0x1  }
0x13: {  	[smem:$0x3FB1] =	sst s0;
	s0 =	simm.s32 @!p1 $0x0  }
0x14: {  	s2 =	sld [smem:$0x3F95];
	s0 =	simm.s32 @p1 $0x1  }
0x15: {  	[smem:$0x3FB2] =	sst s0;
	s0 =	simm.s32 @!p2 $0x0  }
0x16: {  	s3 =	sld [smem:$0x3FDB];
	s0 =	simm.s32 @p2 $0x1  }
0x17: {  	s4 =	simm.s32 $0x1BF5;
	[smem:$0x3FB4] =	sst s0  }
0x18: {  	s0 =	sld [smem:$0x3F97];
	_ =	swait.ge [sflag:s4], $0x0  }
0x19: {  	s7 =	sld [smem:$0x3F98]  }
0x1a: {  	s8 =	sadd.s32 $0xFFFFE003, lr  }
0x1b: {  	s9 =	sadd.s32 $0xFFFFFEF7, lr;
	s5 =	simm.s32 $0xFFFFFFFF;
	p2 =	slt.u32 s8, $0xFFFFF086  }
0x1c: {  	p1 =	slt.u32 s9, $0xF7A;
	s5 =	simm.s32 @!p2 $0x0  }
0x1d: {  	s5 =	simm.s32 @p1 $0x1;
	p0 =	seq.s32 s7, s2  }
0x1e: {  	s7 =	smul.u32 @!p0 $0xF7A, s2;
	p2 =	seq.s32 @!p0 s5, $0x0  }
0x1f: {  	s9 =	smul.u32 $0xF7A, s1;
	s8 =	simm.s32 @!p0 $0x1BF5;
	p2 =	por !p2, p0  }
0x20: {  	[sflag:s8] =	ssyncset.s32 @!p0 $0xFFFFF086;
	s6 =	sadd.s32 @!p0 s3, s7;
	s7 =	simm.s32 @!p0 $0x108  }
0x21: {  	s3 =	sadd.s32 s3, s9;
	s6 =	sadd.s32 @!p0 $0x88, s6;
	s7 =	simm.s32 @p2 $0x1082  }
0x22: {  	[simem:s7], [sflag:s8] =	dma.local @!p0 [hbm:s6], $0xF7A  }
0x23: {  	s9 =	sor.u32 $0xD0000000, s2;
	s6 =	simm.s32 $0x108;
	_ =	swait.ge @!p0 [sflag:s8], $0x0  }
0x24: {  	s3 =	sadd.s32 $0x88, s3;
	s6 =	simm.s32 @!p1 $0x1082;
	[sflag:s4] =	ssyncset.s32 $0xFFFFF086  }
0x25: {  	[simem:s6], [sflag:s4] =	dma.local [hbm:s3], $0xF7A  }
0x26: {  	[smem:$0x3F98] =	sst s1;
	(tag) =	ssettag s2;
	_ =	strace s9  }
0x27: {  	s1 =	sld [smem:$0x3FA8]  }
0x28: {  	s2 =	sld [smem:$0x3FA9]  }
0x29: {  	s4 =	sld [smem:$0x3FAB]  }
0x2a: {  	p0 =	seq.s32 s5, $0x0;
	s5 =	sld [smem:$0x3FAC]  }
0x2b: {  	s6 =	sld [smem:$0x3FAD]  }
0x2c: {  	s7 =	sld [smem:$0x3FAE]  }
0x2d: {  	s3 =	simm.s32 $0x108;
	s8 =	sld [smem:$0x3FAF]  }
0x2e: {  	s3 =	simm.s32 @!p0 $0x1082;
	s9 =	sld [smem:$0x3FB0]  }
0x2f: {  	lr =	sadd.s32 s0, s3;
	s0 =	sld [smem:$0x3FA7]  }
0x30: {  	s3 =	sld [smem:$0x3FAA]  }
0x31: {  	[smem:$0x3FB3] =	sst s10  }
0x32: {  	s10 =	sld [smem:$0x3FB1];
	_ =	sdelay $0x3  }
0x33: {  	p0 =	seq.s32 s10, $0x1;
	s10 =	sld [smem:$0x3FB3];
	_ =	sdelay $0x3  }
0x34: {  	[smem:$0x3FB3] =	sst s10  }
0x35: {  	s10 =	sld [smem:$0x3FB2];
	_ =	sdelay $0x3  }
0x36: {  	p1 =	seq.s32 s10, $0x1;
	s10 =	sld [smem:$0x3FB3];
	_ =	sdelay $0x3  }
0x37: {  	[smem:$0x3FB3] =	sst s10  }
0x38: {  	s10 =	sld [smem:$0x3FB4]  }
0x39: {  	_ = 	snop;
	(pc) =	sbr.ind lr, $3  }
0x3a: {  	_ = 	snop  }
0x3b: {  	_ = 	snop  }
0x3c: {  	p2 =	seq.s32 s10, $0x1;
	s10 =	sld [smem:$0x3FB3]  }
0x3d: {  	_ =	shalt  }
0x3e: {  	_ =	shalt  }
0x3f: {  	_ =	shalt  }
0x40: {  	_ =	shalt  }
0x41: {  	_ =	shalt  }
0x42: {  	_ =	shalt  }
0x43: {  	_ =	shalt  }
0x44: {  	_ =	shalt  }
0x45: {  	_ =	shalt  }
0x46: {  	_ =	shalt  }
0x47: {  	_ =	shalt  }
0x48: {  	_ =	shalt  }
0x49: {  	_ =	shalt  }
0x4a: {  	_ =	shalt  }
0x4b: {  	_ =	shalt  }
0x4c: {  	_ =	shalt  }
0x4d: {  	_ =	shalt  }
0x4e: {  	_ =	shalt  }
0x4f: {  	_ =	shalt  }
0x50: {  	_ =	shalt  }
0x51: {  	_ =	shalt  }
0x52: {  	_ =	shalt  }
0x53: {  	_ =	shalt  }
0x54: {  	_ =	shalt  }
0x55: {  	_ =	shalt  }
0x56: {  	_ =	shalt  }
0x57: {  	_ =	shalt  }
0x58: {  	_ =	shalt  }
0x59: {  	_ =	shalt  }
0x5a: {  	_ =	shalt  }
0x5b: {  	_ =	shalt  }
0x5c: {  	_ =	shalt  }
0x5d: {  	_ =	shalt  }
0x5e: {  	_ =	shalt  }
0x5f: {  	_ =	shalt  }
0x60: {  	_ =	shalt  }
0x61: {  	_ =	shalt  }
0x62: {  	_ =	shalt  }
0x63: {  	_ =	shalt  }
0x64: {  	_ =	shalt  }
0x65: {  	_ =	shalt  }
0x66: {  	_ =	shalt  }
0x67: {  	_ =	shalt  }
0x68: {  	_ =	shalt  }
0x69: {  	_ =	shalt  }
0x6a: {  	_ =	shalt  }
0x6b: {  	_ =	shalt  }
0x6c: {  	_ =	shalt  }
0x6d: {  	_ =	shalt  }
0x6e: {  	_ =	shalt  }
0x6f: {  	_ =	shalt  }
0x70: {  	_ =	shalt  }
0x71: {  	_ =	shalt  }
0x72: {  	_ =	shalt  }
0x73: {  	_ =	shalt  }
0x74: {  	_ =	shalt  }
0x75: {  	_ =	shalt  }
0x76: {  	_ =	shalt  }
0x77: {  	_ =	shalt  }
0x78: {  	_ =	shalt  }
0x79: {  	_ =	shalt  }
0x7a: {  	_ =	shalt  }
0x7b: {  	_ =	shalt  }
0x7c: {  	_ =	shalt  }
0x7d: {  	_ =	shalt  }
0x7e: {  	_ =	shalt  }
0x7f: {  	_ =	shalt  }
0x80: {  	_ =	shalt  }
0x81: {  	_ =	shalt  }
0x82: {  	_ =	shalt  }
0x83: {  	_ =	shalt  }
0x84: {  	_ =	shalt  }
0x85: {  	_ =	shalt  }
0x86: {  	_ =	shalt  }
0x87: {  	_ =	shalt  }
.Lfunc_end0:
.L_simem_size_0:
called_computation.1_lowered:
.L_overlay_start_0:
0x88: {  	s2 =	sld [smem:$0x3FD9]  }
0x89: {  	s3 =	sld [smem:$0x3FFE];
	_ =	sdelay $0x1  }
0x8a: {  	s1 =	srdreg.scid  }
0x8b: {  	s0 =	sand.u32 $0x1, s1  }
0x8c: {  	s16 =	sshll.u32 s0, $0xA;
	s2 =	sadd.s32 s3, s2  }
0x8d: {  	s2 =	sadd.s32 s2, s16  }
0x8e: {  	[smem:$0x3FBF] =	sst s2  }
0x8f: {  	_ = 	snop  }
0x90: {  	(tm) =	ssettm $0x1  }
0x91: {  	s17 =	sld [smem:$0x3FFB];
	_ =	sdelay $0x3  }
0x92: {  	_ =	strace s17  }
0x93: {  	s2 =	sld [smem:$0x3FFC];
	_ =	sdelay $0x3  }
0x94: {  	_ =	strace s2  }
0x95: {  	s2 =	sld [smem:$0x3FFD];
	_ =	sdelay $0x3  }
0x96: {  	_ =	strace s2  }
0x97: {  	_ =	strace $0x8FFFFFFF  }
0x98: {  	s18 =	sld [smem:$0x3FDB];
	_ =	sdelay $0x1  }
0x99: {  	s19 =	simm.s32 $_scs_section_size  }
0x9a: {  	s4 =	simm.s32 $_size__tile_overlayer_lowered;
	s5 =	simm.s32 $_tile_overlayer_lowered  }
0x9b: {  	s22 =	simm.s32 $0x1BFF;
	s21 =	sshll.u32 s5, $0x1;
	s2 =	sadd.s32 s19, s18  }
0x9c: {  	s6 =	simm.s32 $0x0;
	s20 =	sshll.u32 s4, $0x1;
	s4 =	sadd.s32 s21, s2  }
0x9d: {  	[timem:s6], [sflag:s22] =	dma.local [hbm:s4], s20  }
0x9e: {  	_ =	swait.ge [sflag:s22], s20  }
0x9f: {  	s3 =	ssub.s32 $0x0, s20;
	[sflag:s22] =	ssyncset.done $0x0  }
0xa0: {  	[sflag:s22] =	ssyncadd.s32 s3;
	_ =	sdelay $0x1  }
0xa1: {  	s23 =	simm.s32 $0x1B8B  }
0xa2: {  	_ =	swait.ge [sflag:s23], $0x1  }
0xa3: {  	[sflag:s23] =	ssyncset.done $0x0  }
0xa4: {  	s25 =	simm.s32 $0x1B8E;
	s24 =	sld [smem:$0x3FFE];
	[sflag:s23] =	ssyncadd.s32 $0xFFFFFFFF  }
0xa5: {  	s26 =	simm.s32 $execute0_lowered;
	[smem:$0x3FD2] =	sst s25  }
0xa6: {  	s4 =	sshll.u32 s26, $0x1;
	_ =	strace $0x80000049;
	[dreg:$0x1] =	wrdreg $0xFFFFFFFF  }
0xa7: {  	s28 =	simm.s32 $_size_execute0_lowered;
	s2 =	sadd.s32 s2, s4;
	[dreg:$0x0] =	wrdreg $0x0  }
0xa8: {  	s4 =	sshll.u32 s28, $0x1;
	[dreg:$0x2] =	wrdreg s2  }
0xa9: {  	[dreg:$0x3] =	wrdreg s4  }
0xaa: {  	[dreg:$0x4] =	wrdreg $0xC0  }
0xab: {  	_ =	task [dreg:s6], $0x5FFFF  }
0xac: {  	[dreg:$0x1] =	wrdreg $0xFFFFFFFF  }
0xad: {  	[dreg:$0x0] =	wrdreg $0x60  }
0xae: {  	[dreg:$0x2] =	wrdreg s24  }
0xaf: {  	[dreg:$0x3] =	wrdreg $0x83000  }
0xb0: {  	[dreg:$0x4] =	wrdreg $0x9  }
0xb1: {  	_ =	task.clear_ibuf [dreg:s6], $0x5FFFF;
	_ =	strace $0x90000049  }
0xb2: {  	s29 =	simm.s32 $0x9;
	_ =	strace $0x8000004B  }
0xb3: {  	_ =	swait.ge [sflag:s29], $0x1  }
0xb4: {  	[sflag:s29] =	ssyncadd.s32 $0xFFFFFFFF  }
0xb5: {  	_ =	strace $0x9000004B  }
0xb6: {  	_ =	sfence  }
0xb7: {  	s30 =	sld [smem:$0x0];
	_ =	sdelay $0x2  }
0xb8: {  	s31 =	sshll.u32 s1, $0xD;
	s1 =	sshrl.u32 s1, $0x2  }
0xb9: {  	s3 =	sand.u32 $0x4000, s31;
	s1 =	sadd.s32 s1, s30  }
0xba: {  	s0 =	sor.u32 s3, s0;
	s1 =	sshll.u32 s1, $0x11  }
0xbb: {  	s0 =	sor.u32 s1, s0  }
0xbc: {  	s0 =	sadd.s32 $0x8F2B, s0  }
0xbd: {  	[sflag:s0] =	ssyncadd.remote.s32 $0x1  }
0xbe: {  	_ =	sfence.sel $0xFFFF  }
0xbf: {  	[dreg:$0x0] =	wrdreg $0xFFFFFFFF;
	(pc) =	sbr.abs _section_cstart, $3  }
0xc0: {  	[dreg:$0x1] =	wrdreg $0xFFFFFFFF  }
0xc1: {  	_ =	task.clear_ibuf [dreg:s6], $0x2FFFF;
	_ =	strace $0x9FFFFFFF  }
0xc2: {  	(tm) =	ssettm $0x7FFFFFFF  }
0xc3: {  	_ =	shalt  }
tec
execute0_lowered:
.L_overlay_start_1:
0x0: {  	(tag) =	ssettag $0x1  }
0x1: {  	s0 =	rddreg [dreg:$0x0]  }
0x2: {  	s1 =	rddreg [dreg:$0x1]  }
0x3: {  	s2 =	srdreg.scid;
	s3 =	simm.s32 $0x0;
	s11 =	stileid.u32  }
0x4: {  	s19 =	simm.s32 $0x300;
	s20 =	simm.s32 $0x5;
	s21 =	simm.s32 $0x100  }
0x5: {  	s28 =	simm.s32 $0x280;
	s29 =	simm.s32 $0x3;
	s8 =	smul.u32 $0x14000, s11  }
0x6: {  	s30 =	simm.s32 $0x4;
	s31 =	simm.s32 $0x0;
	s9 =	smul.u32 $0x78, s11  }
0x7: {  	s2 =	sand.u32 $0x1, s2;
	[smem:$0x7FF] =	sst s3;
	s10 =	smul.u32 $0x28, s11  }
0x8: {  	s4 =	sadd.s32 $0xC000, s0;
	s5 =	sadd.s32 $0x5C000, s0;
	s11 =	smul.u32 $0x50000, s11  }
0x9: {  	s6 =	sadd.s32 $0x2000, s0;
	s7 =	smul.u32 $0x140000, s2;
	s22 =	ssub.s32 $0x2, s2  }
0xa: {  	_ =	strace $0x8000004A;
	p0 =	seq.s32 s2, $0x0;
	s23 =	sshrl.u32 s22, $0x1  }
0xb: {  	s24 =	sshrl.u32 s11, $0x2;
	s7 =	sadd.s32 s8, s7;
	s14 =	ssub.s32 s22, s23  }
0xc: {  	s8 =	simm.s32 $0x78;
	s22 =	simm.s32 $0x80;
	s23 =	simm.s32 $0x4300  }
0xd: {  	s7 =	sshrl.u32 s7, $0x3;
	s8 =	simm.s32 @!p0 $0x28;
	s14 =	smax.u32 s14, $0x1  }
0xe: {  	s0 =	sadd.s32 s7, s0;
	s7 =	sadd.s32 $0x780, s10;
	s12 =	sshrl.u32 s8, $0x1  }
0xf: {  	s7 =	smov.u32 @p0 s9;
	s9 =	sadd.s32 s24, s1;
	s13 =	sadd.s32 $0x66000, s0  }
0x10: {  	s24 =	simm.s32 $0x1;
	s25 =	sshll.u32 s7, $0x4;
	s15 =	sadd.s32 $0x4000, s9  }
0x11: {  	s16 =	sadd.s32 $0x8000, s9;
	s17 =	sadd.s32 $0xC000, s9;
	s26 =	sadd.s32 s5, s25  }
0x12: {  	s18 =	sadd.s32 $0x10000, s9;
	s2 =	sadd.s32 s6, s25;
	[dreg:$0x3] =	wrdreg s26  }
0x13: {  	v0 =	vimm.f32 $0.0e+00;
	s25 =	simm.s32 $0x200;
	[dreg:$0x4] =	wrdreg s2;
	s26 =	simm.s32 $0x2  }
.LBB2_1:
0x14: {  	s0 =	simm.s32 $0x0;
	s2 =	simm.s32 $0x200  }
.LBB2_2:
0x15: {  	p0 =	sne.s32 s2, $0xFE00;
	[tilespmem:s0+$0x370] =	vst v0  }
0x16: {  	[tilespmem:s0+$0x300] =	vst v0  }
0x17: {  	[tilespmem:s0+$0x310] =	vst v0  }
.Ltmp0:
0x18: {  	[tilespmem:s0+$0x320] =	vst v0;
	(pc) =	sbr.rel @p0 .LBB2_2-.Ltmp0, $4  }
0x19: {  	[tilespmem:s0+$0x330] =	vst v0  }
0x1a: {  	[tilespmem:s0+$0x340] =	vst v0  }
0x1b: {  	[tilespmem:s0+$0x350] =	vst v0  }
0x1c: {  	[tilespmem:s0+$0x360] =	vst v0;
	s0 =	sshra.s32 s2, $0x2;
	s2 =	sadd.s32 $0x200, s2  }
0x1d: {  	[tilespmem:s0+$0x370] =	vst v0  }
0x1e: {  	[tilespmem:s0+$0x300] =	vst v0  }
0x1f: {  	[tilespmem:s0+$0x310] =	vst v0  }
0x20: {  	[tilespmem:s0+$0x320] =	vst v0  }
0x21: {  	[tilespmem:s0+$0x330] =	vst v0  }
0x22: {  	[tilespmem:s0+$0x340] =	vst v0  }
0x23: {  	[tilespmem:s0+$0x350] =	vst v0  }
0x24: {  	[tilespmem:s0+$0x360] =	vst v0  }
0x25: {  	[spmem:s9] =	stream.linear.scatter [tilespmem:s19], [sflag:$0x5], $0x4000, $0x38;
	[tilespmem:$0x1C300] =	vst v63  }
0x26: {  	_ =	swait.ge [sflag:s20], $0x4000  }
0x27: {  	[sflag:s20] =	ssyncset.done $0x0  }
0x28: {  	[sflag:s20] =	ssyncadd.s32 $0xFFFFC000  }
0x29: {  	[spmem:s15] =	stream.linear.scatter [tilespmem:s19], [sflag:$0x5], $0x4000, $0x38;
	[tilespmem:$0x1C300] =	vst v63  }
0x2a: {  	_ =	swait.ge [sflag:s20], $0x4000  }
0x2b: {  	[sflag:s20] =	ssyncset.done $0x0  }
0x2c: {  	[sflag:s20] =	ssyncadd.s32 $0xFFFFC000  }
0x2d: {  	[spmem:s16] =	stream.linear.scatter [tilespmem:s19], [sflag:$0x5], $0x4000, $0x38;
	[tilespmem:$0x1C300] =	vst v63  }
0x2e: {  	_ =	swait.ge [sflag:s20], $0x4000  }
0x2f: {  	[sflag:s20] =	ssyncset.done $0x0  }
0x30: {  	[sflag:s20] =	ssyncadd.s32 $0xFFFFC000  }
0x31: {  	[spmem:s17] =	stream.linear.scatter [tilespmem:s19], [sflag:$0x5], $0x4000, $0x38;
	[tilespmem:$0x1C300] =	vst v63  }
0x32: {  	_ =	swait.ge [sflag:s20], $0x4000  }
0x33: {  	[sflag:s20] =	ssyncset.done $0x0  }
0x34: {  	[sflag:s20] =	ssyncadd.s32 $0xFFFFC000  }
0x35: {  	[spmem:s18] =	stream.linear.scatter [tilespmem:s19], [sflag:$0x5], $0x4000, $0x38;
	[tilespmem:$0x1C300] =	vst v63  }
0x36: {  	_ =	swait.ge [sflag:s20], $0x4000  }
0x37: {  	[sflag:s20] =	ssyncset.done $0x0  }
0x38: {  	s10 =	rddreg [dreg:$0x3];
	[sflag:s20] =	ssyncadd.s32 $0xFFFFC000  }
0x39: {  	[tilespmem:s3], [sflag:$0x5] =	stream.linear.gather [hbm4b:s10+s3], $0x100, $0x38;
	[tilespmem:$0x1C300] =	vst v63  }
0x3a: {  	_ =	swait.ge [sflag:s20], $0x100  }
0x3b: {  	[sflag:s20] =	ssyncset.done $0x0  }
0x3c: {  	s11 =	rddreg [dreg:$0x4];
	[sflag:s20] =	ssyncadd.s32 $0xFFFFFF00  }
0x3d: {  	[tilespmem:s21], [sflag:$0x5] =	stream.linear.gather [hbm4b:s11+s3], $0x100, $0x38;
	[tilespmem:$0x1C300] =	vst v63  }
0x3e: {  	_ =	swait.ge [sflag:s20], $0x100  }
0x3f: {  	[sflag:s20] =	ssyncset.done $0x0  }
0x40: {  	[sflag:s20] =	ssyncadd.s32 $0xFFFFFF00  }
0x41: {  	[tilespmem:s19], [sflag:$0x1] =	stream.indirect.gather [hbm4b:s4+s22], $0x80, s3, s22, $0xb8;
	[tilespmem:$0x1C300] =	vst v63  }
0x42: {  	_ = 	snop  }
0x43: {  	[tilespmem:s23], [sflag:$0x2] =	stream.indirect.gather [hbm4b:s4+s22], $0x80, s22, s22, $0xb8;
	[tilespmem:$0x1C300] =	vst v63  }
0x44: {  	[bflag:$0x0] =	sbarrier.arrive $0xFFFF  }
0x45: {  	_ =	swait.ge [sflag:s24], $0x4000  }
0x46: {  	[sflag:s24] =	ssyncset.done $0x0  }
0x47: {  	[sflag:s24] =	ssyncadd.s32 $0xFFFFC000  }
0x48: {  	v1 =	vld [tilespmem:$0x170]  }
0x49: {  	v2 =	vld [tilespmem:$0x150]  }
0x4a: {  	v3 =	vld [tilespmem:$0x160]  }
0x4b: {  	v4 =	vld [tilespmem:$0x130]  }
0x4c: {  	v5 =	vld [tilespmem:$0x140]  }
0x4d: {  	v6 =	vld [tilespmem:$0x100];
	[tilespmem:$0x270] =	vst v1  }
0x4e: {  	v1 =	vld [tilespmem:$0x120];
	[tilespmem:$0x250] =	vst v2  }
0x4f: {  	v2 =	vld [tilespmem:$0x110];
	[tilespmem:$0x260] =	vst v3  }
0x50: {  	[tilespmem:$0x230] =	vst v4  }
0x51: {  	[tilespmem:$0x240] =	vst v5  }
0x52: {  	[tilespmem:$0x200] =	vst v6  }
0x53: {  	[tilespmem:$0x220] =	vst v1  }
0x54: {  	[tilespmem:$0x210] =	vst v2  }
0x55: {  	[spmem:s1] =	stream.indirect.scatter.add.f32 [tilespmem:s19], [sflag:$0x3], $0x80, s25, s22, $0xb8;
	[tilespmem:$0x1C300] =	vst v63  }
0x56: {  	_ =	swait.ge [sflag:s26], $0x4000  }
0x57: {  	[sflag:s26] =	ssyncset.done $0x0  }
0x58: {  	s0 =	simm.s32 $0x2;
	[sflag:s26] =	ssyncadd.s32 $0xFFFFC000  }
0x59: {  	(drf) =	srem.u32 s0, s8;
	v1 =	vld [tilespmem:$0x180]  }
0x5a: {  	v2 =	vld [tilespmem:$0x1D0]  }
0x5b: {  	v3 =	vld [tilespmem:$0x1F0]  }
0x5c: {  	v61 =	vld [tilespmem:$0x1E0]  }
0x5d: {  	v62 =	vld [tilespmem:$0x190]  }
0x5e: {  	v63 =	vld [tilespmem:$0x1B0];
	[tilespmem:$0x280] =	vst v1  }
0x5f: {  	v1 =	vld [tilespmem:$0x1A0];
	[tilespmem:$0x2D0] =	vst v2  }
0x60: {  	v2 =	vld [tilespmem:$0x1C0];
	[tilespmem:$0x2F0] =	vst v3  }
0x61: {  	[tilespmem:$0x2E0] =	vst v61  }
0x62: {  	[tilespmem:$0x290] =	vst v62;
	s2 =	spop (drf)  }
0x63: {  	[tilespmem:$0x2B0] =	vst v63;
	s2 =	sadd.s32 s7, s2  }
0x64: {  	p0 =	sne.s32 s12, $0x1;
	s2 =	sshll.u32 s2, $0x4;
	[tilespmem:$0x2A0] =	vst v1  }
.Ltmp1:
0x65: {  	[tilespmem:$0x2C0] =	vst v2;
	s10 =	sand.u32 $0x1FFE0, s2;
	(pc) =	sbr.rel @!p0 .LBB2_5-.Ltmp1, $4  }
0x66: {  	[spmem:s1] =	stream.indirect.scatter.add.f32 [tilespmem:s23], [sflag:$0x4], $0x80, s28, s22, $0xb8;
	[tilespmem:$0x1C300] =	vst v63  }
0x67: {  	s2 =	sadd.s32 s5, s10  }
0x68: {  	[tilespmem:s3], [sflag:$0x5] =	stream.linear.gather [hbm4b:s2+s3], $0x100, $0x38;
	[tilespmem:$0x1C300] =	vst v63  }
0x69: {  	s2 =	sadd.s32 $0xFFFFFFFF, s12  }
.LBB2_4:
0x6a: {  	p0 =	sne.s32 s2, $0x1;
	_ =	swait.ge [sflag:s20], $0x100;
	s0 =	sadd.s32 $0x2, s0  }
0x6b: {  	s2 =	sadd.s32 $0xFFFFFFFF, s2;
	s10 =	sadd.s32 s6, s10;
	[sflag:s20] =	ssyncset.done $0x0  }
0x6c: {  	[sflag:s20] =	ssyncadd.s32 $0xFFFFFF00  }
0x6d: {  	[tilespmem:s21], [sflag:$0x5] =	stream.linear.gather [hbm4b:s10+s3], $0x100, $0x38;
	[tilespmem:$0x1C300] =	vst v63  }
0x6e: {  	_ =	swait.ge [sflag:s20], $0x100  }
0x6f: {  	[sflag:s20] =	ssyncset.done $0x0  }
0x70: {  	[sflag:s20] =	ssyncadd.s32 $0xFFFFFF00  }
0x71: {  	_ =	swait.ge [sflag:s29], $0x4000  }
0x72: {  	[sflag:s29] =	ssyncset.done $0x0  }
0x73: {  	[sflag:s29] =	ssyncadd.s32 $0xFFFFC000  }
0x74: {  	[tilespmem:s19], [sflag:$0x1] =	stream.indirect.gather [hbm4b:s4+s22], $0x80, s3, s22, $0xb8;
	[tilespmem:$0x1C300] =	vst v63  }
0x75: {  	_ =	swait.ge [sflag:s30], $0x4000  }
0x76: {  	[sflag:s30] =	ssyncset.done $0x0  }
0x77: {  	[sflag:s30] =	ssyncadd.s32 $0xFFFFC000  }
0x78: {  	[tilespmem:s23], [sflag:$0x2] =	stream.indirect.gather [hbm4b:s4+s22], $0x80, s22, s22, $0xb8;
	[tilespmem:$0x1C300] =	vst v63  }
0x79: {  	_ =	swait.ge [sflag:s24], $0x4000  }
0x7a: {  	[sflag:s24] =	ssyncset.done $0x0  }
0x7b: {  	[sflag:s24] =	ssyncadd.s32 $0xFFFFC000  }
0x7c: {  	v1 =	vld [tilespmem:$0x170]  }
0x7d: {  	v2 =	vld [tilespmem:$0x150]  }
0x7e: {  	v3 =	vld [tilespmem:$0x160]  }
0x7f: {  	v4 =	vld [tilespmem:$0x130]  }
0x80: {  	v5 =	vld [tilespmem:$0x140]  }
0x81: {  	v6 =	vld [tilespmem:$0x100];
	[tilespmem:$0x270] =	vst v1  }
0x82: {  	v1 =	vld [tilespmem:$0x120];
	[tilespmem:$0x250] =	vst v2  }
0x83: {  	v2 =	vld [tilespmem:$0x110];
	[tilespmem:$0x260] =	vst v3  }
0x84: {  	[tilespmem:$0x230] =	vst v4  }
0x85: {  	[tilespmem:$0x240] =	vst v5  }
0x86: {  	[tilespmem:$0x200] =	vst v6  }
0x87: {  	[tilespmem:$0x220] =	vst v1  }
0x88: {  	[tilespmem:$0x210] =	vst v2  }
0x89: {  	[spmem:s1] =	stream.indirect.scatter.add.f32 [tilespmem:s19], [sflag:$0x3], $0x80, s25, s22, $0xb8;
	[tilespmem:$0x1C300] =	vst v63  }
0x8a: {  	_ =	swait.ge [sflag:s26], $0x4000  }
0x8b: {  	[sflag:s26] =	ssyncset.done $0x0  }
0x8c: {  	[sflag:s26] =	ssyncadd.s32 $0xFFFFC000  }
0x8d: {  	v1 =	vld [tilespmem:$0x180];
	(drf) =	srem.u32 s0, s8  }
0x8e: {  	v2 =	vld [tilespmem:$0x1D0]  }
0x8f: {  	v3 =	vld [tilespmem:$0x1F0]  }
0x90: {  	v4 =	vld [tilespmem:$0x1E0]  }
0x91: {  	v5 =	vld [tilespmem:$0x190]  }
0x92: {  	[tilespmem:$0x280] =	vst v1;
	v1 =	vld [tilespmem:$0x1A0]  }
0x93: {  	v6 =	vld [tilespmem:$0x1B0];
	[tilespmem:$0x2D0] =	vst v2  }
0x94: {  	v2 =	vld [tilespmem:$0x1C0];
	[tilespmem:$0x2F0] =	vst v3  }
0x95: {  	[tilespmem:$0x2E0] =	vst v4  }
0x96: {  	[tilespmem:$0x290] =	vst v5;
	s10 =	spop (drf)  }
0x97: {  	[tilespmem:$0x2A0] =	vst v1;
	s10 =	sadd.s32 s7, s10  }
.Ltmp2:
0x98: {  	[tilespmem:$0x2B0] =	vst v6;
	s10 =	sshll.u32 s10, $0x4;
	(pc) =	sbr.rel @p0 .LBB2_4-.Ltmp2, $4  }
0x99: {  	[tilespmem:$0x2C0] =	vst v2;
	s10 =	sand.u32 $0x1FFE0, s10  }
0x9a: {  	[spmem:s1] =	stream.indirect.scatter.add.f32 [tilespmem:s23], [sflag:$0x4], $0x80, s28, s22, $0xb8;
	[tilespmem:$0x1C300] =	vst v63  }
0x9b: {  	s11 =	sadd.s32 s5, s10  }
0x9c: {  	[tilespmem:s3], [sflag:$0x5] =	stream.linear.gather [hbm4b:s11+s3], $0x100, $0x38;
	[tilespmem:$0x1C300] =	vst v63  }
.LBB2_5:
0x9d: {  	_ =	swait.ge [sflag:s20], $0x100  }
0x9e: {  	[sflag:s20] =	ssyncset.done $0x0  }
0x9f: {  	s0 =	sadd.s32 s6, s10;
	[sflag:s20] =	ssyncadd.s32 $0xFFFFFF00  }
0xa0: {  	[tilespmem:s21], [sflag:$0x5] =	stream.linear.gather [hbm4b:s0+s3], $0x100, $0x38;
	[tilespmem:$0x1C300] =	vst v63  }
0xa1: {  	_ =	swait.ge [sflag:s20], $0x100  }
0xa2: {  	[sflag:s20] =	ssyncset.done $0x0  }
0xa3: {  	[sflag:s20] =	ssyncadd.s32 $0xFFFFFF00  }
0xa4: {  	_ =	swait.ge [sflag:s29], $0x4000  }
0xa5: {  	[sflag:s29] =	ssyncset.done $0x0  }
0xa6: {  	[sflag:s29] =	ssyncadd.s32 $0xFFFFC000  }
0xa7: {  	[tilespmem:s19], [sflag:$0x1] =	stream.indirect.gather [hbm4b:s4+s22], $0x80, s3, s22, $0xb8;
	[tilespmem:$0x1C300] =	vst v63  }
0xa8: {  	_ =	swait.ge [sflag:s30], $0x4000  }
0xa9: {  	[sflag:s30] =	ssyncset.done $0x0  }
0xaa: {  	[sflag:s30] =	ssyncadd.s32 $0xFFFFC000  }
0xab: {  	[tilespmem:s23], [sflag:$0x2] =	stream.indirect.gather [hbm4b:s4+s22], $0x80, s22, s22, $0xb8;
	[tilespmem:$0x1C300] =	vst v63  }
0xac: {  	_ =	swait.ge [sflag:s24], $0x4000  }
0xad: {  	[sflag:s24] =	ssyncset.done $0x0  }
0xae: {  	[sflag:s24] =	ssyncadd.s32 $0xFFFFC000  }
0xaf: {  	s11 =	stileid.u32;
	_ =	swait.ge [sflag:s26], $0x4000  }
0xb0: {  	s2 =	sshrl.u32 s9, $0x3;
	s31 =	sadd.s32 $0x1, s31;
	[sflag:s26] =	ssyncset.done $0x0  }
0xb1: {  	p0 =	sne.s32 s31, s14;
	s0 =	sshll.u32 s11, $0x6;
	[sflag:s26] =	ssyncadd.s32 $0xFFFFC000  }
.Ltmp3:
0xb2: {  	s0 =	sor.u32 $0x1C05, s0;
	[bflag:$0x0] =	sbarrier.arrive $0xFFFF;
	(pc) =	sbr.rel @p0 .LBB2_1-.Ltmp3, $4  }
0xb3: {  	[hbm:s13], [sflag:s0] =	dma.local [spmem:s2], $0x2800  }
0xb4: {  	_ =	swait.ge [sflag:s20], $0x2800  }
0xb5: {  	[sflag:s20] =	ssyncset.done $0x0  }
0xb6: {  	[sflag:s20] =	ssyncadd.s32 $0xFFFFD800  }
0xb7: {  	_ =	sfence.sel $0x180000  }
0xb8: {  	[bflag:$0x0] =	sbarrier.arrive $0xFFFF  }
0xb9: {  	_ =	strace $0x9000004A  }
0xba: {  	s0 =	stileid.u32;
	[bflag:$0x2] =	sbarrier.arrive $0xFFFF  }
0xbb: {  	p0 =	sne.s32 s0, $0x0;
	s0 =	rddreg [dreg:$0x2]  }
0xbc: {  	s0 =	sadd.s32 @!p0 $0x100000, s0  }
0xbd: {  	[sflag:s0] =	ssyncadd.tile.s32 @!p0 $0x1;
	_ =	shalt  }
.Lfunc_end2:
_tile_overlayer_lowered:
.L_overlay_start_2:
0xbe: {  	(tag) =	ssettag $0x2  }
0xbf: {  	s0 =	rddreg [dreg:$0x0];
	s2 =	stileid.u32  }
0xc0: {  	s1 =	rddreg [dreg:$0x1];
	p0 =	sne.s32 s2, $0x0  }
0xc1: {  	s3 =	rddreg [dreg:$0x2];
	[bflag:$0x3] =	sbarrier.arrive $0xFFFF;
	s2 =	simm.s32 @!p0 $0x1C05  }
0xc2: {  	[timem:s3], [sflag:s2] =	dma.local @!p0 [hbm:s0], s1  }
0xc3: {  	s0 =	simm.s32 @!p0 $0x5  }
0xc4: {  	_ =	swait.ge @!p0 [sflag:s0], s1  }
0xc5: {  	s1 =	ssub.s32 @!p0 $0x0, s1;
	[sflag:s0] =	ssyncset.done @!p0 $0x0  }
0xc6: {  	[sflag:s0] =	ssyncadd.s32 @!p0 s1  }
0xc7: {  	[bflag:$0x3] =	sbarrier.arrive $0xFFFF  }
0xc8: {  	_ =	shalt  }

// kernel: kernel.15.cloned.1.call-start
scs
__scs_entry_jumppad:
0x0: {  	(pc) =	sbr.rel $0x88, $3  }
0x1: {  	(tag) =	ssettag $0x0;
	lr =	simm.s32 $0x1  }
0x2: {  	[smem:$0x3F98] =	sst lr;
	_ =	strace $0xD0000000  }
0x3: {  	_ = 	snop  }
0x4: {  	_ = 	snop  }
0x5: {  	_ = 	snop  }
0x6: {  	_ = 	snop  }
0x7: {  	_ = 	snop  }
__scs_overlays_trampoline_lowered:
0x8: {  	[smem:$0x3FA7] =	sst s0  }
0x9: {  	[smem:$0x3FA8] =	sst s1  }
0xa: {  	[smem:$0x3FA9] =	sst s2  }
0xb: {  	[smem:$0x3FAA] =	sst s3  }
0xc: {  	[smem:$0x3FAB] =	sst s4  }
0xd: {  	[smem:$0x3FAC] =	sst s5  }
0xe: {  	[smem:$0x3FAD] =	sst s6  }
0xf: {  	[smem:$0x3FAE] =	sst s7  }
0x10: {  	[smem:$0x3FAF] =	sst s8  }
0x11: {  	[smem:$0x3FB0] =	sst s9;
	s0 =	simm.s32 @!p0 $0x0  }
0x12: {  	s1 =	sld [smem:$0x3F96];
	s0 =	simm.s32 @p0 $0x1  }
0x13: {  	[smem:$0x3FB1] =	sst s0;
	s0 =	simm.s32 @!p1 $0x0  }
0x14: {  	s2 =	sld [smem:$0x3F95];
	s0 =	simm.s32 @p1 $0x1  }
0x15: {  	[smem:$0x3FB2] =	sst s0;
	s0 =	simm.s32 @!p2 $0x0  }
0x16: {  	s3 =	sld [smem:$0x3FDB];
	s0 =	simm.s32 @p2 $0x1  }
0x17: {  	s4 =	simm.s32 $0x1BF5;
	[smem:$0x3FB4] =	sst s0  }
0x18: {  	s0 =	sld [smem:$0x3F97];
	_ =	swait.ge [sflag:s4], $0x0  }
0x19: {  	s7 =	sld [smem:$0x3F98]  }
0x1a: {  	s8 =	sadd.s32 $0xFFFFE003, lr  }
0x1b: {  	s9 =	sadd.s32 $0xFFFFFEF7, lr;
	s5 =	simm.s32 $0xFFFFFFFF;
	p2 =	slt.u32 s8, $0xFFFFF086  }
0x1c: {  	p1 =	slt.u32 s9, $0xF7A;
	s5 =	simm.s32 @!p2 $0x0  }
0x1d: {  	s5 =	simm.s32 @p1 $0x1;
	p0 =	seq.s32 s7, s2  }
0x1e: {  	s7 =	smul.u32 @!p0 $0xF7A, s2;
	p2 =	seq.s32 @!p0 s5, $0x0  }
0x1f: {  	s9 =	smul.u32 $0xF7A, s1;
	s8 =	simm.s32 @!p0 $0x1BF5;
	p2 =	por !p2, p0  }
0x20: {  	[sflag:s8] =	ssyncset.s32 @!p0 $0xFFFFF086;
	s6 =	sadd.s32 @!p0 s3, s7;
	s7 =	simm.s32 @!p0 $0x108  }
0x21: {  	s3 =	sadd.s32 s3, s9;
	s6 =	sadd.s32 @!p0 $0x88, s6;
	s7 =	simm.s32 @p2 $0x1082  }
0x22: {  	[simem:s7], [sflag:s8] =	dma.local @!p0 [hbm:s6], $0xF7A  }
0x23: {  	s9 =	sor.u32 $0xD0000000, s2;
	s6 =	simm.s32 $0x108;
	_ =	swait.ge @!p0 [sflag:s8], $0x0  }
0x24: {  	s3 =	sadd.s32 $0x88, s3;
	s6 =	simm.s32 @!p1 $0x1082;
	[sflag:s4] =	ssyncset.s32 $0xFFFFF086  }
0x25: {  	[simem:s6], [sflag:s4] =	dma.local [hbm:s3], $0xF7A  }
0x26: {  	[smem:$0x3F98] =	sst s1;
	(tag) =	ssettag s2;
	_ =	strace s9  }
0x27: {  	s1 =	sld [smem:$0x3FA8]  }
0x28: {  	s2 =	sld [smem:$0x3FA9]  }
0x29: {  	s4 =	sld [smem:$0x3FAB]  }
0x2a: {  	p0 =	seq.s32 s5, $0x0;
	s5 =	sld [smem:$0x3FAC]  }
0x2b: {  	s6 =	sld [smem:$0x3FAD]  }
0x2c: {  	s7 =	sld [smem:$0x3FAE]  }
0x2d: {  	s3 =	simm.s32 $0x108;
	s8 =	sld [smem:$0x3FAF]  }
0x2e: {  	s3 =	simm.s32 @!p0 $0x1082;
	s9 =	sld [smem:$0x3FB0]  }
0x2f: {  	lr =	sadd.s32 s0, s3;
	s0 =	sld [smem:$0x3FA7]  }
0x30: {  	s3 =	sld [smem:$0x3FAA]  }
0x31: {  	[smem:$0x3FB3] =	sst s10  }
0x32: {  	s10 =	sld [smem:$0x3FB1];
	_ =	sdelay $0x3  }
0x33: {  	p0 =	seq.s32 s10, $0x1;
	s10 =	sld [smem:$0x3FB3];
	_ =	sdelay $0x3  }
0x34: {  	[smem:$0x3FB3] =	sst s10  }
0x35: {  	s10 =	sld [smem:$0x3FB2];
	_ =	sdelay $0x3  }
0x36: {  	p1 =	seq.s32 s10, $0x1;
	s10 =	sld [smem:$0x3FB3];
	_ =	sdelay $0x3  }
0x37: {  	[smem:$0x3FB3] =	sst s10  }
0x38: {  	s10 =	sld [smem:$0x3FB4]  }
0x39: {  	_ = 	snop;
	(pc) =	sbr.ind lr, $3  }
0x3a: {  	_ = 	snop  }
0x3b: {  	_ = 	snop  }
0x3c: {  	p2 =	seq.s32 s10, $0x1;
	s10 =	sld [smem:$0x3FB3]  }
0x3d: {  	_ =	shalt  }
0x3e: {  	_ =	shalt  }
0x3f: {  	_ =	shalt  }
0x40: {  	_ =	shalt  }
0x41: {  	_ =	shalt  }
0x42: {  	_ =	shalt  }
0x43: {  	_ =	shalt  }
0x44: {  	_ =	shalt  }
0x45: {  	_ =	shalt  }
0x46: {  	_ =	shalt  }
0x47: {  	_ =	shalt  }
0x48: {  	_ =	shalt  }
0x49: {  	_ =	shalt  }
0x4a: {  	_ =	shalt  }
0x4b: {  	_ =	shalt  }
0x4c: {  	_ =	shalt  }
0x4d: {  	_ =	shalt  }
0x4e: {  	_ =	shalt  }
0x4f: {  	_ =	shalt  }
0x50: {  	_ =	shalt  }
0x51: {  	_ =	shalt  }
0x52: {  	_ =	shalt  }
0x53: {  	_ =	shalt  }
0x54: {  	_ =	shalt  }
0x55: {  	_ =	shalt  }
0x56: {  	_ =	shalt  }
0x57: {  	_ =	shalt  }
0x58: {  	_ =	shalt  }
0x59: {  	_ =	shalt  }
0x5a: {  	_ =	shalt  }
0x5b: {  	_ =	shalt  }
0x5c: {  	_ =	shalt  }
0x5d: {  	_ =	shalt  }
0x5e: {  	_ =	shalt  }
0x5f: {  	_ =	shalt  }
0x60: {  	_ =	shalt  }
0x61: {  	_ =	shalt  }
0x62: {  	_ =	shalt  }
0x63: {  	_ =	shalt  }
0x64: {  	_ =	shalt  }
0x65: {  	_ =	shalt  }
0x66: {  	_ =	shalt  }
0x67: {  	_ =	shalt  }
0x68: {  	_ =	shalt  }
0x69: {  	_ =	shalt  }
0x6a: {  	_ =	shalt  }
0x6b: {  	_ =	shalt  }
0x6c: {  	_ =	shalt  }
0x6d: {  	_ =	shalt  }
0x6e: {  	_ =	shalt  }
0x6f: {  	_ =	shalt  }
0x70: {  	_ =	shalt  }
0x71: {  	_ =	shalt  }
0x72: {  	_ =	shalt  }
0x73: {  	_ =	shalt  }
0x74: {  	_ =	shalt  }
0x75: {  	_ =	shalt  }
0x76: {  	_ =	shalt  }
0x77: {  	_ =	shalt  }
0x78: {  	_ =	shalt  }
0x79: {  	_ =	shalt  }
0x7a: {  	_ =	shalt  }
0x7b: {  	_ =	shalt  }
0x7c: {  	_ =	shalt  }
0x7d: {  	_ =	shalt  }
0x7e: {  	_ =	shalt  }
0x7f: {  	_ =	shalt  }
0x80: {  	_ =	shalt  }
0x81: {  	_ =	shalt  }
0x82: {  	_ =	shalt  }
0x83: {  	_ =	shalt  }
0x84: {  	_ =	shalt  }
0x85: {  	_ =	shalt  }
0x86: {  	_ =	shalt  }
0x87: {  	_ =	shalt  }
.Lfunc_end0:
.L_simem_size_0:
called_computation.2_lowered:
.L_overlay_start_0:
0x88: {  	s2 =	sld [smem:$0x3FD9]  }
0x89: {  	s3 =	sld [smem:$0x3FFE];
	_ =	sdelay $0x1  }
0x8a: {  	s1 =	srdreg.scid  }
0x8b: {  	s0 =	sand.u32 $0x1, s1  }
0x8c: {  	s16 =	sshll.u32 s0, $0xA;
	s2 =	sadd.s32 s3, s2  }
0x8d: {  	s2 =	sadd.s32 s2, s16  }
0x8e: {  	[smem:$0x3FBF] =	sst s2  }
0x8f: {  	_ = 	snop  }
0x90: {  	(tm) =	ssettm $0x1  }
0x91: {  	s17 =	sld [smem:$0x3FFB];
	_ =	sdelay $0x3  }
0x92: {  	_ =	strace s17  }
0x93: {  	s2 =	sld [smem:$0x3FFC];
	_ =	sdelay $0x3  }
0x94: {  	_ =	strace s2  }
0x95: {  	s2 =	sld [smem:$0x3FFD];
	_ =	sdelay $0x3  }
0x96: {  	_ =	strace s2  }
0x97: {  	_ =	strace $0x8FFFFFFF  }
0x98: {  	s18 =	sld [smem:$0x3FDB];
	_ =	sdelay $0x1  }
0x99: {  	s19 =	simm.s32 $_scs_section_size  }
0x9a: {  	s4 =	simm.s32 $_size__tile_overlayer_lowered;
	s5 =	simm.s32 $_tile_overlayer_lowered  }
0x9b: {  	s22 =	simm.s32 $0x1BFF;
	s21 =	sshll.u32 s5, $0x1;
	s2 =	sadd.s32 s19, s18  }
0x9c: {  	s6 =	simm.s32 $0x0;
	s20 =	sshll.u32 s4, $0x1;
	s4 =	sadd.s32 s21, s2  }
0x9d: {  	[timem:s6], [sflag:s22] =	dma.local [hbm:s4], s20  }
0x9e: {  	_ =	swait.ge [sflag:s22], s20  }
0x9f: {  	s3 =	ssub.s32 $0x0, s20;
	[sflag:s22] =	ssyncset.done $0x0  }
0xa0: {  	[sflag:s22] =	ssyncadd.s32 s3;
	_ =	sdelay $0x1  }
0xa1: {  	s23 =	simm.s32 $0x1B8B  }
0xa2: {  	_ =	swait.ge [sflag:s23], $0x1  }
0xa3: {  	[sflag:s23] =	ssyncset.done $0x0  }
0xa4: {  	s25 =	simm.s32 $0x1B8E;
	s24 =	sld [smem:$0x3FFE];
	[sflag:s23] =	ssyncadd.s32 $0xFFFFFFFF  }
0xa5: {  	s26 =	simm.s32 $execute0_lowered;
	[smem:$0x3FD2] =	sst s25  }
0xa6: {  	s4 =	sshll.u32 s26, $0x1;
	_ =	strace $0x8000004C;
	[dreg:$0x1] =	wrdreg $0xFFFFFFFF  }
0xa7: {  	s28 =	simm.s32 $_size_execute0_lowered;
	s2 =	sadd.s32 s2, s4;
	[dreg:$0x0] =	wrdreg $0x0  }
0xa8: {  	s4 =	sshll.u32 s28, $0x1;
	[dreg:$0x2] =	wrdreg s2  }
0xa9: {  	[dreg:$0x3] =	wrdreg s4  }
0xaa: {  	[dreg:$0x4] =	wrdreg $0xC0  }
0xab: {  	_ =	task [dreg:s6], $0x5FFFF  }
0xac: {  	[dreg:$0x1] =	wrdreg $0xFFFFFFFF  }
0xad: {  	[dreg:$0x0] =	wrdreg $0x60  }
0xae: {  	[dreg:$0x2] =	wrdreg s24  }
0xaf: {  	[dreg:$0x3] =	wrdreg $0x83000  }
0xb0: {  	[dreg:$0x4] =	wrdreg $0x9  }
0xb1: {  	_ =	task.clear_ibuf [dreg:s6], $0x5FFFF;
	_ =	strace $0x9000004C  }
0xb2: {  	s29 =	simm.s32 $0x9;
	_ =	strace $0x8000004E  }
0xb3: {  	_ =	swait.ge [sflag:s29], $0x1  }
0xb4: {  	[sflag:s29] =	ssyncadd.s32 $0xFFFFFFFF  }
0xb5: {  	_ =	strace $0x9000004E  }
0xb6: {  	_ =	sfence  }
0xb7: {  	s30 =	sld [smem:$0x0];
	_ =	sdelay $0x2  }
0xb8: {  	s31 =	sshll.u32 s1, $0xD;
	s1 =	sshrl.u32 s1, $0x2  }
0xb9: {  	s3 =	sand.u32 $0x4000, s31;
	s1 =	sadd.s32 s1, s30  }
0xba: {  	s0 =	sor.u32 s3, s0;
	s1 =	sshll.u32 s1, $0x11  }
0xbb: {  	s0 =	sor.u32 s1, s0  }
0xbc: {  	s0 =	sadd.s32 $0x8F2B, s0  }
0xbd: {  	[sflag:s0] =	ssyncadd.remote.s32 $0x1  }
0xbe: {  	_ =	sfence.sel $0xFFFF  }
0xbf: {  	[dreg:$0x0] =	wrdreg $0xFFFFFFFF;
	(pc) =	sbr.abs _section_cstart, $3  }
0xc0: {  	[dreg:$0x1] =	wrdreg $0xFFFFFFFF  }
0xc1: {  	_ =	task.clear_ibuf [dreg:s6], $0x2FFFF;
	_ =	strace $0x9FFFFFFF  }
0xc2: {  	(tm) =	ssettm $0x7FFFFFFF  }
0xc3: {  	_ =	shalt  }
tec
execute0_lowered:
.L_overlay_start_1:
0x0: {  	(tag) =	ssettag $0x1  }
0x1: {  	s0 =	rddreg [dreg:$0x0]  }
0x2: {  	s1 =	rddreg [dreg:$0x1]  }
0x3: {  	s2 =	srdreg.scid;
	s3 =	simm.s32 $0x0;
	s11 =	stileid.u32  }
0x4: {  	s19 =	simm.s32 $0x300;
	s20 =	simm.s32 $0x5;
	s21 =	simm.s32 $0x100  }
0x5: {  	s28 =	simm.s32 $0x280;
	s29 =	simm.s32 $0x3;
	s8 =	smul.u32 $0x14000, s11  }
0x6: {  	s30 =	simm.s32 $0x4;
	s31 =	simm.s32 $0x0;
	s9 =	smul.u32 $0x78, s11  }
0x7: {  	s2 =	sand.u32 $0x1, s2;
	[smem:$0x7FF] =	sst s3;
	s10 =	smul.u32 $0x28, s11  }
0x8: {  	s4 =	sadd.s32 $0xC000, s0;
	s5 =	sadd.s32 $0x5C000, s0;
	s11 =	smul.u32 $0x50000, s11  }
0x9: {  	s6 =	sadd.s32 $0x2000, s0;
	s7 =	smul.u32 $0x140000, s2;
	s22 =	ssub.s32 $0x2, s2  }
0xa: {  	_ =	strace $0x8000004D;
	p0 =	seq.s32 s2, $0x0;
	s23 =	sshrl.u32 s22, $0x1  }
0xb: {  	s24 =	sshrl.u32 s11, $0x2;
	s7 =	sadd.s32 s8, s7;
	s14 =	ssub.s32 s22, s23  }
0xc: {  	s8 =	simm.s32 $0x78;
	s22 =	simm.s32 $0x80;
	s23 =	simm.s32 $0x4300  }
0xd: {  	s7 =	sshrl.u32 s7, $0x3;
	s8 =	simm.s32 @!p0 $0x28;
	s14 =	smax.u32 s14, $0x1  }
0xe: {  	s0 =	sadd.s32 s7, s0;
	s7 =	sadd.s32 $0x780, s10;
	s12 =	sshrl.u32 s8, $0x1  }
0xf: {  	s7 =	smov.u32 @p0 s9;
	s9 =	sadd.s32 s24, s1;
	s13 =	sadd.s32 $0x66000, s0  }
0x10: {  	s24 =	simm.s32 $0x1;
	s25 =	sshll.u32 s7, $0x4;
	s15 =	sadd.s32 $0x4000, s9  }
0x11: {  	s16 =	sadd.s32 $0x8000, s9;
	s17 =	sadd.s32 $0xC000, s9;
	s26 =	sadd.s32 s5, s25  }
0x12: {  	s18 =	sadd.s32 $0x10000, s9;
	s2 =	sadd.s32 s6, s25;
	[dreg:$0x3] =	wrdreg s26  }
0x13: {  	v0 =	vimm.f32 $0.0e+00;
	s25 =	simm.s32 $0x200;
	[dreg:$0x4] =	wrdreg s2;
	s26 =	simm.s32 $0x2  }
.LBB2_1:
0x14: {  	s0 =	simm.s32 $0x0;
	s2 =	simm.s32 $0x200  }
.LBB2_2:
0x15: {  	p0 =	sne.s32 s2, $0xFE00;
	[tilespmem:s0+$0x370] =	vst v0  }
0x16: {  	[tilespmem:s0+$0x300] =	vst v0  }
0x17: {  	[tilespmem:s0+$0x310] =	vst v0  }
.Ltmp0:
0x18: {  	[tilespmem:s0+$0x320] =	vst v0;
	(pc) =	sbr.rel @p0 .LBB2_2-.Ltmp0, $4  }
0x19: {  	[tilespmem:s0+$0x330] =	vst v0  }
0x1a: {  	[tilespmem:s0+$0x340] =	vst v0  }
0x1b: {  	[tilespmem:s0+$0x350] =	vst v0  }
0x1c: {  	[tilespmem:s0+$0x360] =	vst v0;
	s0 =	sshra.s32 s2, $0x2;
	s2 =	sadd.s32 $0x200, s2  }
0x1d: {  	[tilespmem:s0+$0x370] =	vst v0  }
0x1e: {  	[tilespmem:s0+$0x300] =	vst v0  }
0x1f: {  	[tilespmem:s0+$0x310] =	vst v0  }
0x20: {  	[tilespmem:s0+$0x320] =	vst v0  }
0x21: {  	[tilespmem:s0+$0x330] =	vst v0  }
0x22: {  	[tilespmem:s0+$0x340] =	vst v0  }
0x23: {  	[tilespmem:s0+$0x350] =	vst v0  }
0x24: {  	[tilespmem:s0+$0x360] =	vst v0  }
0x25: {  	[spmem:s9] =	stream.linear.scatter [tilespmem:s19], [sflag:$0x5], $0x4000, $0x38;
	[tilespmem:$0x1C300] =	vst v63  }
0x26: {  	_ =	swait.ge [sflag:s20], $0x4000  }
0x27: {  	[sflag:s20] =	ssyncset.done $0x0  }
0x28: {  	[sflag:s20] =	ssyncadd.s32 $0xFFFFC000  }
0x29: {  	[spmem:s15] =	stream.linear.scatter [tilespmem:s19], [sflag:$0x5], $0x4000, $0x38;
	[tilespmem:$0x1C300] =	vst v63  }
0x2a: {  	_ =	swait.ge [sflag:s20], $0x4000  }
0x2b: {  	[sflag:s20] =	ssyncset.done $0x0  }
0x2c: {  	[sflag:s20] =	ssyncadd.s32 $0xFFFFC000  }
0x2d: {  	[spmem:s16] =	stream.linear.scatter [tilespmem:s19], [sflag:$0x5], $0x4000, $0x38;
	[tilespmem:$0x1C300] =	vst v63  }
0x2e: {  	_ =	swait.ge [sflag:s20], $0x4000  }
0x2f: {  	[sflag:s20] =	ssyncset.done $0x0  }
0x30: {  	[sflag:s20] =	ssyncadd.s32 $0xFFFFC000  }
0x31: {  	[spmem:s17] =	stream.linear.scatter [tilespmem:s19], [sflag:$0x5], $0x4000, $0x38;
	[tilespmem:$0x1C300] =	vst v63  }
0x32: {  	_ =	swait.ge [sflag:s20], $0x4000  }
0x33: {  	[sflag:s20] =	ssyncset.done $0x0  }
0x34: {  	[sflag:s20] =	ssyncadd.s32 $0xFFFFC000  }
0x35: {  	[spmem:s18] =	stream.linear.scatter [tilespmem:s19], [sflag:$0x5], $0x4000, $0x38;
	[tilespmem:$0x1C300] =	vst v63  }
0x36: {  	_ =	swait.ge [sflag:s20], $0x4000  }
0x37: {  	[sflag:s20] =	ssyncset.done $0x0  }
0x38: {  	s10 =	rddreg [dreg:$0x3];
	[sflag:s20] =	ssyncadd.s32 $0xFFFFC000  }
0x39: {  	[tilespmem:s3], [sflag:$0x5] =	stream.linear.gather [hbm4b:s10+s3], $0x100, $0x38;
	[tilespmem:$0x1C300] =	vst v63  }
0x3a: {  	_ =	swait.ge [sflag:s20], $0x100  }
0x3b: {  	[sflag:s20] =	ssyncset.done $0x0  }
0x3c: {  	s11 =	rddreg [dreg:$0x4];
	[sflag:s20] =	ssyncadd.s32 $0xFFFFFF00  }
0x3d: {  	[tilespmem:s21], [sflag:$0x5] =	stream.linear.gather [hbm4b:s11+s3], $0x100, $0x38;
	[tilespmem:$0x1C300] =	vst v63  }
0x3e: {  	_ =	swait.ge [sflag:s20], $0x100  }
0x3f: {  	[sflag:s20] =	ssyncset.done $0x0  }
0x40: {  	[sflag:s20] =	ssyncadd.s32 $0xFFFFFF00  }
0x41: {  	[tilespmem:s19], [sflag:$0x1] =	stream.indirect.gather [hbm4b:s4+s22], $0x80, s3, s22, $0xb8;
	[tilespmem:$0x1C300] =	vst v63  }
0x42: {  	_ = 	snop  }
0x43: {  	[tilespmem:s23], [sflag:$0x2] =	stream.indirect.gather [hbm4b:s4+s22], $0x80, s22, s22, $0xb8;
	[tilespmem:$0x1C300] =	vst v63  }
0x44: {  	[bflag:$0x0] =	sbarrier.arrive $0xFFFF  }
0x45: {  	_ =	swait.ge [sflag:s24], $0x4000  }
0x46: {  	[sflag:s24] =	ssyncset.done $0x0  }
0x47: {  	[sflag:s24] =	ssyncadd.s32 $0xFFFFC000  }
0x48: {  	v1 =	vld [tilespmem:$0x170]  }
0x49: {  	v2 =	vld [tilespmem:$0x150]  }
0x4a: {  	v3 =	vld [tilespmem:$0x160]  }
0x4b: {  	v4 =	vld [tilespmem:$0x130]  }
0x4c: {  	v5 =	vld [tilespmem:$0x140]  }
0x4d: {  	v6 =	vld [tilespmem:$0x100];
	[tilespmem:$0x270] =	vst v1  }
0x4e: {  	v1 =	vld [tilespmem:$0x120];
	[tilespmem:$0x250] =	vst v2  }
0x4f: {  	v2 =	vld [tilespmem:$0x110];
	[tilespmem:$0x260] =	vst v3  }
0x50: {  	[tilespmem:$0x230] =	vst v4  }
0x51: {  	[tilespmem:$0x240] =	vst v5  }
0x52: {  	[tilespmem:$0x200] =	vst v6  }
0x53: {  	[tilespmem:$0x220] =	vst v1  }
0x54: {  	[tilespmem:$0x210] =	vst v2  }
0x55: {  	[spmem:s1] =	stream.indirect.scatter.add.f32 [tilespmem:s19], [sflag:$0x3], $0x80, s25, s22, $0xb8;
	[tilespmem:$0x1C300] =	vst v63  }
0x56: {  	_ =	swait.ge [sflag:s26], $0x4000  }
0x57: {  	[sflag:s26] =	ssyncset.done $0x0  }
0x58: {  	s0 =	simm.s32 $0x2;
	[sflag:s26] =	ssyncadd.s32 $0xFFFFC000  }
0x59: {  	(drf) =	srem.u32 s0, s8;
	v1 =	vld [tilespmem:$0x180]  }
0x5a: {  	v2 =	vld [tilespmem:$0x1D0]  }
0x5b: {  	v3 =	vld [tilespmem:$0x1F0]  }
0x5c: {  	v61 =	vld [tilespmem:$0x1E0]  }
0x5d: {  	v62 =	vld [tilespmem:$0x190]  }
0x5e: {  	v63 =	vld [tilespmem:$0x1B0];
	[tilespmem:$0x280] =	vst v1  }
0x5f: {  	v1 =	vld [tilespmem:$0x1A0];
	[tilespmem:$0x2D0] =	vst v2  }
0x60: {  	v2 =	vld [tilespmem:$0x1C0];
	[tilespmem:$0x2F0] =	vst v3  }
0x61: {  	[tilespmem:$0x2E0] =	vst v61  }
0x62: {  	[tilespmem:$0x290] =	vst v62;
	s2 =	spop (drf)  }
0x63: {  	[tilespmem:$0x2B0] =	vst v63;
	s2 =	sadd.s32 s7, s2  }
0x64: {  	p0 =	sne.s32 s12, $0x1;
	s2 =	sshll.u32 s2, $0x4;
	[tilespmem:$0x2A0] =	vst v1  }
.Ltmp1:
0x65: {  	[tilespmem:$0x2C0] =	vst v2;
	s10 =	sand.u32 $0x1FFE0, s2;
	(pc) =	sbr.rel @!p0 .LBB2_5-.Ltmp1, $4  }
0x66: {  	[spmem:s1] =	stream.indirect.scatter.add.f32 [tilespmem:s23], [sflag:$0x4], $0x80, s28, s22, $0xb8;
	[tilespmem:$0x1C300] =	vst v63  }
0x67: {  	s2 =	sadd.s32 s5, s10  }
0x68: {  	[tilespmem:s3], [sflag:$0x5] =	stream.linear.gather [hbm4b:s2+s3], $0x100, $0x38;
	[tilespmem:$0x1C300] =	vst v63  }
0x69: {  	s2 =	sadd.s32 $0xFFFFFFFF, s12  }
.LBB2_4:
0x6a: {  	p0 =	sne.s32 s2, $0x1;
	_ =	swait.ge [sflag:s20], $0x100;
	s0 =	sadd.s32 $0x2, s0  }
0x6b: {  	s2 =	sadd.s32 $0xFFFFFFFF, s2;
	s10 =	sadd.s32 s6, s10;
	[sflag:s20] =	ssyncset.done $0x0  }
0x6c: {  	[sflag:s20] =	ssyncadd.s32 $0xFFFFFF00  }
0x6d: {  	[tilespmem:s21], [sflag:$0x5] =	stream.linear.gather [hbm4b:s10+s3], $0x100, $0x38;
	[tilespmem:$0x1C300] =	vst v63  }
0x6e: {  	_ =	swait.ge [sflag:s20], $0x100  }
0x6f: {  	[sflag:s20] =	ssyncset.done $0x0  }
0x70: {  	[sflag:s20] =	ssyncadd.s32 $0xFFFFFF00  }
0x71: {  	_ =	swait.ge [sflag:s29], $0x4000  }
0x72: {  	[sflag:s29] =	ssyncset.done $0x0  }
0x73: {  	[sflag:s29] =	ssyncadd.s32 $0xFFFFC000  }
0x74: {  	[tilespmem:s19], [sflag:$0x1] =	stream.indirect.gather [hbm4b:s4+s22], $0x80, s3, s22, $0xb8;
	[tilespmem:$0x1C300] =	vst v63  }
0x75: {  	_ =	swait.ge [sflag:s30], $0x4000  }
0x76: {  	[sflag:s30] =	ssyncset.done $0x0  }
0x77: {  	[sflag:s30] =	ssyncadd.s32 $0xFFFFC000  }
0x78: {  	[tilespmem:s23], [sflag:$0x2] =	stream.indirect.gather [hbm4b:s4+s22], $0x80, s22, s22, $0xb8;
	[tilespmem:$0x1C300] =	vst v63  }
0x79: {  	_ =	swait.ge [sflag:s24], $0x4000  }
0x7a: {  	[sflag:s24] =	ssyncset.done $0x0  }
0x7b: {  	[sflag:s24] =	ssyncadd.s32 $0xFFFFC000  }
0x7c: {  	v1 =	vld [tilespmem:$0x170]  }
0x7d: {  	v2 =	vld [tilespmem:$0x150]  }
0x7e: {  	v3 =	vld [tilespmem:$0x160]  }
0x7f: {  	v4 =	vld [tilespmem:$0x130]  }
0x80: {  	v5 =	vld [tilespmem:$0x140]  }
0x81: {  	v6 =	vld [tilespmem:$0x100];
	[tilespmem:$0x270] =	vst v1  }
0x82: {  	v1 =	vld [tilespmem:$0x120];
	[tilespmem:$0x250] =	vst v2  }
0x83: {  	v2 =	vld [tilespmem:$0x110];
	[tilespmem:$0x260] =	vst v3  }
0x84: {  	[tilespmem:$0x230] =	vst v4  }
0x85: {  	[tilespmem:$0x240] =	vst v5  }
0x86: {  	[tilespmem:$0x200] =	vst v6  }
0x87: {  	[tilespmem:$0x220] =	vst v1  }
0x88: {  	[tilespmem:$0x210] =	vst v2  }
0x89: {  	[spmem:s1] =	stream.indirect.scatter.add.f32 [tilespmem:s19], [sflag:$0x3], $0x80, s25, s22, $0xb8;
	[tilespmem:$0x1C300] =	vst v63  }
0x8a: {  	_ =	swait.ge [sflag:s26], $0x4000  }
0x8b: {  	[sflag:s26] =	ssyncset.done $0x0  }
0x8c: {  	[sflag:s26] =	ssyncadd.s32 $0xFFFFC000  }
0x8d: {  	v1 =	vld [tilespmem:$0x180];
	(drf) =	srem.u32 s0, s8  }
0x8e: {  	v2 =	vld [tilespmem:$0x1D0]  }
0x8f: {  	v3 =	vld [tilespmem:$0x1F0]  }
0x90: {  	v4 =	vld [tilespmem:$0x1E0]  }
0x91: {  	v5 =	vld [tilespmem:$0x190]  }
0x92: {  	[tilespmem:$0x280] =	vst v1;
	v1 =	vld [tilespmem:$0x1A0]  }
0x93: {  	v6 =	vld [tilespmem:$0x1B0];
	[tilespmem:$0x2D0] =	vst v2  }
0x94: {  	v2 =	vld [tilespmem:$0x1C0];
	[tilespmem:$0x2F0] =	vst v3  }
0x95: {  	[tilespmem:$0x2E0] =	vst v4  }
0x96: {  	[tilespmem:$0x290] =	vst v5;
	s10 =	spop (drf)  }
0x97: {  	[tilespmem:$0x2A0] =	vst v1;
	s10 =	sadd.s32 s7, s10  }
.Ltmp2:
0x98: {  	[tilespmem:$0x2B0] =	vst v6;
	s10 =	sshll.u32 s10, $0x4;
	(pc) =	sbr.rel @p0 .LBB2_4-.Ltmp2, $4  }
0x99: {  	[tilespmem:$0x2C0] =	vst v2;
	s10 =	sand.u32 $0x1FFE0, s10  }
0x9a: {  	[spmem:s1] =	stream.indirect.scatter.add.f32 [tilespmem:s23], [sflag:$0x4], $0x80, s28, s22, $0xb8;
	[tilespmem:$0x1C300] =	vst v63  }
0x9b: {  	s11 =	sadd.s32 s5, s10  }
0x9c: {  	[tilespmem:s3], [sflag:$0x5] =	stream.linear.gather [hbm4b:s11+s3], $0x100, $0x38;
	[tilespmem:$0x1C300] =	vst v63  }
.LBB2_5:
0x9d: {  	_ =	swait.ge [sflag:s20], $0x100  }
0x9e: {  	[sflag:s20] =	ssyncset.done $0x0  }
0x9f: {  	s0 =	sadd.s32 s6, s10;
	[sflag:s20] =	ssyncadd.s32 $0xFFFFFF00  }
0xa0: {  	[tilespmem:s21], [sflag:$0x5] =	stream.linear.gather [hbm4b:s0+s3], $0x100, $0x38;
	[tilespmem:$0x1C300] =	vst v63  }
0xa1: {  	_ =	swait.ge [sflag:s20], $0x100  }
0xa2: {  	[sflag:s20] =	ssyncset.done $0x0  }
0xa3: {  	[sflag:s20] =	ssyncadd.s32 $0xFFFFFF00  }
0xa4: {  	_ =	swait.ge [sflag:s29], $0x4000  }
0xa5: {  	[sflag:s29] =	ssyncset.done $0x0  }
0xa6: {  	[sflag:s29] =	ssyncadd.s32 $0xFFFFC000  }
0xa7: {  	[tilespmem:s19], [sflag:$0x1] =	stream.indirect.gather [hbm4b:s4+s22], $0x80, s3, s22, $0xb8;
	[tilespmem:$0x1C300] =	vst v63  }
0xa8: {  	_ =	swait.ge [sflag:s30], $0x4000  }
0xa9: {  	[sflag:s30] =	ssyncset.done $0x0  }
0xaa: {  	[sflag:s30] =	ssyncadd.s32 $0xFFFFC000  }
0xab: {  	[tilespmem:s23], [sflag:$0x2] =	stream.indirect.gather [hbm4b:s4+s22], $0x80, s22, s22, $0xb8;
	[tilespmem:$0x1C300] =	vst v63  }
0xac: {  	_ =	swait.ge [sflag:s24], $0x4000  }
0xad: {  	[sflag:s24] =	ssyncset.done $0x0  }
0xae: {  	[sflag:s24] =	ssyncadd.s32 $0xFFFFC000  }
0xaf: {  	s11 =	stileid.u32;
	_ =	swait.ge [sflag:s26], $0x4000  }
0xb0: {  	s2 =	sshrl.u32 s9, $0x3;
	s31 =	sadd.s32 $0x1, s31;
	[sflag:s26] =	ssyncset.done $0x0  }
0xb1: {  	p0 =	sne.s32 s31, s14;
	s0 =	sshll.u32 s11, $0x6;
	[sflag:s26] =	ssyncadd.s32 $0xFFFFC000  }
.Ltmp3:
0xb2: {  	s0 =	sor.u32 $0x1C05, s0;
	[bflag:$0x0] =	sbarrier.arrive $0xFFFF;
	(pc) =	sbr.rel @p0 .LBB2_1-.Ltmp3, $4  }
0xb3: {  	[hbm:s13], [sflag:s0] =	dma.local [spmem:s2], $0x2800  }
0xb4: {  	_ =	swait.ge [sflag:s20], $0x2800  }
0xb5: {  	[sflag:s20] =	ssyncset.done $0x0  }
0xb6: {  	[sflag:s20] =	ssyncadd.s32 $0xFFFFD800  }
0xb7: {  	_ =	sfence.sel $0x180000  }
0xb8: {  	[bflag:$0x0] =	sbarrier.arrive $0xFFFF  }
0xb9: {  	_ =	strace $0x9000004D  }
0xba: {  	s0 =	stileid.u32;
	[bflag:$0x2] =	sbarrier.arrive $0xFFFF  }
0xbb: {  	p0 =	sne.s32 s0, $0x0;
	s0 =	rddreg [dreg:$0x2]  }
0xbc: {  	s0 =	sadd.s32 @!p0 $0x100000, s0  }
0xbd: {  	[sflag:s0] =	ssyncadd.tile.s32 @!p0 $0x1;
	_ =	shalt  }
.Lfunc_end2:
_tile_overlayer_lowered:
.L_overlay_start_2:
0xbe: {  	(tag) =	ssettag $0x2  }
0xbf: {  	s0 =	rddreg [dreg:$0x0];
	s2 =	stileid.u32  }
0xc0: {  	s1 =	rddreg [dreg:$0x1];
	p0 =	sne.s32 s2, $0x0  }
0xc1: {  	s3 =	rddreg [dreg:$0x2];
	[bflag:$0x3] =	sbarrier.arrive $0xFFFF;
	s2 =	simm.s32 @!p0 $0x1C05  }
0xc2: {  	[timem:s3], [sflag:s2] =	dma.local @!p0 [hbm:s0], s1  }
0xc3: {  	s0 =	simm.s32 @!p0 $0x5  }
0xc4: {  	_ =	swait.ge @!p0 [sflag:s0], s1  }
0xc5: {  	s1 =	ssub.s32 @!p0 $0x0, s1;
	[sflag:s0] =	ssyncset.done @!p0 $0x0  }
0xc6: {  	[sflag:s0] =	ssyncadd.s32 @!p0 s1  }
0xc7: {  	[bflag:$0x3] =	sbarrier.arrive $0xFFFF  }
0xc8: {  	_ =	shalt  }

// kernel: kernel.9.cloned.1.call-start
scs
__scs_entry_jumppad:
0x0: {  	(pc) =	sbr.rel $0x88, $3  }
0x1: {  	(tag) =	ssettag $0x0;
	lr =	simm.s32 $0x1  }
0x2: {  	[smem:$0x3F98] =	sst lr;
	_ =	strace $0xD0000000  }
0x3: {  	_ = 	snop  }
0x4: {  	_ = 	snop  }
0x5: {  	_ = 	snop  }
0x6: {  	_ = 	snop  }
0x7: {  	_ = 	snop  }
__scs_overlays_trampoline_lowered:
0x8: {  	[smem:$0x3FA7] =	sst s0  }
0x9: {  	[smem:$0x3FA8] =	sst s1  }
0xa: {  	[smem:$0x3FA9] =	sst s2  }
0xb: {  	[smem:$0x3FAA] =	sst s3  }
0xc: {  	[smem:$0x3FAB] =	sst s4  }
0xd: {  	[smem:$0x3FAC] =	sst s5  }
0xe: {  	[smem:$0x3FAD] =	sst s6  }
0xf: {  	[smem:$0x3FAE] =	sst s7  }
0x10: {  	[smem:$0x3FAF] =	sst s8  }
0x11: {  	[smem:$0x3FB0] =	sst s9;
	s0 =	simm.s32 @!p0 $0x0  }
0x12: {  	s1 =	sld [smem:$0x3F96];
	s0 =	simm.s32 @p0 $0x1  }
0x13: {  	[smem:$0x3FB1] =	sst s0;
	s0 =	simm.s32 @!p1 $0x0  }
0x14: {  	s2 =	sld [smem:$0x3F95];
	s0 =	simm.s32 @p1 $0x1  }
0x15: {  	[smem:$0x3FB2] =	sst s0;
	s0 =	simm.s32 @!p2 $0x0  }
0x16: {  	s3 =	sld [smem:$0x3FDB];
	s0 =	simm.s32 @p2 $0x1  }
0x17: {  	s4 =	simm.s32 $0x1BF5;
	[smem:$0x3FB4] =	sst s0  }
0x18: {  	s0 =	sld [smem:$0x3F97];
	_ =	swait.ge [sflag:s4], $0x0  }
0x19: {  	s7 =	sld [smem:$0x3F98]  }
0x1a: {  	s8 =	sadd.s32 $0xFFFFE003, lr  }
0x1b: {  	s9 =	sadd.s32 $0xFFFFFEF7, lr;
	s5 =	simm.s32 $0xFFFFFFFF;
	p2 =	slt.u32 s8, $0xFFFFF086  }
0x1c: {  	p1 =	slt.u32 s9, $0xF7A;
	s5 =	simm.s32 @!p2 $0x0  }
0x1d: {  	s5 =	simm.s32 @p1 $0x1;
	p0 =	seq.s32 s7, s2  }
0x1e: {  	s7 =	smul.u32 @!p0 $0xF7A, s2;
	p2 =	seq.s32 @!p0 s5, $0x0  }
0x1f: {  	s9 =	smul.u32 $0xF7A, s1;
	s8 =	simm.s32 @!p0 $0x1BF5;
	p2 =	por !p2, p0  }
0x20: {  	[sflag:s8] =	ssyncset.s32 @!p0 $0xFFFFF086;
	s6 =	sadd.s32 @!p0 s3, s7;
	s7 =	simm.s32 @!p0 $0x108  }
0x21: {  	s3 =	sadd.s32 s3, s9;
	s6 =	sadd.s32 @!p0 $0x88, s6;
	s7 =	simm.s32 @p2 $0x1082  }
0x22: {  	[simem:s7], [sflag:s8] =	dma.local @!p0 [hbm:s6], $0xF7A  }
0x23: {  	s9 =	sor.u32 $0xD0000000, s2;
	s6 =	simm.s32 $0x108;
	_ =	swait.ge @!p0 [sflag:s8], $0x0  }
0x24: {  	s3 =	sadd.s32 $0x88, s3;
	s6 =	simm.s32 @!p1 $0x1082;
	[sflag:s4] =	ssyncset.s32 $0xFFFFF086  }
0x25: {  	[simem:s6], [sflag:s4] =	dma.local [hbm:s3], $0xF7A  }
0x26: {  	[smem:$0x3F98] =	sst s1;
	(tag) =	ssettag s2;
	_ =	strace s9  }
0x27: {  	s1 =	sld [smem:$0x3FA8]  }
0x28: {  	s2 =	sld [smem:$0x3FA9]  }
0x29: {  	s4 =	sld [smem:$0x3FAB]  }
0x2a: {  	p0 =	seq.s32 s5, $0x0;
	s5 =	sld [smem:$0x3FAC]  }
0x2b: {  	s6 =	sld [smem:$0x3FAD]  }
0x2c: {  	s7 =	sld [smem:$0x3FAE]  }
0x2d: {  	s3 =	simm.s32 $0x108;
	s8 =	sld [smem:$0x3FAF]  }
0x2e: {  	s3 =	simm.s32 @!p0 $0x1082;
	s9 =	sld [smem:$0x3FB0]  }
0x2f: {  	lr =	sadd.s32 s0, s3;
	s0 =	sld [smem:$0x3FA7]  }
0x30: {  	s3 =	sld [smem:$0x3FAA]  }
0x31: {  	[smem:$0x3FB3] =	sst s10  }
0x32: {  	s10 =	sld [smem:$0x3FB1];
	_ =	sdelay $0x3  }
0x33: {  	p0 =	seq.s32 s10, $0x1;
	s10 =	sld [smem:$0x3FB3];
	_ =	sdelay $0x3  }
0x34: {  	[smem:$0x3FB3] =	sst s10  }
0x35: {  	s10 =	sld [smem:$0x3FB2];
	_ =	sdelay $0x3  }
0x36: {  	p1 =	seq.s32 s10, $0x1;
	s10 =	sld [smem:$0x3FB3];
	_ =	sdelay $0x3  }
0x37: {  	[smem:$0x3FB3] =	sst s10  }
0x38: {  	s10 =	sld [smem:$0x3FB4]  }
0x39: {  	_ = 	snop;
	(pc) =	sbr.ind lr, $3  }
0x3a: {  	_ = 	snop  }
0x3b: {  	_ = 	snop  }
0x3c: {  	p2 =	seq.s32 s10, $0x1;
	s10 =	sld [smem:$0x3FB3]  }
0x3d: {  	_ =	shalt  }
0x3e: {  	_ =	shalt  }
0x3f: {  	_ =	shalt  }
0x40: {  	_ =	shalt  }
0x41: {  	_ =	shalt  }
0x42: {  	_ =	shalt  }
0x43: {  	_ =	shalt  }
0x44: {  	_ =	shalt  }
0x45: {  	_ =	shalt  }
0x46: {  	_ =	shalt  }
0x47: {  	_ =	shalt  }
0x48: {  	_ =	shalt  }
0x49: {  	_ =	shalt  }
0x4a: {  	_ =	shalt  }
0x4b: {  	_ =	shalt  }
0x4c: {  	_ =	shalt  }
0x4d: {  	_ =	shalt  }
0x4e: {  	_ =	shalt  }
0x4f: {  	_ =	shalt  }
0x50: {  	_ =	shalt  }
0x51: {  	_ =	shalt  }
0x52: {  	_ =	shalt  }
0x53: {  	_ =	shalt  }
0x54: {  	_ =	shalt  }
0x55: {  	_ =	shalt  }
0x56: {  	_ =	shalt  }
0x57: {  	_ =	shalt  }
0x58: {  	_ =	shalt  }
0x59: {  	_ =	shalt  }
0x5a: {  	_ =	shalt  }
0x5b: {  	_ =	shalt  }
0x5c: {  	_ =	shalt  }
0x5d: {  	_ =	shalt  }
0x5e: {  	_ =	shalt  }
0x5f: {  	_ =	shalt  }
0x60: {  	_ =	shalt  }
0x61: {  	_ =	shalt  }
0x62: {  	_ =	shalt  }
0x63: {  	_ =	shalt  }
0x64: {  	_ =	shalt  }
0x65: {  	_ =	shalt  }
0x66: {  	_ =	shalt  }
0x67: {  	_ =	shalt  }
0x68: {  	_ =	shalt  }
0x69: {  	_ =	shalt  }
0x6a: {  	_ =	shalt  }
0x6b: {  	_ =	shalt  }
0x6c: {  	_ =	shalt  }
0x6d: {  	_ =	shalt  }
0x6e: {  	_ =	shalt  }
0x6f: {  	_ =	shalt  }
0x70: {  	_ =	shalt  }
0x71: {  	_ =	shalt  }
0x72: {  	_ =	shalt  }
0x73: {  	_ =	shalt  }
0x74: {  	_ =	shalt  }
0x75: {  	_ =	shalt  }
0x76: {  	_ =	shalt  }
0x77: {  	_ =	shalt  }
0x78: {  	_ =	shalt  }
0x79: {  	_ =	shalt  }
0x7a: {  	_ =	shalt  }
0x7b: {  	_ =	shalt  }
0x7c: {  	_ =	shalt  }
0x7d: {  	_ =	shalt  }
0x7e: {  	_ =	shalt  }
0x7f: {  	_ =	shalt  }
0x80: {  	_ =	shalt  }
0x81: {  	_ =	shalt  }
0x82: {  	_ =	shalt  }
0x83: {  	_ =	shalt  }
0x84: {  	_ =	shalt  }
0x85: {  	_ =	shalt  }
0x86: {  	_ =	shalt  }
0x87: {  	_ =	shalt  }
.Lfunc_end0:
.L_simem_size_0:
called_computation_lowered:
.L_overlay_start_0:
0x88: {  	s2 =	sld [smem:$0x3FD9]  }
0x89: {  	s3 =	sld [smem:$0x3FFE];
	_ =	sdelay $0x1  }
0x8a: {  	s1 =	srdreg.scid  }
0x8b: {  	s0 =	sand.u32 $0x1, s1  }
0x8c: {  	s16 =	sshll.u32 s0, $0xA;
	s2 =	sadd.s32 s3, s2  }
0x8d: {  	s2 =	sadd.s32 s2, s16  }
0x8e: {  	[smem:$0x3FBF] =	sst s2  }
0x8f: {  	_ = 	snop  }
0x90: {  	(tm) =	ssettm $0x1  }
0x91: {  	s17 =	sld [smem:$0x3FFB];
	_ =	sdelay $0x3  }
0x92: {  	_ =	strace s17  }
0x93: {  	s2 =	sld [smem:$0x3FFC];
	_ =	sdelay $0x3  }
0x94: {  	_ =	strace s2  }
0x95: {  	s2 =	sld [smem:$0x3FFD];
	_ =	sdelay $0x3  }
0x96: {  	_ =	strace s2  }
0x97: {  	_ =	strace $0x8FFFFFFF  }
0x98: {  	s18 =	sld [smem:$0x3FDB];
	_ =	sdelay $0x1  }
0x99: {  	s19 =	simm.s32 $_scs_section_size  }
0x9a: {  	s4 =	simm.s32 $_size__tile_overlayer_lowered;
	s5 =	simm.s32 $_tile_overlayer_lowered  }
0x9b: {  	s22 =	simm.s32 $0x1BFF;
	s21 =	sshll.u32 s5, $0x1;
	s2 =	sadd.s32 s19, s18  }
0x9c: {  	s6 =	simm.s32 $0x0;
	s20 =	sshll.u32 s4, $0x1;
	s4 =	sadd.s32 s21, s2  }
0x9d: {  	[timem:s6], [sflag:s22] =	dma.local [hbm:s4], s20  }
0x9e: {  	_ =	swait.ge [sflag:s22], s20  }
0x9f: {  	s3 =	ssub.s32 $0x0, s20;
	[sflag:s22] =	ssyncset.done $0x0  }
0xa0: {  	[sflag:s22] =	ssyncadd.s32 s3;
	_ =	sdelay $0x1  }
0xa1: {  	s23 =	simm.s32 $0x1B8B  }
0xa2: {  	_ =	swait.ge [sflag:s23], $0x1  }
0xa3: {  	[sflag:s23] =	ssyncset.done $0x0  }
0xa4: {  	s25 =	simm.s32 $0x1B8E;
	s24 =	sld [smem:$0x3FFE];
	[sflag:s23] =	ssyncadd.s32 $0xFFFFFFFF  }
0xa5: {  	s26 =	simm.s32 $execute0_lowered;
	[smem:$0x3FD2] =	sst s25  }
0xa6: {  	s4 =	sshll.u32 s26, $0x1;
	_ =	strace $0x80000046;
	[dreg:$0x1] =	wrdreg $0xFFFFFFFF  }
0xa7: {  	s28 =	simm.s32 $_size_execute0_lowered;
	s2 =	sadd.s32 s2, s4;
	[dreg:$0x0] =	wrdreg $0x0  }
0xa8: {  	s4 =	sshll.u32 s28, $0x1;
	[dreg:$0x2] =	wrdreg s2  }
0xa9: {  	[dreg:$0x3] =	wrdreg s4  }
0xaa: {  	[dreg:$0x4] =	wrdreg $0xC0  }
0xab: {  	_ =	task [dreg:s6], $0x5FFFF  }
0xac: {  	[dreg:$0x1] =	wrdreg $0xFFFFFFFF  }
0xad: {  	[dreg:$0x0] =	wrdreg $0x60  }
0xae: {  	[dreg:$0x2] =	wrdreg s24  }
0xaf: {  	[dreg:$0x3] =	wrdreg $0xA9000  }
0xb0: {  	[dreg:$0x4] =	wrdreg $0x9  }
0xb1: {  	_ =	task.clear_ibuf [dreg:s6], $0x5FFFF;
	_ =	strace $0x90000046  }
0xb2: {  	s29 =	simm.s32 $0x9;
	_ =	strace $0x80000048  }
0xb3: {  	_ =	swait.ge [sflag:s29], $0x1  }
0xb4: {  	[sflag:s29] =	ssyncadd.s32 $0xFFFFFFFF  }
0xb5: {  	_ =	strace $0x90000048  }
0xb6: {  	_ =	sfence  }
0xb7: {  	s30 =	sld [smem:$0x0];
	_ =	sdelay $0x2  }
0xb8: {  	s31 =	sshll.u32 s1, $0xD;
	s1 =	sshrl.u32 s1, $0x2  }
0xb9: {  	s3 =	sand.u32 $0x4000, s31;
	s1 =	sadd.s32 s1, s30  }
0xba: {  	s0 =	sor.u32 s3, s0;
	s1 =	sshll.u32 s1, $0x11  }
0xbb: {  	s0 =	sor.u32 s1, s0  }
0xbc: {  	s0 =	sadd.s32 $0x8F2B, s0  }
0xbd: {  	[sflag:s0] =	ssyncadd.remote.s32 $0x1  }
0xbe: {  	_ =	sfence.sel $0xFFFF  }
0xbf: {  	[dreg:$0x0] =	wrdreg $0xFFFFFFFF;
	(pc) =	sbr.abs _section_cstart, $3  }
0xc0: {  	[dreg:$0x1] =	wrdreg $0xFFFFFFFF  }
0xc1: {  	_ =	task.clear_ibuf [dreg:s6], $0x2FFFF;
	_ =	strace $0x9FFFFFFF  }
0xc2: {  	(tm) =	ssettm $0x7FFFFFFF  }
0xc3: {  	_ =	shalt  }
tec
execute0_lowered:
.L_overlay_start_1:
0x0: {  	(tag) =	ssettag $0x1  }
0x1: {  	s4 =	rddreg [dreg:$0x0]  }
0x2: {  	s2 =	rddreg [dreg:$0x1]  }
0x3: {  	s1 =	srdreg.scid;
	s0 =	rddreg [dreg:$0x2]  }
0x4: {  	s3 =	simm.s32 $0x0;
	s12 =	simm.s32 $0x3;
	s13 =	simm.s32 $0x6900  }
0x5: {  	s14 =	simm.s32 $0x80;
	s15 =	simm.s32 $0x2800;
	s16 =	simm.s32 $0x2900  }
0x6: {  	s17 =	simm.s32 $0x2880;
	s18 =	simm.s32 $0x1;
	s5 =	sand.u32 $0x1, s1  }
0x7: {  	s19 =	simm.s32 $0x2;
	s1 =	stileid.u32;
	s7 =	smul.u32 $0x140000, s5  }
0x8: {  	s22 =	simm.s32 $0x0;
	[smem:$0x7FF] =	sst s3;
	s8 =	smul.u32 $0x14000, s1  }
0x9: {  	s6 =	sshll.u32 s5, $0x4;
	_ =	strace $0x80000047;
	s30 =	smul.u32 $0x50000, s1  }
0xa: {  	s5 =	ssub.s32 $0x2, s5;
	s20 =	sshll.u32 s1, $0x6;
	s6 =	sor.u32 s1, s6  }
0xb: {  	s31 =	sshrl.u32 s5, $0x1;
	s20 =	sor.u32 $0x1C03, s20;
	s6 =	smul.u32 $0x500, s6  }
0xc: {  	s7 =	sadd.s32 s8, s7;
	s8 =	sshrl.u32 s30, $0x2;
	s9 =	ssub.s32 s5, s31  }
0xd: {  	s7 =	sshrl.u32 s7, $0x3;
	s5 =	sadd.s32 s8, s2;
	s6 =	sadd.s32 s6, s4  }
0xe: {  	s7 =	sadd.s32 s7, s4;
	s8 =	sadd.s32 $0x4000, s5;
	s10 =	sadd.s32 $0xC000, s5  }
0xf: {  	s11 =	sadd.s32 $0x10000, s5;
	s21 =	sshrl.u32 s5, $0x3;
	s4 =	sadd.s32 $0x2000, s6  }
0x10: {  	v0 =	vimm.f32 $0.0e+00;
	v1 =	vimm.f32 $1.000000000e+00;
	s6 =	sadd.s32 $0xC000, s7;
	s7 =	smax.u32 s9, $0x1;
	s9 =	sadd.s32 $0x8000, s5  }
.LBB2_1:
0x11: {  	s23 =	simm.s32 $0x200;
	s24 =	simm.s32 $0x0  }
.LBB2_2:
0x12: {  	p0 =	sne.s32 s23, $0xFE00;
	[tilespmem:s24+$0x6900] =	vst v0;
	s25 =	smov.u32 s23;
	s23 =	sadd.s32 $0x200, s23  }
.Ltmp0:
0x13: {  	[tilespmem:s24+$0x2900] =	vst v1;
	(pc) =	sbr.rel @p0 .LBB2_2-.Ltmp0, $2  }
0x14: {  	_ =	sdelay $0x2  }
0x15: {  	s24 =	sshra.s32 s25, $0x2  }
0x16: {  	[tilespmem:s24+$0x6900] =	vst v0  }
0x17: {  	[tilespmem:s24+$0x2900] =	vst v1  }
0x18: {  	[tilespmem:s3], [sflag:$0x3] =	stream.linear.gather [hbm4b:s4+s3], $0x2800, $0x38;
	[tilespmem:$0xD100] =	vst v63  }
0x19: {  	_ =	swait.ge [sflag:s12], $0x2800  }
0x1a: {  	[sflag:s12] =	ssyncset.done $0x0  }
0x1b: {  	[sflag:s12] =	ssyncadd.s32 $0xFFFFD800  }
0x1c: {  	[spmem:s5] =	stream.linear.scatter [tilespmem:s13], [sflag:$0x3], $0x4000, $0x38;
	[tilespmem:$0xD100] =	vst v63  }
0x1d: {  	_ =	swait.ge [sflag:s12], $0x4000  }
0x1e: {  	[sflag:s12] =	ssyncset.done $0x0  }
0x1f: {  	[sflag:s12] =	ssyncadd.s32 $0xFFFFC000  }
0x20: {  	[spmem:s8] =	stream.linear.scatter [tilespmem:s13], [sflag:$0x3], $0x4000, $0x38;
	[tilespmem:$0xD100] =	vst v63  }
0x21: {  	_ =	swait.ge [sflag:s12], $0x4000  }
0x22: {  	[sflag:s12] =	ssyncset.done $0x0  }
0x23: {  	[sflag:s12] =	ssyncadd.s32 $0xFFFFC000  }
0x24: {  	[spmem:s9] =	stream.linear.scatter [tilespmem:s13], [sflag:$0x3], $0x4000, $0x38;
	[tilespmem:$0xD100] =	vst v63  }
0x25: {  	_ =	swait.ge [sflag:s12], $0x4000  }
0x26: {  	[sflag:s12] =	ssyncset.done $0x0  }
0x27: {  	[sflag:s12] =	ssyncadd.s32 $0xFFFFC000  }
0x28: {  	[spmem:s10] =	stream.linear.scatter [tilespmem:s13], [sflag:$0x3], $0x4000, $0x38;
	[tilespmem:$0xD100] =	vst v63  }
0x29: {  	_ =	swait.ge [sflag:s12], $0x4000  }
0x2a: {  	[sflag:s12] =	ssyncset.done $0x0  }
0x2b: {  	[sflag:s12] =	ssyncadd.s32 $0xFFFFC000  }
0x2c: {  	[spmem:s11] =	stream.linear.scatter [tilespmem:s13], [sflag:$0x3], $0x4000, $0x38;
	[tilespmem:$0xD100] =	vst v63  }
0x2d: {  	_ =	swait.ge [sflag:s12], $0x4000  }
0x2e: {  	[sflag:s12] =	ssyncset.done $0x0  }
0x2f: {  	[sflag:s12] =	ssyncadd.s32 $0xFFFFC000  }
0x30: {  	[bflag:$0x0] =	sbarrier.arrive $0xFFFF  }
0x31: {  	v2 =	vld [tilespmem:$0x0]  }
0x32: {  	v3 =	vld [tilespmem:$0x10]  }
0x33: {  	v4 =	vld [tilespmem:$0x20]  }
0x34: {  	v5 =	vld [tilespmem:$0x30]  }
0x35: {  	v6 =	vld [tilespmem:$0x40]  }
0x36: {  	v59 =	vld [tilespmem:$0x70];
	[tilespmem:$0x2800] =	vst v2  }
0x37: {  	v2 =	vld [tilespmem:$0x50];
	[tilespmem:$0x2810] =	vst v3  }
0x38: {  	v3 =	vld [tilespmem:$0x60];
	[tilespmem:$0x2820] =	vst v4  }
0x39: {  	[tilespmem:$0x2830] =	vst v5  }
0x3a: {  	[tilespmem:$0x2840] =	vst v6  }
0x3b: {  	[tilespmem:$0x2870] =	vst v59  }
0x3c: {  	[tilespmem:$0x2850] =	vst v2  }
0x3d: {  	[tilespmem:$0x2860] =	vst v3  }
0x3e: {  	[spmem:s2] =	stream.indirect.scatter.add.f32 [tilespmem:s16], [sflag:$0x1], $0x10, s15, s14, $0xb8;
	[tilespmem:$0xD100] =	vst v63  }
0x3f: {  	v2 =	vld [tilespmem:$0x80]  }
0x40: {  	v3 =	vld [tilespmem:$0x90]  }
0x41: {  	v60 =	vld [tilespmem:$0xA0]  }
0x42: {  	v61 =	vld [tilespmem:$0xB0]  }
0x43: {  	v62 =	vld [tilespmem:$0xC0]  }
0x44: {  	v63 =	vld [tilespmem:$0xF0];
	[tilespmem:$0x2880] =	vst v2  }
0x45: {  	v2 =	vld [tilespmem:$0xD0];
	[tilespmem:$0x2890] =	vst v3  }
0x46: {  	v3 =	vld [tilespmem:$0xE0];
	[tilespmem:$0x28A0] =	vst v60  }
0x47: {  	[tilespmem:$0x28B0] =	vst v61  }
0x48: {  	[tilespmem:$0x28C0] =	vst v62  }
0x49: {  	[tilespmem:$0x28F0] =	vst v63  }
0x4a: {  	[tilespmem:$0x28D0] =	vst v2  }
0x4b: {  	[tilespmem:$0x28E0] =	vst v3  }
0x4c: {  	[spmem:s2] =	stream.indirect.scatter.add.f32 [tilespmem:s16], [sflag:$0x2], $0x10, s17, s14, $0xb8;
	[tilespmem:$0xD100] =	vst v63  }
0x4d: {  	_ =	swait.ge [sflag:s18], $0x800  }
0x4e: {  	[sflag:s18] =	ssyncset.done $0x0  }
0x4f: {  	s23 =	simm.s32 $0x1F0;
	[sflag:s18] =	ssyncadd.s32 $0xFFFFF800  }
0x50: {  	v2 =	vld [tilespmem:s23+$0xFFFFFF10];
	_ =	sdelay $0x4  }
0x51: {  	[tilespmem:$0x2800] =	vst v2  }
0x52: {  	v2 =	vld [tilespmem:s23+$0xFFFFFF20];
	_ =	sdelay $0x4  }
0x53: {  	[tilespmem:$0x2810] =	vst v2  }
0x54: {  	v2 =	vld [tilespmem:s23+$0xFFFFFF30];
	_ =	sdelay $0x4  }
0x55: {  	[tilespmem:$0x2820] =	vst v2  }
0x56: {  	v2 =	vld [tilespmem:s23+$0xFFFFFF40];
	_ =	sdelay $0x4  }
0x57: {  	[tilespmem:$0x2830] =	vst v2  }
0x58: {  	v2 =	vld [tilespmem:s23+$0xFFFFFF50];
	_ =	sdelay $0x4  }
0x59: {  	[tilespmem:$0x2840] =	vst v2  }
0x5a: {  	v2 =	vld [tilespmem:s23+$0xFFFFFF60];
	_ =	sdelay $0x4  }
0x5b: {  	[tilespmem:$0x2850] =	vst v2  }
0x5c: {  	v2 =	vld [tilespmem:s23+$0xFFFFFF70];
	_ =	sdelay $0x4  }
0x5d: {  	[tilespmem:$0x2860] =	vst v2  }
0x5e: {  	v2 =	vld [tilespmem:s23+$0xFFFFFF80];
	_ =	sdelay $0x4  }
0x5f: {  	[tilespmem:$0x2870] =	vst v2  }
0x60: {  	[spmem:s2] =	stream.indirect.scatter.add.f32 [tilespmem:s16], [sflag:$0x1], $0x10, s15, s14, $0xb8;
	[tilespmem:$0xD100] =	vst v63  }
0x61: {  	_ =	swait.ge [sflag:s19], $0x800  }
0x62: {  	[sflag:s19] =	ssyncset.done $0x0  }
0x63: {  	[sflag:s19] =	ssyncadd.s32 $0xFFFFF800  }
0x64: {  	v2 =	vld [tilespmem:s23+$0xFFFFFF90];
	_ =	sdelay $0x4  }
0x65: {  	[tilespmem:$0x2880] =	vst v2  }
0x66: {  	v2 =	vld [tilespmem:s23+$0xFFFFFFA0];
	_ =	sdelay $0x4  }
0x67: {  	[tilespmem:$0x2890] =	vst v2  }
0x68: {  	v2 =	vld [tilespmem:s23+$0xFFFFFFB0];
	_ =	sdelay $0x4  }
0x69: {  	[tilespmem:$0x28A0] =	vst v2  }
0x6a: {  	v2 =	vld [tilespmem:s23+$0xFFFFFFC0];
	_ =	sdelay $0x4  }
0x6b: {  	[tilespmem:$0x28B0] =	vst v2  }
0x6c: {  	v2 =	vld [tilespmem:s23+$0xFFFFFFD0];
	_ =	sdelay $0x4  }
0x6d: {  	[tilespmem:$0x28C0] =	vst v2  }
0x6e: {  	v2 =	vld [tilespmem:s23+$0xFFFFFFE0];
	_ =	sdelay $0x4  }
0x6f: {  	[tilespmem:$0x28D0] =	vst v2  }
0x70: {  	v2 =	vld [tilespmem:s23+$0xFFFFFFF0];
	_ =	sdelay $0x4  }
0x71: {  	[tilespmem:$0x28E0] =	vst v2  }
0x72: {  	v2 =	vld [tilespmem:s23+$0x0];
	_ =	sdelay $0x4  }
0x73: {  	s23 =	simm.s32 $0xBC0;
	[tilespmem:$0x28F0] =	vst v2  }
.LBB2_4:
0x74: {  	[spmem:s2] =	stream.indirect.scatter.add.f32 [tilespmem:s16], [sflag:$0x2], $0x10, s17, s14, $0xb8;
	[tilespmem:$0xD100] =	vst v63  }
0x75: {  	s24 =	smov.u32 s23  }
0x76: {  	p0 =	sne.s32 s23, $0x9FC0;
	s23 =	sadd.s32 $0x400, s23;
	_ =	swait.ge [sflag:s18], $0x800  }
0x77: {  	[sflag:s18] =	ssyncset.done $0x0  }
0x78: {  	s24 =	sshra.s32 s24, $0x2;
	[sflag:s18] =	ssyncadd.s32 $0xFFFFF800  }
0x79: {  	v2 =	vld [tilespmem:s24+$0xFFFFFF10];
	_ =	sdelay $0x4  }
0x7a: {  	[tilespmem:$0x2800] =	vst v2  }
0x7b: {  	v2 =	vld [tilespmem:s24+$0xFFFFFF20];
	_ =	sdelay $0x4  }
0x7c: {  	[tilespmem:$0x2810] =	vst v2  }
0x7d: {  	v2 =	vld [tilespmem:s24+$0xFFFFFF30];
	_ =	sdelay $0x4  }
0x7e: {  	[tilespmem:$0x2820] =	vst v2  }
0x7f: {  	v2 =	vld [tilespmem:s24+$0xFFFFFF40];
	_ =	sdelay $0x4  }
0x80: {  	[tilespmem:$0x2830] =	vst v2  }
0x81: {  	v2 =	vld [tilespmem:s24+$0xFFFFFF50];
	_ =	sdelay $0x4  }
0x82: {  	[tilespmem:$0x2840] =	vst v2  }
0x83: {  	v2 =	vld [tilespmem:s24+$0xFFFFFF60];
	_ =	sdelay $0x4  }
0x84: {  	[tilespmem:$0x2850] =	vst v2  }
0x85: {  	v2 =	vld [tilespmem:s24+$0xFFFFFF70];
	_ =	sdelay $0x4  }
0x86: {  	[tilespmem:$0x2860] =	vst v2  }
0x87: {  	v2 =	vld [tilespmem:s24+$0xFFFFFF80];
	_ =	sdelay $0x4  }
0x88: {  	[tilespmem:$0x2870] =	vst v2  }
0x89: {  	[spmem:s2] =	stream.indirect.scatter.add.f32 [tilespmem:s16], [sflag:$0x1], $0x10, s15, s14, $0xb8;
	[tilespmem:$0xD100] =	vst v63  }
0x8a: {  	_ =	swait.ge [sflag:s19], $0x800  }
0x8b: {  	[sflag:s19] =	ssyncset.done $0x0  }
0x8c: {  	[sflag:s19] =	ssyncadd.s32 $0xFFFFF800  }
0x8d: {  	v2 =	vld [tilespmem:s24+$0xFFFFFF90];
	_ =	sdelay $0x4  }
0x8e: {  	[tilespmem:$0x2880] =	vst v2  }
0x8f: {  	v2 =	vld [tilespmem:s24+$0xFFFFFFA0];
	_ =	sdelay $0x4  }
0x90: {  	[tilespmem:$0x2890] =	vst v2  }
0x91: {  	v2 =	vld [tilespmem:s24+$0xFFFFFFB0];
	_ =	sdelay $0x4  }
0x92: {  	[tilespmem:$0x28A0] =	vst v2  }
0x93: {  	v2 =	vld [tilespmem:s24+$0xFFFFFFC0];
	_ =	sdelay $0x4  }
0x94: {  	[tilespmem:$0x28B0] =	vst v2  }
0x95: {  	v2 =	vld [tilespmem:s24+$0xFFFFFFD0];
	_ =	sdelay $0x4  }
0x96: {  	[tilespmem:$0x28C0] =	vst v2  }
0x97: {  	v2 =	vld [tilespmem:s24+$0xFFFFFFE0];
	_ =	sdelay $0x4  }
0x98: {  	[tilespmem:$0x28D0] =	vst v2  }
0x99: {  	v2 =	vld [tilespmem:s24+$0xFFFFFFF0];
	_ =	sdelay $0x4  }
0x9a: {  	[tilespmem:$0x28E0] =	vst v2  }
0x9b: {  	v2 =	vld [tilespmem:s24+$0x0]  }
.Ltmp1:
0x9c: {  	(pc) =	sbr.rel @p0 .LBB2_4-.Ltmp1, $2  }
0x9d: {  	_ =	sdelay $0x2  }
0x9e: {  	[tilespmem:$0x28F0] =	vst v2  }
0x9f: {  	[spmem:s2] =	stream.indirect.scatter.add.f32 [tilespmem:s16], [sflag:$0x2], $0x10, s17, s14, $0xb8;
	[tilespmem:$0xD100] =	vst v63  }
0xa0: {  	_ =	swait.ge [sflag:s18], $0x800  }
0xa1: {  	[sflag:s18] =	ssyncset.done $0x0  }
0xa2: {  	[sflag:s18] =	ssyncadd.s32 $0xFFFFF800  }
0xa3: {  	_ =	swait.ge [sflag:s19], $0x800  }
0xa4: {  	s22 =	sadd.s32 $0x1, s22;
	[sflag:s19] =	ssyncset.done $0x0  }
0xa5: {  	p0 =	sne.s32 s22, s7;
	[sflag:s19] =	ssyncadd.s32 $0xFFFFF800  }
.Ltmp2:
0xa6: {  	[bflag:$0x0] =	sbarrier.arrive $0xFFFF;
	(pc) =	sbr.rel @p0 .LBB2_1-.Ltmp2, $4  }
0xa7: {  	[hbm:s6], [sflag:s20] =	dma.local [spmem:s21], $0x2800  }
0xa8: {  	_ =	swait.ge [sflag:s12], $0x2800  }
0xa9: {  	[sflag:s12] =	ssyncset.done $0x0  }
0xaa: {  	[sflag:s12] =	ssyncadd.s32 $0xFFFFD800  }
0xab: {  	_ =	sfence.sel $0x180000  }
0xac: {  	[bflag:$0x0] =	sbarrier.arrive $0xFFFF  }
0xad: {  	p0 =	sne.s32 s1, $0x0;
	_ =	strace $0x90000047  }
0xae: {  	s0 =	sadd.s32 @!p0 $0x100000, s0;
	[bflag:$0x2] =	sbarrier.arrive $0xFFFF  }
0xaf: {  	[sflag:s0] =	ssyncadd.tile.s32 @!p0 $0x1;
	_ =	shalt  }
.Lfunc_end2:
_tile_overlayer_lowered:
.L_overlay_start_2:
0xb0: {  	(tag) =	ssettag $0x2  }
0xb1: {  	s0 =	rddreg [dreg:$0x0];
	s2 =	stileid.u32  }
0xb2: {  	s1 =	rddreg [dreg:$0x1];
	p0 =	sne.s32 s2, $0x0  }
0xb3: {  	s3 =	rddreg [dreg:$0x2];
	[bflag:$0x3] =	sbarrier.arrive $0xFFFF;
	s2 =	simm.s32 @!p0 $0x1C03  }
0xb4: {  	[timem:s3], [sflag:s2] =	dma.local @!p0 [hbm:s0], s1  }
0xb5: {  	s0 =	simm.s32 @!p0 $0x3  }
0xb6: {  	_ =	swait.ge @!p0 [sflag:s0], s1  }
0xb7: {  	s1 =	ssub.s32 @!p0 $0x0, s1;
	[sflag:s0] =	ssyncset.done @!p0 $0x0  }
0xb8: {  	[sflag:s0] =	ssyncadd.s32 @!p0 s1  }
0xb9: {  	[bflag:$0x3] =	sbarrier.arrive $0xFFFF  }
0xba: {  	_ =	shalt  }

</sc_bundles>
